<compile_context>
chip_gen: v7x
topology: tpu7x:2x2x1
jax: 0.10.2.dev20260603
libtpu: 0.0.44.dev20260713+nightly
codegen_flags: <defaults>
</compile_context>

<pallas_src>
import functools

import jax
import jax.numpy as jnp
from jax import lax
from jax.experimental import pallas as pl
from jax.experimental.pallas import tpu as pltpu
from jax.experimental.pallas import tpu_sc as plsc

N = 10000
E = 320000
D_X = 128
D_G = 32
IN_DIM = D_X + 3 * D_G
HID = 128
OUT_DIM = 8
MAX_NUM_NODES = 1000
NG = 10
W_A = 128
W_B = 128

NUM_CORES = 2
NUM_SUBCORES = 16
NW = NUM_CORES * NUM_SUBCORES
CHUNK = 128
T_CH = 80
E_PT = T_CH * CHUNK
E_PAD = NW * E_PT
N_TBL = 10240
ROWS_PT = N_TBL // NUM_SUBCORES
DEG_W = 16



@functools.lru_cache(maxsize=None)
def _sc_mesh():
    return plsc.VectorSubcoreMesh(core_axis_name="c", subcore_axis_name="s")


@functools.lru_cache(maxsize=None)
def _sc_agg(width):

    @functools.partial(
        pl.kernel,
        out_type=jax.ShapeDtypeStruct((NUM_CORES, N_TBL, width), jnp.float32),
        mesh=_sc_mesh(),
        scratch_types=[
            pltpu.VMEM((CHUNK,), jnp.int32),
            pltpu.VMEM((CHUNK,), jnp.int32),
            pltpu.VMEM((CHUNK, width), jnp.float32),
            pltpu.VMEM_SHARED((N_TBL, width), jnp.float32),
            pltpu.SemaphoreType.DMA,
        ],
    )
    def agg(t_hbm, src_hbm, dst_hbm, out_hbm, idx_s, idx_d, rows, u_sh, sem):
        c = lax.axis_index("c")
        s = lax.axis_index("s")
        wid = c * NUM_SUBCORES + s

        zero16 = jnp.zeros((16,), jnp.float32)

        def zrow(i, carry):
            for j in range(width // 16):
                rows[i, pl.ds(j * 16, 16)] = zero16
            return carry

        lax.fori_loop(0, CHUNK, zrow, 0)
        for k in range(ROWS_PT // CHUNK):
            pltpu.sync_copy(rows, u_sh.at[pl.ds(s * ROWS_PT + k * CHUNK, CHUNK)])
        plsc.subcore_barrier()

        base = wid * E_PT

        def body(i, carry):
            off = base + i * CHUNK
            pltpu.sync_copy(src_hbm.at[pl.ds(off, CHUNK)], idx_s)
            pltpu.sync_copy(dst_hbm.at[pl.ds(off, CHUNK)], idx_d)
            pltpu.async_copy(t_hbm.at[idx_s], rows, sem).wait()
            pltpu.sync_copy(rows, u_sh.at[idx_d], add=True)
            return carry

        lax.fori_loop(0, T_CH, body, 0)
        plsc.subcore_barrier()

        pltpu.sync_copy(
            u_sh.at[pl.ds(s * ROWS_PT, ROWS_PT)],
            out_hbm.at[c, pl.ds(s * ROWS_PT, ROWS_PT)],
        )

    return agg



_GRID = 10
_BLK = N // _GRID


def _tc_layer0(ua, ub, h, wn, ws, b):
    def body(ua_ref, ub_ref, h_ref, wn_ref, ws_ref, b_ref, h_out):
        d = jnp.maximum(ub_ref[0, :, 96:97] + ub_ref[1, :, 96:97], 1.0)
        ma = (ua_ref[0] + ua_ref[1]) / d
        mb = (ub_ref[0] + ub_ref[1]) / d
        acc = (
            jnp.dot(ma, wn_ref[0:W_A, :], preferred_element_type=jnp.float32)
            + jnp.dot(mb, wn_ref[W_A:W_A + W_B, :], preferred_element_type=jnp.float32)
            + jnp.dot(h_ref[...], ws_ref[...], preferred_element_type=jnp.float32)
            + b_ref[...]
        )
        h_out[...] = jnp.maximum(acc, 0.0)

    return pl.pallas_call(
        body,
        grid=(_GRID,),
        in_specs=[
            pl.BlockSpec((NUM_CORES, _BLK, W_A), lambda i: (0, i, 0)),
            pl.BlockSpec((NUM_CORES, _BLK, W_B), lambda i: (0, i, 0)),
            pl.BlockSpec((_BLK, IN_DIM), lambda i: (i, 0)),
            pl.BlockSpec((W_A + W_B, HID), lambda i: (0, 0)),
            pl.BlockSpec((IN_DIM, HID), lambda i: (0, 0)),
            pl.BlockSpec((1, HID), lambda i: (0, 0)),
        ],
        out_specs=pl.BlockSpec((_BLK, HID), lambda i: (i, 0)),
        out_shape=jax.ShapeDtypeStruct((N, HID), jnp.float32),
    )(ua, ub, h, wn, ws, b)


def _tc_layer(u, dp, h, wn, ws, b):
    def body(u_ref, dp_ref, h_ref, wn_ref, ws_ref, b_ref, h_out):
        d = jnp.maximum(dp_ref[0, :, 96:97] + dp_ref[1, :, 96:97], 1.0)
        m = (u_ref[0] + u_ref[1]) / d
        acc = (
            jnp.dot(m, wn_ref[...], preferred_element_type=jnp.float32)
            + jnp.dot(h_ref[...], ws_ref[...], preferred_element_type=jnp.float32)
            + b_ref[...]
        )
        h_out[...] = jnp.maximum(acc, 0.0)

    return pl.pallas_call(
        body,
        grid=(_GRID,),
        in_specs=[
            pl.BlockSpec((NUM_CORES, _BLK, HID), lambda i: (0, i, 0)),
            pl.BlockSpec((NUM_CORES, _BLK, W_B), lambda i: (0, i, 0)),
            pl.BlockSpec((_BLK, HID), lambda i: (i, 0)),
            pl.BlockSpec((HID, HID), lambda i: (0, 0)),
            pl.BlockSpec((HID, HID), lambda i: (0, 0)),
            pl.BlockSpec((1, HID), lambda i: (0, 0)),
        ],
        out_specs=pl.BlockSpec((_BLK, HID), lambda i: (i, 0)),
        out_shape=jax.ShapeDtypeStruct((N, HID), jnp.float32),
    )(u, dp, h, wn, ws, b)


def _head1(xp, w1, b1, w2, b2):
    def body(x_ref, w1_ref, b1_ref, w2_ref, b2_ref, y_out):
        hh = jnp.maximum(
            jnp.dot(x_ref[...], w1_ref[...], preferred_element_type=jnp.float32)
            + b1_ref[...],
            0.0,
        )
        y_out[...] = (
            jnp.dot(hh, w2_ref[...], preferred_element_type=jnp.float32) + b2_ref[...]
        )

    return pl.pallas_call(
        body,
        out_shape=jax.ShapeDtypeStruct((NG * HID, HID), jnp.float32),
    )(xp, w1, b1, w2, b2)


def _head2(z, gamma, beta, w1, b1, w2, b2):
    def body(z_ref, g_ref, be_ref, w1_ref, b1_ref, w2_ref, b2_ref, out_ref):
        zz = z_ref[...]
        mu = jnp.mean(zz, axis=0, keepdims=True)
        zc = zz - mu
        var = jnp.mean(zc * zc, axis=0, keepdims=True)
        zb = zc / jnp.sqrt(var + 1e-5) * g_ref[...] + be_ref[...]
        zb = jnp.maximum(zb, 0.0)
        a = jnp.maximum(
            jnp.dot(zb, w1_ref[...], preferred_element_type=jnp.float32) + b1_ref[...],
            0.0,
        )
        out_ref[...] = (
            jnp.dot(a, w2_ref[...], preferred_element_type=jnp.float32) + b2_ref[...]
        )

    return pl.pallas_call(
        body,
        out_shape=jax.ShapeDtypeStruct((NG, OUT_DIM), jnp.float32),
    )(z, gamma, beta, w1, b1, w2, b2)



def kernel(x, g0, g1, g2, edge_index, ws0, wn0, b0, ws1, wn1, b1, ws2, wn2, b2,
           ws3, wn3, b3, m1w1, m1b1, m1w2, m1b2, gamma, beta, m2w1, m2b1,
           m2w2, m2b2):
    h0 = jnp.concatenate([x, g0, g1, g2], axis=1)
    src = edge_index[0]
    dst = edge_index[1]
    srcp = jnp.concatenate([src, jnp.zeros((E_PAD - E,), jnp.int32)])
    pad_dst = N + (jnp.arange(E_PAD - E, dtype=jnp.int32) % (N_TBL - N))
    dstp = jnp.concatenate([dst, pad_dst])

    def _agg(tt):
        return _sc_agg(tt.shape[1])(tt, srcp, dstp)

    h0b = jnp.concatenate(
        [h0[:, W_A:], jnp.ones((N, 1), jnp.float32),
         jnp.zeros((N, W_A + W_B - IN_DIM - 1), jnp.float32)], axis=1)
    wn0p = jnp.pad(wn0, ((0, W_A + W_B - IN_DIM), (0, 0)))
    ua = _agg(h0[:, :W_A])
    ub = _agg(h0b)
    h = _tc_layer0(ua, ub, h0, wn0p, ws0, b0.reshape(1, HID))
    for wn, ws, b in ((wn1, ws1, b1), (wn2, ws2, b2), (wn3, ws3, b3)):
        u = _agg(h)
        h = _tc_layer(u, ub, h, wn, ws, b.reshape(1, HID))

    xp = jnp.pad(h.reshape(NG * HID, MAX_NUM_NODES), ((0, 0), (0, 24)))
    w1p = jnp.pad(m1w1, ((0, 24), (0, 0)))
    w2p = jnp.pad(m1w2, ((0, 0), (0, HID - 1)))
    b2b = jnp.broadcast_to(m1b2.reshape(1, 1), (1, HID))
    y = _head1(xp, w1p, m1b1.reshape(1, HID), w2p, b2b)
    z = y[:, 0].reshape(NG, HID)
    return _head2(z, gamma.reshape(1, HID), beta.reshape(1, HID), m2w1,
                  m2b1.reshape(1, HID), m2w2, m2b2.reshape(1, OUT_DIM))

# --- scband reference (transcript-rebuilt; emitter-appended) ---
"""Pipeline reference for scband-graph-sage-11879879540745 (READ-ONLY COPY).

The authoritative reference and input builder live on the scoring server;
editing this copy changes nothing except your own understanding.
"""

import jax, jax.numpy as jnp
import numpy as np

N = 10000
E = 320000
D_X = 128
D_G = 32
IN_DIM = D_X + 3 * D_G
HID = 128
OUT_DIM = 8
MAX_NUM_NODES = 1000


def _sage_conv(h, src, dst, w_self, w_neigh, b):
    msgs = jnp.take(h, src, axis=0)
    agg = jax.ops.segment_sum(msgs, dst, num_segments=N)
    deg = jax.ops.segment_sum(jnp.ones((src.shape[0],), h.dtype), dst, num_segments=N)
    mean = agg / jnp.clip(deg, 1.0, None)[:, None]
    return mean @ w_neigh + h @ w_self + b


def _forward(x, g0, g1, g2, src, dst, ws0, wn0, b0, ws1, wn1, b1, ws2, wn2, b2, ws3, wn3, b3, m1w1, m1b1, m1w2, m1b2, gamma, beta, m2w1, m2b1, m2w2, m2b2):
    h = jnp.concatenate([x, g0, g1, g2], axis=1)
    convs = [(ws0, wn0, b0), (ws1, wn1, b1), (ws2, wn2, b2), (ws3, wn3, b3)]
    for w_self, w_neigh, b in convs:
        h = jax.nn.relu(_sage_conv(h, src, dst, w_self, w_neigh, b))
        # F.dropout: identity in eval mode
    h = h.reshape(-1, HID, MAX_NUM_NODES)
    h = jax.nn.relu(h @ m1w1 + m1b1)
    h = (h @ m1w2 + m1b2).squeeze(2)
    mu = h.mean(axis=0)
    var = h.var(axis=0)
    h = (h - mu) / jnp.sqrt(var + 1e-5) * gamma + beta
    h = jax.nn.relu(h)
    h = jax.nn.relu(h @ m2w1 + m2b1)
    return h @ m2w2 + m2b2


def setup_inputs(seed: int = 0):
    key = jax.random.key(seed)
    ks = jax.random.split(key, 32)
    inp = {}
    inp['x'] = jax.random.normal(ks[0], (N, D_X), jnp.float32)
    inp['g0'] = jax.random.normal(ks[1], (N, D_G), jnp.float32)
    inp['g1'] = jax.random.normal(ks[2], (N, D_G), jnp.float32)
    inp['g2'] = jax.random.normal(ks[3], (N, D_G), jnp.float32)
    inp['edge_index'] = jax.random.randint(ks[4], (2, E), 0, N, dtype=jnp.int32)
    dims = [(IN_DIM, HID), (HID, HID), (HID, HID), (HID, HID)]
    for i in range(4):
        di, do = dims[i]
        inp['ws%d' % i] = jax.random.normal(ks[5 + 2 * i], (di, do), jnp.float32) / np.sqrt(di)
        inp['wn%d' % i] = jax.random.normal(ks[6 + 2 * i], (di, do), jnp.float32) / np.sqrt(di)
        inp['b%d' % i] = jnp.zeros((do,), jnp.float32)
    inp['m1w1'] = jax.random.normal(ks[14], (MAX_NUM_NODES, HID), jnp.float32) / np.sqrt(MAX_NUM_NODES)
    inp['m1b1'] = jnp.zeros((HID,), jnp.float32)
    inp['m1w2'] = jax.random.normal(ks[15], (HID, 1), jnp.float32) / np.sqrt(HID)
    inp['m1b2'] = jnp.zeros((1,), jnp.float32)
    inp['gamma'] = jnp.ones((HID,), jnp.float32)
    inp['beta'] = jnp.zeros((HID,), jnp.float32)
    inp['m2w1'] = jax.random.normal(ks[16], (HID, HID), jnp.float32) / np.sqrt(HID)
    inp['m2b1'] = jnp.zeros((HID,), jnp.float32)
    inp['m2w2'] = jax.random.normal(ks[17], (HID, OUT_DIM), jnp.float32) / np.sqrt(HID)
    inp['m2b2'] = jnp.zeros((OUT_DIM,), jnp.float32)
    return inp


def reference(x, g0, g1, g2, edge_index, ws0, wn0, b0, ws1, wn1, b1, ws2, wn2, b2, ws3, wn3, b3, m1w1, m1b1, m1w2, m1b2, gamma, beta, m2w1, m2b1, m2w2, m2b2):
    src = edge_index[0]
    dst = edge_index[1]
    return _forward(x, g0, g1, g2, src, dst, ws0, wn0, b0, ws1, wn1, b1, ws2, wn2, b2, ws3, wn3, b3, m1w1, m1b1, m1w2, m1b2, gamma, beta, m2w1, m2b1, m2w2, m2b2)

if __name__ == "__main__":
    import jax
    _d = setup_inputs()
    print(jax.jit(kernel)(*tuple(_d.values())))

</pallas_src>

<mosaic_0001>
#map = affine_map<(d0, d1) -> (0, 0)>
#map1 = affine_map<(d0, d1) -> (0)>
#map2 = affine_map<(d0, d1) -> (0, 0, 0)>
module attributes {stable_mosaic.version = 14 : i64} {
  func.func @agg(%arg0: i32, %arg1: i32, %arg2: memref<10000x128xf32, #tpu.memory_space<hbm>>, %arg3: memref<327680xi32, #tpu.memory_space<hbm>>, %arg4: memref<327680xi32, #tpu.memory_space<hbm>>, %arg5: memref<2x10240x128xf32, #tpu.memory_space<hbm>>, %arg6: memref<128xi32, #tpu.memory_space<vmem>>, %arg7: memref<128xi32, #tpu.memory_space<vmem>>, %arg8: memref<128x128xf32, #tpu.memory_space<vmem>>, %arg9: memref<10240x128xf32, #tpu.memory_space<vmem_shared>>, %arg10: memref<!tpu.dma_semaphore, #tpu.memory_space<semaphore_mem>>) attributes {dimension_semantics = [#tpu.dimension_semantics<core_parallel>, #tpu.dimension_semantics<subcore_parallel>], iteration_bounds = array<i64: 2, 16>, scalar_prefetch = 0 : i64, scratch_operands = 5 : i64, tpu.core_type = #tpu.core_type<sc_vector_subcore>, window_params = [{transform_indices = #map}, {transform_indices = #map1}, {transform_indices = #map1}, {transform_indices = #map2}]} {
    %mul3A = arith.constant 16 : i32
    %mul3A_0 = arith.muli %arg0, %mul3A : i32
    %add3A = arith.addi %mul3A_0, %arg1 : i32
    %broadcast_in_dim3A = arith.constant 0.000000e+00 : f32
    %broadcast_in_dim3A_1 = vector.broadcast %broadcast_in_dim3A : f32 to vector<16xf32>
    %scan3A = arith.constant 0 : i32
    %scan3A_2 = arith.constant 0 : i32
    %scan3A_3 = arith.constant 128 : i32
    %scan3A_4 = arith.addi %scan3A_2, %scan3A_3 : i32
    %scan3A_5 = arith.constant 1 : i32
    scf.for %scan3A_40 = %scan3A_2 to %scan3A_4 step %scan3A_5  : i32 {
      %swap3A = arith.index_cast %scan3A_40 : i32 to index
      %swap3A_41 = arith.constant 0 : index
      %swap3A_42 = tpu.vector_load %arg8[%swap3A, %swap3A_41] {strides = array<i32>} : memref<128x128xf32, #tpu.memory_space<vmem>>, vector<1x16xf32>,
      %swap3A_43 = vector.shape_cast %swap3A_42 : vector<1x16xf32> to vector<16xf32>
      %swap3A_44 = vector.shape_cast %broadcast_in_dim3A_1 : vector<16xf32> to vector<1x16xf32>
      tpu.vector_store %arg8[%swap3A, %swap3A_41], %swap3A_44 {strides = array<i32>} : memref<128x128xf32, #tpu.memory_space<vmem>>, vector<1x16xf32>,
      %swap3A_45 = arith.index_cast %scan3A_40 : i32 to index
      %swap3A_46 = arith.constant 16 : index
      %swap3A_47 = tpu.vector_load %arg8[%swap3A_45, %swap3A_46] {strides = array<i32>} : memref<128x128xf32, #tpu.memory_space<vmem>>, vector<1x16xf32>,
      %swap3A_48 = vector.shape_cast %swap3A_47 : vector<1x16xf32> to vector<16xf32>
      %swap3A_49 = vector.shape_cast %broadcast_in_dim3A_1 : vector<16xf32> to vector<1x16xf32>
      tpu.vector_store %arg8[%swap3A_45, %swap3A_46], %swap3A_49 {strides = array<i32>} : memref<128x128xf32, #tpu.memory_space<vmem>>, vector<1x16xf32>,
      %swap3A_50 = arith.index_cast %scan3A_40 : i32 to index
      %swap3A_51 = arith.constant 32 : index
      %swap3A_52 = tpu.vector_load %arg8[%swap3A_50, %swap3A_51] {strides = array<i32>} : memref<128x128xf32, #tpu.memory_space<vmem>>, vector<1x16xf32>,
      %swap3A_53 = vector.shape_cast %swap3A_52 : vector<1x16xf32> to vector<16xf32>
      %swap3A_54 = vector.shape_cast %broadcast_in_dim3A_1 : vector<16xf32> to vector<1x16xf32>
      tpu.vector_store %arg8[%swap3A_50, %swap3A_51], %swap3A_54 {strides = array<i32>} : memref<128x128xf32, #tpu.memory_space<vmem>>, vector<1x16xf32>,
      %swap3A_55 = arith.index_cast %scan3A_40 : i32 to index
      %swap3A_56 = arith.constant 48 : index
      %swap3A_57 = tpu.vector_load %arg8[%swap3A_55, %swap3A_56] {strides = array<i32>} : memref<128x128xf32, #tpu.memory_space<vmem>>, vector<1x16xf32>,
      %swap3A_58 = vector.shape_cast %swap3A_57 : vector<1x16xf32> to vector<16xf32>
      %swap3A_59 = vector.shape_cast %broadcast_in_dim3A_1 : vector<16xf32> to vector<1x16xf32>
      tpu.vector_store %arg8[%swap3A_55, %swap3A_56], %swap3A_59 {strides = array<i32>} : memref<128x128xf32, #tpu.memory_space<vmem>>, vector<1x16xf32>,
      %swap3A_60 = arith.index_cast %scan3A_40 : i32 to index
      %swap3A_61 = arith.constant 64 : index
      %swap3A_62 = tpu.vector_load %arg8[%swap3A_60, %swap3A_61] {strides = array<i32>} : memref<128x128xf32, #tpu.memory_space<vmem>>, vector<1x16xf32>,
      %swap3A_63 = vector.shape_cast %swap3A_62 : vector<1x16xf32> to vector<16xf32>
      %swap3A_64 = vector.shape_cast %broadcast_in_dim3A_1 : vector<16xf32> to vector<1x16xf32>
      tpu.vector_store %arg8[%swap3A_60, %swap3A_61], %swap3A_64 {strides = array<i32>} : memref<128x128xf32, #tpu.memory_space<vmem>>, vector<1x16xf32>,
      %swap3A_65 = arith.index_cast %scan3A_40 : i32 to index
      %swap3A_66 = arith.constant 80 : index
      %swap3A_67 = tpu.vector_load %arg8[%swap3A_65, %swap3A_66] {strides = array<i32>} : memref<128x128xf32, #tpu.memory_space<vmem>>, vector<1x16xf32>,
      %swap3A_68 = vector.shape_cast %swap3A_67 : vector<1x16xf32> to vector<16xf32>
      %swap3A_69 = vector.shape_cast %broadcast_in_dim3A_1 : vector<16xf32> to vector<1x16xf32>
      tpu.vector_store %arg8[%swap3A_65, %swap3A_66], %swap3A_69 {strides = array<i32>} : memref<128x128xf32, #tpu.memory_space<vmem>>, vector<1x16xf32>,
      %swap3A_70 = arith.index_cast %scan3A_40 : i32 to index
      %swap3A_71 = arith.constant 96 : index
      %swap3A_72 = tpu.vector_load %arg8[%swap3A_70, %swap3A_71] {strides = array<i32>} : memref<128x128xf32, #tpu.memory_space<vmem>>, vector<1x16xf32>,
      %swap3A_73 = vector.shape_cast %swap3A_72 : vector<1x16xf32> to vector<16xf32>
      %swap3A_74 = vector.shape_cast %broadcast_in_dim3A_1 : vector<16xf32> to vector<1x16xf32>
      tpu.vector_store %arg8[%swap3A_70, %swap3A_71], %swap3A_74 {strides = array<i32>} : memref<128x128xf32, #tpu.memory_space<vmem>>, vector<1x16xf32>,
      %swap3A_75 = arith.index_cast %scan3A_40 : i32 to index
      %swap3A_76 = arith.constant 112 : index
      %swap3A_77 = tpu.vector_load %arg8[%swap3A_75, %swap3A_76] {strides = array<i32>} : memref<128x128xf32, #tpu.memory_space<vmem>>, vector<1x16xf32>,
      %swap3A_78 = vector.shape_cast %swap3A_77 : vector<1x16xf32> to vector<16xf32>
      %swap3A_79 = vector.shape_cast %broadcast_in_dim3A_1 : vector<16xf32> to vector<1x16xf32>
      tpu.vector_store %arg8[%swap3A_75, %swap3A_76], %swap3A_79 {strides = array<i32>} : memref<128x128xf32, #tpu.memory_space<vmem>>, vector<1x16xf32>,
    }
    %scan3A_6 = arith.constant 128 : i32
    %mul3A_7 = arith.constant 640 : i32
    %mul3A_8 = arith.muli %arg1, %mul3A_7 : i32
    %add3A_9 = arith.constant 0 : i32
    %add3A_10 = arith.addi %mul3A_8, %add3A_9 : i32
    "tpu.region"() ({
      %run_scoped3A = tpu.sem_alloc : memref<!tpu.dma_semaphore, #tpu.memory_space<semaphore_mem>>
      %dma_start3A = arith.constant 0 : i32
      %dma_start3A_40 = tpu.memref_slice %arg9[%add3A_10, %dma_start3A] : memref<10240x128xf32, #tpu.memory_space<vmem_shared>> -> memref<128x128xf32, #tpu.memory_space<vmem_shared>>
      %dma_start3A_41 = arith.constant 0 : i32
      %dma_start3A_42 = tpu.memref_slice %arg9[%add3A_10, %dma_start3A_41] : memref<10240x128xf32, #tpu.memory_space<vmem_shared>> -> memref<128x128xf32, #tpu.memory_space<vmem_shared>>
      tpu.enqueue_dma source(%arg8 : memref<128x128xf32, #tpu.memory_space<vmem>>) target(%dma_start3A_42 : memref<128x128xf32, #tpu.memory_space<vmem_shared>>) target_semaphore(%run_scoped3A : memref<!tpu.dma_semaphore, #tpu.memory_space<semaphore_mem>>)
      %dma_wait3A = arith.constant 0 : i32
      %dma_wait3A_43 = tpu.memref_slice %arg9[%add3A_10, %dma_wait3A] : memref<10240x128xf32, #tpu.memory_space<vmem_shared>> -> memref<128x128xf32, #tpu.memory_space<vmem_shared>>
      %dma_wait3A_44 = arith.constant 0 : i32
      %dma_wait3A_45 = tpu.memref_slice %arg9[%add3A_10, %dma_wait3A_44] : memref<10240x128xf32, #tpu.memory_space<vmem_shared>> -> memref<128x128xf32, #tpu.memory_space<vmem_shared>>
      tpu.wait_dma2 semaphore(%run_scoped3A : memref<!tpu.dma_semaphore, #tpu.memory_space<semaphore_mem>>) src(%arg8 : memref<128x128xf32, #tpu.memory_space<vmem>>) dst(%dma_wait3A_45 : memref<128x128xf32, #tpu.memory_space<vmem_shared>>)
      tpu.yield
    }) : () -> ()
    %mul3A_11 = arith.constant 640 : i32
    %mul3A_12 = arith.muli %arg1, %mul3A_11 : i32
    %add3A_13 = arith.constant 128 : i32
    %add3A_14 = arith.addi %mul3A_12, %add3A_13 : i32
    "tpu.region"() ({
      %run_scoped3A = tpu.sem_alloc : memref<!tpu.dma_semaphore, #tpu.memory_space<semaphore_mem>>
      %dma_start3A = arith.constant 0 : i32
      %dma_start3A_40 = tpu.memref_slice %arg9[%add3A_14, %dma_start3A] : memref<10240x128xf32, #tpu.memory_space<vmem_shared>> -> memref<128x128xf32, #tpu.memory_space<vmem_shared>>
      %dma_start3A_41 = arith.constant 0 : i32
      %dma_start3A_42 = tpu.memref_slice %arg9[%add3A_14, %dma_start3A_41] : memref<10240x128xf32, #tpu.memory_space<vmem_shared>> -> memref<128x128xf32, #tpu.memory_space<vmem_shared>>
      tpu.enqueue_dma source(%arg8 : memref<128x128xf32, #tpu.memory_space<vmem>>) target(%dma_start3A_42 : memref<128x128xf32, #tpu.memory_space<vmem_shared>>) target_semaphore(%run_scoped3A : memref<!tpu.dma_semaphore, #tpu.memory_space<semaphore_mem>>)
      %dma_wait3A = arith.constant 0 : i32
      %dma_wait3A_43 = tpu.memref_slice %arg9[%add3A_14, %dma_wait3A] : memref<10240x128xf32, #tpu.memory_space<vmem_shared>> -> memref<128x128xf32, #tpu.memory_space<vmem_shared>>
      %dma_wait3A_44 = arith.constant 0 : i32
      %dma_wait3A_45 = tpu.memref_slice %arg9[%add3A_14, %dma_wait3A_44] : memref<10240x128xf32, #tpu.memory_space<vmem_shared>> -> memref<128x128xf32, #tpu.memory_space<vmem_shared>>
      tpu.wait_dma2 semaphore(%run_scoped3A : memref<!tpu.dma_semaphore, #tpu.memory_space<semaphore_mem>>) src(%arg8 : memref<128x128xf32, #tpu.memory_space<vmem>>) dst(%dma_wait3A_45 : memref<128x128xf32, #tpu.memory_space<vmem_shared>>)
      tpu.yield
    }) : () -> ()
    %mul3A_15 = arith.constant 640 : i32
    %mul3A_16 = arith.muli %arg1, %mul3A_15 : i32
    %add3A_17 = arith.constant 256 : i32
    %add3A_18 = arith.addi %mul3A_16, %add3A_17 : i32
    "tpu.region"() ({
      %run_scoped3A = tpu.sem_alloc : memref<!tpu.dma_semaphore, #tpu.memory_space<semaphore_mem>>
      %dma_start3A = arith.constant 0 : i32
      %dma_start3A_40 = tpu.memref_slice %arg9[%add3A_18, %dma_start3A] : memref<10240x128xf32, #tpu.memory_space<vmem_shared>> -> memref<128x128xf32, #tpu.memory_space<vmem_shared>>
      %dma_start3A_41 = arith.constant 0 : i32
      %dma_start3A_42 = tpu.memref_slice %arg9[%add3A_18, %dma_start3A_41] : memref<10240x128xf32, #tpu.memory_space<vmem_shared>> -> memref<128x128xf32, #tpu.memory_space<vmem_shared>>
      tpu.enqueue_dma source(%arg8 : memref<128x128xf32, #tpu.memory_space<vmem>>) target(%dma_start3A_42 : memref<128x128xf32, #tpu.memory_space<vmem_shared>>) target_semaphore(%run_scoped3A : memref<!tpu.dma_semaphore, #tpu.memory_space<semaphore_mem>>)
      %dma_wait3A = arith.constant 0 : i32
      %dma_wait3A_43 = tpu.memref_slice %arg9[%add3A_18, %dma_wait3A] : memref<10240x128xf32, #tpu.memory_space<vmem_shared>> -> memref<128x128xf32, #tpu.memory_space<vmem_shared>>
      %dma_wait3A_44 = arith.constant 0 : i32
      %dma_wait3A_45 = tpu.memref_slice %arg9[%add3A_18, %dma_wait3A_44] : memref<10240x128xf32, #tpu.memory_space<vmem_shared>> -> memref<128x128xf32, #tpu.memory_space<vmem_shared>>
      tpu.wait_dma2 semaphore(%run_scoped3A : memref<!tpu.dma_semaphore, #tpu.memory_space<semaphore_mem>>) src(%arg8 : memref<128x128xf32, #tpu.memory_space<vmem>>) dst(%dma_wait3A_45 : memref<128x128xf32, #tpu.memory_space<vmem_shared>>)
      tpu.yield
    }) : () -> ()
    %mul3A_19 = arith.constant 640 : i32
    %mul3A_20 = arith.muli %arg1, %mul3A_19 : i32
    %add3A_21 = arith.constant 384 : i32
    %add3A_22 = arith.addi %mul3A_20, %add3A_21 : i32
    "tpu.region"() ({
      %run_scoped3A = tpu.sem_alloc : memref<!tpu.dma_semaphore, #tpu.memory_space<semaphore_mem>>
      %dma_start3A = arith.constant 0 : i32
      %dma_start3A_40 = tpu.memref_slice %arg9[%add3A_22, %dma_start3A] : memref<10240x128xf32, #tpu.memory_space<vmem_shared>> -> memref<128x128xf32, #tpu.memory_space<vmem_shared>>
      %dma_start3A_41 = arith.constant 0 : i32
      %dma_start3A_42 = tpu.memref_slice %arg9[%add3A_22, %dma_start3A_41] : memref<10240x128xf32, #tpu.memory_space<vmem_shared>> -> memref<128x128xf32, #tpu.memory_space<vmem_shared>>
      tpu.enqueue_dma source(%arg8 : memref<128x128xf32, #tpu.memory_space<vmem>>) target(%dma_start3A_42 : memref<128x128xf32, #tpu.memory_space<vmem_shared>>) target_semaphore(%run_scoped3A : memref<!tpu.dma_semaphore, #tpu.memory_space<semaphore_mem>>)
      %dma_wait3A = arith.constant 0 : i32
      %dma_wait3A_43 = tpu.memref_slice %arg9[%add3A_22, %dma_wait3A] : memref<10240x128xf32, #tpu.memory_space<vmem_shared>> -> memref<128x128xf32, #tpu.memory_space<vmem_shared>>
      %dma_wait3A_44 = arith.constant 0 : i32
      %dma_wait3A_45 = tpu.memref_slice %arg9[%add3A_22, %dma_wait3A_44] : memref<10240x128xf32, #tpu.memory_space<vmem_shared>> -> memref<128x128xf32, #tpu.memory_space<vmem_shared>>
      tpu.wait_dma2 semaphore(%run_scoped3A : memref<!tpu.dma_semaphore, #tpu.memory_space<semaphore_mem>>) src(%arg8 : memref<128x128xf32, #tpu.memory_space<vmem>>) dst(%dma_wait3A_45 : memref<128x128xf32, #tpu.memory_space<vmem_shared>>)
      tpu.yield
    }) : () -> ()
    %mul3A_23 = arith.constant 640 : i32
    %mul3A_24 = arith.muli %arg1, %mul3A_23 : i32
    %add3A_25 = arith.constant 512 : i32
    %add3A_26 = arith.addi %mul3A_24, %add3A_25 : i32
    "tpu.region"() ({
      %run_scoped3A = tpu.sem_alloc : memref<!tpu.dma_semaphore, #tpu.memory_space<semaphore_mem>>
      %dma_start3A = arith.constant 0 : i32
      %dma_start3A_40 = tpu.memref_slice %arg9[%add3A_26, %dma_start3A] : memref<10240x128xf32, #tpu.memory_space<vmem_shared>> -> memref<128x128xf32, #tpu.memory_space<vmem_shared>>
      %dma_start3A_41 = arith.constant 0 : i32
      %dma_start3A_42 = tpu.memref_slice %arg9[%add3A_26, %dma_start3A_41] : memref<10240x128xf32, #tpu.memory_space<vmem_shared>> -> memref<128x128xf32, #tpu.memory_space<vmem_shared>>
      tpu.enqueue_dma source(%arg8 : memref<128x128xf32, #tpu.memory_space<vmem>>) target(%dma_start3A_42 : memref<128x128xf32, #tpu.memory_space<vmem_shared>>) target_semaphore(%run_scoped3A : memref<!tpu.dma_semaphore, #tpu.memory_space<semaphore_mem>>)
      %dma_wait3A = arith.constant 0 : i32
      %dma_wait3A_43 = tpu.memref_slice %arg9[%add3A_26, %dma_wait3A] : memref<10240x128xf32, #tpu.memory_space<vmem_shared>> -> memref<128x128xf32, #tpu.memory_space<vmem_shared>>
      %dma_wait3A_44 = arith.constant 0 : i32
      %dma_wait3A_45 = tpu.memref_slice %arg9[%add3A_26, %dma_wait3A_44] : memref<10240x128xf32, #tpu.memory_space<vmem_shared>> -> memref<128x128xf32, #tpu.memory_space<vmem_shared>>
      tpu.wait_dma2 semaphore(%run_scoped3A : memref<!tpu.dma_semaphore, #tpu.memory_space<semaphore_mem>>) src(%arg8 : memref<128x128xf32, #tpu.memory_space<vmem>>) dst(%dma_wait3A_45 : memref<128x128xf32, #tpu.memory_space<vmem_shared>>)
      tpu.yield
    }) : () -> ()
    %barrier3A = arith.constant 0 : index
    tpu.barrier barrier_id(%barrier3A)
    %mul3A_27 = arith.constant 10240 : i32
    %mul3A_28 = arith.muli %add3A, %mul3A_27 : i32
    %scan3A_29 = arith.constant 0 : i32
    %scan3A_30 = arith.constant 0 : i32
    %scan3A_31 = arith.constant 80 : i32
    %scan3A_32 = arith.addi %scan3A_30, %scan3A_31 : i32
    %scan3A_33 = arith.constant 1 : i32
    scf.for %scan3A_40 = %scan3A_30 to %scan3A_32 step %scan3A_33  : i32 {
      %mul3A_41 = arith.constant 128 : i32
      %mul3A_42 = arith.muli %scan3A_40, %mul3A_41 : i32
      %add3A_43 = arith.addi %mul3A_28, %mul3A_42 : i32
      "tpu.region"() ({
        %run_scoped3A = tpu.sem_alloc : memref<!tpu.dma_semaphore, #tpu.memory_space<semaphore_mem>>
        %dma_start3A_48 = tpu.memref_slice %arg3[%add3A_43] : memref<327680xi32, #tpu.memory_space<hbm>> -> memref<128xi32, #tpu.memory_space<hbm>>
        %dma_start3A_49 = tpu.memref_slice %arg3[%add3A_43] : memref<327680xi32, #tpu.memory_space<hbm>> -> memref<128xi32, #tpu.memory_space<hbm>>
        tpu.enqueue_dma source(%dma_start3A_49 : memref<128xi32, #tpu.memory_space<hbm>>) target(%arg6 : memref<128xi32, #tpu.memory_space<vmem>>) target_semaphore(%run_scoped3A : memref<!tpu.dma_semaphore, #tpu.memory_space<semaphore_mem>>)
        %dma_wait3A_50 = tpu.memref_slice %arg3[%add3A_43] : memref<327680xi32, #tpu.memory_space<hbm>> -> memref<128xi32, #tpu.memory_space<hbm>>
        %dma_wait3A_51 = tpu.memref_slice %arg3[%add3A_43] : memref<327680xi32, #tpu.memory_space<hbm>> -> memref<128xi32, #tpu.memory_space<hbm>>
        tpu.wait_dma2 semaphore(%run_scoped3A : memref<!tpu.dma_semaphore, #tpu.memory_space<semaphore_mem>>) src(%dma_wait3A_51 : memref<128xi32, #tpu.memory_space<hbm>>) dst(%arg6 : memref<128xi32, #tpu.memory_space<vmem>>)
        tpu.yield
      }) : () -> ()
      "tpu.region"() ({
        %run_scoped3A = tpu.sem_alloc : memref<!tpu.dma_semaphore, #tpu.memory_space<semaphore_mem>>
        %dma_start3A_48 = tpu.memref_slice %arg4[%add3A_43] : memref<327680xi32, #tpu.memory_space<hbm>> -> memref<128xi32, #tpu.memory_space<hbm>>
        %dma_start3A_49 = tpu.memref_slice %arg4[%add3A_43] : memref<327680xi32, #tpu.memory_space<hbm>> -> memref<128xi32, #tpu.memory_space<hbm>>
        tpu.enqueue_dma source(%dma_start3A_49 : memref<128xi32, #tpu.memory_space<hbm>>) target(%arg7 : memref<128xi32, #tpu.memory_space<vmem>>) target_semaphore(%run_scoped3A : memref<!tpu.dma_semaphore, #tpu.memory_space<semaphore_mem>>)
        %dma_wait3A_50 = tpu.memref_slice %arg4[%add3A_43] : memref<327680xi32, #tpu.memory_space<hbm>> -> memref<128xi32, #tpu.memory_space<hbm>>
        %dma_wait3A_51 = tpu.memref_slice %arg4[%add3A_43] : memref<327680xi32, #tpu.memory_space<hbm>> -> memref<128xi32, #tpu.memory_space<hbm>>
        tpu.wait_dma2 semaphore(%run_scoped3A : memref<!tpu.dma_semaphore, #tpu.memory_space<semaphore_mem>>) src(%dma_wait3A_51 : memref<128xi32, #tpu.memory_space<hbm>>) dst(%arg7 : memref<128xi32, #tpu.memory_space<vmem>>)
        tpu.yield
      }) : () -> ()
      %dma_start3A = arith.constant 0 : i32
      %dma_start3A_44 = arith.constant 0 : i32
      %dma_start3A_45 = tpu.memref_slice %arg2[%dma_start3A, %dma_start3A_44] : memref<10000x128xf32, #tpu.memory_space<hbm>> -> memref<10000x128xf32, #tpu.memory_space<hbm>>
      tpu.enqueue_indirect_dma source(%dma_start3A_45 : memref<10000x128xf32, #tpu.memory_space<hbm>>) target(%arg8 : memref<128x128xf32, #tpu.memory_space<vmem>>) offsets(%arg6 : memref<128xi32, #tpu.memory_space<vmem>>) semaphore(%arg10 : memref<!tpu.dma_semaphore, #tpu.memory_space<semaphore_mem>>)
      %dma_wait3A = arith.constant 0 : i32
      %dma_wait3A_46 = arith.constant 0 : i32
      %dma_wait3A_47 = tpu.memref_slice %arg2[%dma_wait3A, %dma_wait3A_46] : memref<10000x128xf32, #tpu.memory_space<hbm>> -> memref<10000x128xf32, #tpu.memory_space<hbm>>
      tpu.wait_indirect_dma semaphore(%arg10 : memref<!tpu.dma_semaphore, #tpu.memory_space<semaphore_mem>>) src(%dma_wait3A_47 : memref<10000x128xf32, #tpu.memory_space<hbm>>) dst(%arg8 : memref<128x128xf32, #tpu.memory_space<vmem>>)
      "tpu.region"() ({
        %run_scoped3A = tpu.sem_alloc : memref<!tpu.dma_semaphore, #tpu.memory_space<semaphore_mem>>
        %dma_start3A_48 = arith.constant 0 : i32
        %dma_start3A_49 = arith.constant 0 : i32
        %dma_start3A_50 = tpu.memref_slice %arg9[%dma_start3A_48, %dma_start3A_49] : memref<10240x128xf32, #tpu.memory_space<vmem_shared>> -> memref<10240x128xf32, #tpu.memory_space<vmem_shared>>
        tpu.enqueue_indirect_dma source(%arg8 : memref<128x128xf32, #tpu.memory_space<vmem>>) target(%dma_start3A_50 : memref<10240x128xf32, #tpu.memory_space<vmem_shared>>) offsets(%arg7 : memref<128xi32, #tpu.memory_space<vmem>>) semaphore(%run_scoped3A : memref<!tpu.dma_semaphore, #tpu.memory_space<semaphore_mem>>) {add = true}
        %dma_wait3A_51 = arith.constant 0 : i32
        %dma_wait3A_52 = arith.constant 0 : i32
        %dma_wait3A_53 = tpu.memref_slice %arg9[%dma_wait3A_51, %dma_wait3A_52] : memref<10240x128xf32, #tpu.memory_space<vmem_shared>> -> memref<10240x128xf32, #tpu.memory_space<vmem_shared>>
        tpu.wait_indirect_dma semaphore(%run_scoped3A : memref<!tpu.dma_semaphore, #tpu.memory_space<semaphore_mem>>) src(%arg8 : memref<128x128xf32, #tpu.memory_space<vmem>>) dst(%dma_wait3A_53 : memref<10240x128xf32, #tpu.memory_space<vmem_shared>>)
        tpu.yield
      }) : () -> ()
    }
    %scan3A_34 = arith.constant 80 : i32
    %barrier3A_35 = arith.constant 0 : index
    tpu.barrier barrier_id(%barrier3A_35)
    %mul3A_36 = arith.constant 640 : i32
    %mul3A_37 = arith.muli %arg1, %mul3A_36 : i32
    %mul3A_38 = arith.constant 640 : i32
    %mul3A_39 = arith.muli %arg1, %mul3A_38 : i32
    "tpu.region"() ({
      %run_scoped3A = tpu.sem_alloc : memref<!tpu.dma_semaphore, #tpu.memory_space<semaphore_mem>>
      %dma_start3A = arith.constant 0 : i32
      %dma_start3A_40 = tpu.memref_slice %arg5[%arg0, %mul3A_39, %dma_start3A] : memref<2x10240x128xf32, #tpu.memory_space<hbm>> -> memref<1x640x128xf32, #tpu.memory_space<hbm>>
      %dma_start3A_41 = tpu.memref_squeeze %dma_start3A_40 : memref<1x640x128xf32, #tpu.memory_space<hbm>> -> memref<640x128xf32, #tpu.memory_space<hbm>>
      %dma_start3A_42 = arith.constant 0 : i32
      %dma_start3A_43 = tpu.memref_slice %arg9[%mul3A_37, %dma_start3A_42] : memref<10240x128xf32, #tpu.memory_space<vmem_shared>> -> memref<640x128xf32, #tpu.memory_space<vmem_shared>>
      tpu.enqueue_dma source(%dma_start3A_43 : memref<640x128xf32, #tpu.memory_space<vmem_shared>>) target(%dma_start3A_41 : memref<640x128xf32, #tpu.memory_space<hbm>>) target_semaphore(%run_scoped3A : memref<!tpu.dma_semaphore, #tpu.memory_space<semaphore_mem>>)
      %dma_wait3A = arith.constant 0 : i32
      %dma_wait3A_44 = tpu.memref_slice %arg5[%arg0, %mul3A_39, %dma_wait3A] : memref<2x10240x128xf32, #tpu.memory_space<hbm>> -> memref<1x640x128xf32, #tpu.memory_space<hbm>>
      %dma_wait3A_45 = tpu.memref_squeeze %dma_wait3A_44 : memref<1x640x128xf32, #tpu.memory_space<hbm>> -> memref<640x128xf32, #tpu.memory_space<hbm>>
      %dma_wait3A_46 = arith.constant 0 : i32
      %dma_wait3A_47 = tpu.memref_slice %arg9[%mul3A_37, %dma_wait3A_46] : memref<10240x128xf32, #tpu.memory_space<vmem_shared>> -> memref<640x128xf32, #tpu.memory_space<vmem_shared>>
      tpu.wait_dma2 semaphore(%run_scoped3A : memref<!tpu.dma_semaphore, #tpu.memory_space<semaphore_mem>>) src(%dma_wait3A_47 : memref<640x128xf32, #tpu.memory_space<vmem_shared>>) dst(%dma_wait3A_45 : memref<640x128xf32, #tpu.memory_space<hbm>>)
      tpu.yield
    }) : () -> ()
    return
  }
}

#map = affine_map<(d0, d1) -> (0, 0)>
#map1 = affine_map<(d0, d1) -> (0)>
#map2 = affine_map<(d0, d1) -> (0, 0, 0)>
module attributes {stable_mosaic.version = 14 : i64} {
  func.func @agg(%arg0: i32, %arg1: i32, %arg2: memref<10000x128xf32, #tpu.memory_space<hbm>>, %arg3: memref<327680xi32, #tpu.memory_space<hbm>>, %arg4: memref<327680xi32, #tpu.memory_space<hbm>>, %arg5: memref<2x10240x128xf32, #tpu.memory_space<hbm>>, %arg6: memref<128xi32, #tpu.memory_space<vmem>>, %arg7: memref<128xi32, #tpu.memory_space<vmem>>, %arg8: memref<128x128xf32, #tpu.memory_space<vmem>>, %arg9: memref<10240x128xf32, #tpu.memory_space<vmem_shared>>, %arg10: memref<!tpu.dma_semaphore, #tpu.memory_space<semaphore_mem>>) attributes {dimension_semantics = [#tpu.dimension_semantics<core_parallel>, #tpu.dimension_semantics<subcore_parallel>], iteration_bounds = array<i64: 2, 16>, scalar_prefetch = 0 : i64, scratch_operands = 5 : i64, tpu.core_type = #tpu.core_type<sc_vector_subcore>, window_params = [{transform_indices = #map}, {transform_indices = #map1}, {transform_indices = #map1}, {transform_indices = #map2}]} {
    %mul3A = arith.constant 16 : i32
    %mul3A_0 = arith.muli %arg0, %mul3A : i32
    %add3A = arith.addi %mul3A_0, %arg1 : i32
    %broadcast_in_dim3A = arith.constant 0.000000e+00 : f32
    %broadcast_in_dim3A_1 = vector.broadcast %broadcast_in_dim3A : f32 to vector<16xf32>
    %scan3A = arith.constant 0 : i32
    %scan3A_2 = arith.constant 0 : i32
    %scan3A_3 = arith.constant 128 : i32
    %scan3A_4 = arith.addi %scan3A_2, %scan3A_3 : i32
    %scan3A_5 = arith.constant 1 : i32
    scf.for %scan3A_40 = %scan3A_2 to %scan3A_4 step %scan3A_5  : i32 {
      %swap3A = arith.index_cast %scan3A_40 : i32 to index
      %swap3A_41 = arith.constant 0 : index
      %swap3A_42 = tpu.vector_load %arg8[%swap3A, %swap3A_41] {strides = array<i32>} : memref<128x128xf32, #tpu.memory_space<vmem>>, vector<1x16xf32>,
      %swap3A_43 = vector.shape_cast %swap3A_42 : vector<1x16xf32> to vector<16xf32>
      %swap3A_44 = vector.shape_cast %broadcast_in_dim3A_1 : vector<16xf32> to vector<1x16xf32>
      tpu.vector_store %arg8[%swap3A, %swap3A_41], %swap3A_44 {strides = array<i32>} : memref<128x128xf32, #tpu.memory_space<vmem>>, vector<1x16xf32>,
      %swap3A_45 = arith.index_cast %scan3A_40 : i32 to index
      %swap3A_46 = arith.constant 16 : index
      %swap3A_47 = tpu.vector_load %arg8[%swap3A_45, %swap3A_46] {strides = array<i32>} : memref<128x128xf32, #tpu.memory_space<vmem>>, vector<1x16xf32>,
      %swap3A_48 = vector.shape_cast %swap3A_47 : vector<1x16xf32> to vector<16xf32>
      %swap3A_49 = vector.shape_cast %broadcast_in_dim3A_1 : vector<16xf32> to vector<1x16xf32>
      tpu.vector_store %arg8[%swap3A_45, %swap3A_46], %swap3A_49 {strides = array<i32>} : memref<128x128xf32, #tpu.memory_space<vmem>>, vector<1x16xf32>,
      %swap3A_50 = arith.index_cast %scan3A_40 : i32 to index
      %swap3A_51 = arith.constant 32 : index
      %swap3A_52 = tpu.vector_load %arg8[%swap3A_50, %swap3A_51] {strides = array<i32>} : memref<128x128xf32, #tpu.memory_space<vmem>>, vector<1x16xf32>,
      %swap3A_53 = vector.shape_cast %swap3A_52 : vector<1x16xf32> to vector<16xf32>
      %swap3A_54 = vector.shape_cast %broadcast_in_dim3A_1 : vector<16xf32> to vector<1x16xf32>
      tpu.vector_store %arg8[%swap3A_50, %swap3A_51], %swap3A_54 {strides = array<i32>} : memref<128x128xf32, #tpu.memory_space<vmem>>, vector<1x16xf32>,
      %swap3A_55 = arith.index_cast %scan3A_40 : i32 to index
      %swap3A_56 = arith.constant 48 : index
      %swap3A_57 = tpu.vector_load %arg8[%swap3A_55, %swap3A_56] {strides = array<i32>} : memref<128x128xf32, #tpu.memory_space<vmem>>, vector<1x16xf32>,
      %swap3A_58 = vector.shape_cast %swap3A_57 : vector<1x16xf32> to vector<16xf32>
      %swap3A_59 = vector.shape_cast %broadcast_in_dim3A_1 : vector<16xf32> to vector<1x16xf32>
      tpu.vector_store %arg8[%swap3A_55, %swap3A_56], %swap3A_59 {strides = array<i32>} : memref<128x128xf32, #tpu.memory_space<vmem>>, vector<1x16xf32>,
      %swap3A_60 = arith.index_cast %scan3A_40 : i32 to index
      %swap3A_61 = arith.constant 64 : index
      %swap3A_62 = tpu.vector_load %arg8[%swap3A_60, %swap3A_61] {strides = array<i32>} : memref<128x128xf32, #tpu.memory_space<vmem>>, vector<1x16xf32>,
      %swap3A_63 = vector.shape_cast %swap3A_62 : vector<1x16xf32> to vector<16xf32>
      %swap3A_64 = vector.shape_cast %broadcast_in_dim3A_1 : vector<16xf32> to vector<1x16xf32>
      tpu.vector_store %arg8[%swap3A_60, %swap3A_61], %swap3A_64 {strides = array<i32>} : memref<128x128xf32, #tpu.memory_space<vmem>>, vector<1x16xf32>,
      %swap3A_65 = arith.index_cast %scan3A_40 : i32 to index
      %swap3A_66 = arith.constant 80 : index
      %swap3A_67 = tpu.vector_load %arg8[%swap3A_65, %swap3A_66] {strides = array<i32>} : memref<128x128xf32, #tpu.memory_space<vmem>>, vector<1x16xf32>,
      %swap3A_68 = vector.shape_cast %swap3A_67 : vector<1x16xf32> to vector<16xf32>
      %swap3A_69 = vector.shape_cast %broadcast_in_dim3A_1 : vector<16xf32> to vector<1x16xf32>
      tpu.vector_store %arg8[%swap3A_65, %swap3A_66], %swap3A_69 {strides = array<i32>} : memref<128x128xf32, #tpu.memory_space<vmem>>, vector<1x16xf32>,
      %swap3A_70 = arith.index_cast %scan3A_40 : i32 to index
      %swap3A_71 = arith.constant 96 : index
      %swap3A_72 = tpu.vector_load %arg8[%swap3A_70, %swap3A_71] {strides = array<i32>} : memref<128x128xf32, #tpu.memory_space<vmem>>, vector<1x16xf32>,
      %swap3A_73 = vector.shape_cast %swap3A_72 : vector<1x16xf32> to vector<16xf32>
      %swap3A_74 = vector.shape_cast %broadcast_in_dim3A_1 : vector<16xf32> to vector<1x16xf32>
      tpu.vector_store %arg8[%swap3A_70, %swap3A_71], %swap3A_74 {strides = array<i32>} : memref<128x128xf32, #tpu.memory_space<vmem>>, vector<1x16xf32>,
      %swap3A_75 = arith.index_cast %scan3A_40 : i32 to index
      %swap3A_76 = arith.constant 112 : index
      %swap3A_77 = tpu.vector_load %arg8[%swap3A_75, %swap3A_76] {strides = array<i32>} : memref<128x128xf32, #tpu.memory_space<vmem>>, vector<1x16xf32>,
      %swap3A_78 = vector.shape_cast %swap3A_77 : vector<1x16xf32> to vector<16xf32>
      %swap3A_79 = vector.shape_cast %broadcast_in_dim3A_1 : vector<16xf32> to vector<1x16xf32>
      tpu.vector_store %arg8[%swap3A_75, %swap3A_76], %swap3A_79 {strides = array<i32>} : memref<128x128xf32, #tpu.memory_space<vmem>>, vector<1x16xf32>,
    }
    %scan3A_6 = arith.constant 128 : i32
    %mul3A_7 = arith.constant 640 : i32
    %mul3A_8 = arith.muli %arg1, %mul3A_7 : i32
    %add3A_9 = arith.constant 0 : i32
    %add3A_10 = arith.addi %mul3A_8, %add3A_9 : i32
    "tpu.region"() ({
      %run_scoped3A = tpu.sem_alloc : memref<!tpu.dma_semaphore, #tpu.memory_space<semaphore_mem>>
      %dma_start3A = arith.constant 0 : i32
      %dma_start3A_40 = tpu.memref_slice %arg9[%add3A_10, %dma_start3A] : memref<10240x128xf32, #tpu.memory_space<vmem_shared>> -> memref<128x128xf32, #tpu.memory_space<vmem_shared>>
      %dma_start3A_41 = arith.constant 0 : i32
      %dma_start3A_42 = tpu.memref_slice %arg9[%add3A_10, %dma_start3A_41] : memref<10240x128xf32, #tpu.memory_space<vmem_shared>> -> memref<128x128xf32, #tpu.memory_space<vmem_shared>>
      tpu.enqueue_dma source(%arg8 : memref<128x128xf32, #tpu.memory_space<vmem>>) target(%dma_start3A_42 : memref<128x128xf32, #tpu.memory_space<vmem_shared>>) target_semaphore(%run_scoped3A : memref<!tpu.dma_semaphore, #tpu.memory_space<semaphore_mem>>)
      %dma_wait3A = arith.constant 0 : i32
      %dma_wait3A_43 = tpu.memref_slice %arg9[%add3A_10, %dma_wait3A] : memref<10240x128xf32, #tpu.memory_space<vmem_shared>> -> memref<128x128xf32, #tpu.memory_space<vmem_shared>>
      %dma_wait3A_44 = arith.constant 0 : i32
      %dma_wait3A_45 = tpu.memref_slice %arg9[%add3A_10, %dma_wait3A_44] : memref<10240x128xf32, #tpu.memory_space<vmem_shared>> -> memref<128x128xf32, #tpu.memory_space<vmem_shared>>
      tpu.wait_dma2 semaphore(%run_scoped3A : memref<!tpu.dma_semaphore, #tpu.memory_space<semaphore_mem>>) src(%arg8 : memref<128x128xf32, #tpu.memory_space<vmem>>) dst(%dma_wait3A_45 : memref<128x128xf32, #tpu.memory_space<vmem_shared>>)
      tpu.yield
    }) : () -> ()
    %mul3A_11 = arith.constant 640 : i32
    %mul3A_12 = arith.muli %arg1, %mul3A_11 : i32
    %add3A_13 = arith.constant 128 : i32
    %add3A_14 = arith.addi %mul3A_12, %add3A_13 : i32
    "tpu.region"() ({
      %run_scoped3A = tpu.sem_alloc : memref<!tpu.dma_semaphore, #tpu.memory_space<semaphore_mem>>
      %dma_start3A = arith.constant 0 : i32
      %dma_start3A_40 = tpu.memref_slice %arg9[%add3A_14, %dma_start3A] : memref<10240x128xf32, #tpu.memory_space<vmem_shared>> -> memref<128x128xf32, #tpu.memory_space<vmem_shared>>
      %dma_start3A_41 = arith.constant 0 : i32
      %dma_start3A_42 = tpu.memref_slice %arg9[%add3A_14, %dma_start3A_41] : memref<10240x128xf32, #tpu.memory_space<vmem_shared>> -> memref<128x128xf32, #tpu.memory_space<vmem_shared>>
      tpu.enqueue_dma source(%arg8 : memref<128x128xf32, #tpu.memory_space<vmem>>) target(%dma_start3A_42 : memref<128x128xf32, #tpu.memory_space<vmem_shared>>) target_semaphore(%run_scoped3A : memref<!tpu.dma_semaphore, #tpu.memory_space<semaphore_mem>>)
      %dma_wait3A = arith.constant 0 : i32
      %dma_wait3A_43 = tpu.memref_slice %arg9[%add3A_14, %dma_wait3A] : memref<10240x128xf32, #tpu.memory_space<vmem_shared>> -> memref<128x128xf32, #tpu.memory_space<vmem_shared>>
      %dma_wait3A_44 = arith.constant 0 : i32
      %dma_wait3A_45 = tpu.memref_slice %arg9[%add3A_14, %dma_wait3A_44] : memref<10240x128xf32, #tpu.memory_space<vmem_shared>> -> memref<128x128xf32, #tpu.memory_space<vmem_shared>>
      tpu.wait_dma2 semaphore(%run_scoped3A : memref<!tpu.dma_semaphore, #tpu.memory_space<semaphore_mem>>) src(%arg8 : memref<128x128xf32, #tpu.memory_space<vmem>>) dst(%dma_wait3A_45 : memref<128x128xf32, #tpu.memory_space<vmem_shared>>)
      tpu.yield
    }) : () -> ()
    %mul3A_15 = arith.constant 640 : i32
    %mul3A_16 = arith.muli %arg1, %mul3A_15 : i32
    %add3A_17 = arith.constant 256 : i32
    %add3A_18 = arith.addi %mul3A_16, %add3A_17 : i32
    "tpu.region"() ({
      %run_scoped3A = tpu.sem_alloc : memref<!tpu.dma_semaphore, #tpu.memory_space<semaphore_mem>>
      %dma_start3A = arith.constant 0 : i32
      %dma_start3A_40 = tpu.memref_slice %arg9[%add3A_18, %dma_start3A] : memref<10240x128xf32, #tpu.memory_space<vmem_shared>> -> memref<128x128xf32, #tpu.memory_space<vmem_shared>>
      %dma_start3A_41 = arith.constant 0 : i32
      %dma_start3A_42 = tpu.memref_slice %arg9[%add3A_18, %dma_start3A_41] : memref<10240x128xf32, #tpu.memory_space<vmem_shared>> -> memref<128x128xf32, #tpu.memory_space<vmem_shared>>
      tpu.enqueue_dma source(%arg8 : memref<128x128xf32, #tpu.memory_space<vmem>>) target(%dma_start3A_42 : memref<128x128xf32, #tpu.memory_space<vmem_shared>>) target_semaphore(%run_scoped3A : memref<!tpu.dma_semaphore, #tpu.memory_space<semaphore_mem>>)
      %dma_wait3A = arith.constant 0 : i32
      %dma_wait3A_43 = tpu.memref_slice %arg9[%add3A_18, %dma_wait3A] : memref<10240x128xf32, #tpu.memory_space<vmem_shared>> -> memref<128x128xf32, #tpu.memory_space<vmem_shared>>
      %dma_wait3A_44 = arith.constant 0 : i32
      %dma_wait3A_45 = tpu.memref_slice %arg9[%add3A_18, %dma_wait3A_44] : memref<10240x128xf32, #tpu.memory_space<vmem_shared>> -> memref<128x128xf32, #tpu.memory_space<vmem_shared>>
      tpu.wait_dma2 semaphore(%run_scoped3A : memref<!tpu.dma_semaphore, #tpu.memory_space<semaphore_mem>>) src(%arg8 : memref<128x128xf32, #tpu.memory_space<vmem>>) dst(%dma_wait3A_45 : memref<128x128xf32, #tpu.memory_space<vmem_shared>>)
      tpu.yield
    }) : () -> ()
    %mul3A_19 = arith.constant 640 : i32
    %mul3A_20 = arith.muli %arg1, %mul3A_19 : i32
    %add3A_21 = arith.constant 384 : i32
    %add3A_22 = arith.addi %mul3A_20, %add3A_21 : i32
    "tpu.region"() ({
      %run_scoped3A = tpu.sem_alloc : memref<!tpu.dma_semaphore, #tpu.memory_space<semaphore_mem>>
      %dma_start3A = arith.constant 0 : i32
      %dma_start3A_40 = tpu.memref_slice %arg9[%add3A_22, %dma_start3A] : memref<10240x128xf32, #tpu.memory_space<vmem_shared>> -> memref<128x128xf32, #tpu.memory_space<vmem_shared>>
      %dma_start3A_41 = arith.constant 0 : i32
      %dma_start3A_42 = tpu.memref_slice %arg9[%add3A_22, %dma_start3A_41] : memref<10240x128xf32, #tpu.memory_space<vmem_shared>> -> memref<128x128xf32, #tpu.memory_space<vmem_shared>>
      tpu.enqueue_dma source(%arg8 : memref<128x128xf32, #tpu.memory_space<vmem>>) target(%dma_start3A_42 : memref<128x128xf32, #tpu.memory_space<vmem_shared>>) target_semaphore(%run_scoped3A : memref<!tpu.dma_semaphore, #tpu.memory_space<semaphore_mem>>)
      %dma_wait3A = arith.constant 0 : i32
      %dma_wait3A_43 = tpu.memref_slice %arg9[%add3A_22, %dma_wait3A] : memref<10240x128xf32, #tpu.memory_space<vmem_shared>> -> memref<128x128xf32, #tpu.memory_space<vmem_shared>>
      %dma_wait3A_44 = arith.constant 0 : i32
      %dma_wait3A_45 = tpu.memref_slice %arg9[%add3A_22, %dma_wait3A_44] : memref<10240x128xf32, #tpu.memory_space<vmem_shared>> -> memref<128x128xf32, #tpu.memory_space<vmem_shared>>
      tpu.wait_dma2 semaphore(%run_scoped3A : memref<!tpu.dma_semaphore, #tpu.memory_space<semaphore_mem>>) src(%arg8 : memref<128x128xf32, #tpu.memory_space<vmem>>) dst(%dma_wait3A_45 : memref<128x128xf32, #tpu.memory_space<vmem_shared>>)
      tpu.yield
    }) : () -> ()
    %mul3A_23 = arith.constant 640 : i32
    %mul3A_24 = arith.muli %arg1, %mul3A_23 : i32
    %add3A_25 = arith.constant 512 : i32
    %add3A_26 = arith.addi %mul3A_24, %add3A_25 : i32
    "tpu.region"() ({
      %run_scoped3A = tpu.sem_alloc : memref<!tpu.dma_semaphore, #tpu.memory_space<semaphore_mem>>
      %dma_start3A = arith.constant 0 : i32
      %dma_start3A_40 = tpu.memref_slice %arg9[%add3A_26, %dma_start3A] : memref<10240x128xf32, #tpu.memory_space<vmem_shared>> -> memref<128x128xf32, #tpu.memory_space<vmem_shared>>
      %dma_start3A_41 = arith.constant 0 : i32
      %dma_start3A_42 = tpu.memref_slice %arg9[%add3A_26, %dma_start3A_41] : memref<10240x128xf32, #tpu.memory_space<vmem_shared>> -> memref<128x128xf32, #tpu.memory_space<vmem_shared>>
      tpu.enqueue_dma source(%arg8 : memref<128x128xf32, #tpu.memory_space<vmem>>) target(%dma_start3A_42 : memref<128x128xf32, #tpu.memory_space<vmem_shared>>) target_semaphore(%run_scoped3A : memref<!tpu.dma_semaphore, #tpu.memory_space<semaphore_mem>>)
      %dma_wait3A = arith.constant 0 : i32
      %dma_wait3A_43 = tpu.memref_slice %arg9[%add3A_26, %dma_wait3A] : memref<10240x128xf32, #tpu.memory_space<vmem_shared>> -> memref<128x128xf32, #tpu.memory_space<vmem_shared>>
      %dma_wait3A_44 = arith.constant 0 : i32
      %dma_wait3A_45 = tpu.memref_slice %arg9[%add3A_26, %dma_wait3A_44] : memref<10240x128xf32, #tpu.memory_space<vmem_shared>> -> memref<128x128xf32, #tpu.memory_space<vmem_shared>>
      tpu.wait_dma2 semaphore(%run_scoped3A : memref<!tpu.dma_semaphore, #tpu.memory_space<semaphore_mem>>) src(%arg8 : memref<128x128xf32, #tpu.memory_space<vmem>>) dst(%dma_wait3A_45 : memref<128x128xf32, #tpu.memory_space<vmem_shared>>)
      tpu.yield
    }) : () -> ()
    %barrier3A = arith.constant 0 : index
    tpu.barrier barrier_id(%barrier3A)
    %mul3A_27 = arith.constant 10240 : i32
    %mul3A_28 = arith.muli %add3A, %mul3A_27 : i32
    %scan3A_29 = arith.constant 0 : i32
    %scan3A_30 = arith.constant 0 : i32
    %scan3A_31 = arith.constant 80 : i32
    %scan3A_32 = arith.addi %scan3A_30, %scan3A_31 : i32
    %scan3A_33 = arith.constant 1 : i32
    scf.for %scan3A_40 = %scan3A_30 to %scan3A_32 step %scan3A_33  : i32 {
      %mul3A_41 = arith.constant 128 : i32
      %mul3A_42 = arith.muli %scan3A_40, %mul3A_41 : i32
      %add3A_43 = arith.addi %mul3A_28, %mul3A_42 : i32
      "tpu.region"() ({
        %run_scoped3A = tpu.sem_alloc : memref<!tpu.dma_semaphore, #tpu.memory_space<semaphore_mem>>
        %dma_start3A_48 = tpu.memref_slice %arg3[%add3A_43] : memref<327680xi32, #tpu.memory_space<hbm>> -> memref<128xi32, #tpu.memory_space<hbm>>
        %dma_start3A_49 = tpu.memref_slice %arg3[%add3A_43] : memref<327680xi32, #tpu.memory_space<hbm>> -> memref<128xi32, #tpu.memory_space<hbm>>
        tpu.enqueue_dma source(%dma_start3A_49 : memref<128xi32, #tpu.memory_space<hbm>>) target(%arg6 : memref<128xi32, #tpu.memory_space<vmem>>) target_semaphore(%run_scoped3A : memref<!tpu.dma_semaphore, #tpu.memory_space<semaphore_mem>>)
        %dma_wait3A_50 = tpu.memref_slice %arg3[%add3A_43] : memref<327680xi32, #tpu.memory_space<hbm>> -> memref<128xi32, #tpu.memory_space<hbm>>
        %dma_wait3A_51 = tpu.memref_slice %arg3[%add3A_43] : memref<327680xi32, #tpu.memory_space<hbm>> -> memref<128xi32, #tpu.memory_space<hbm>>
        tpu.wait_dma2 semaphore(%run_scoped3A : memref<!tpu.dma_semaphore, #tpu.memory_space<semaphore_mem>>) src(%dma_wait3A_51 : memref<128xi32, #tpu.memory_space<hbm>>) dst(%arg6 : memref<128xi32, #tpu.memory_space<vmem>>)
        tpu.yield
      }) : () -> ()
      "tpu.region"() ({
        %run_scoped3A = tpu.sem_alloc : memref<!tpu.dma_semaphore, #tpu.memory_space<semaphore_mem>>
        %dma_start3A_48 = tpu.memref_slice %arg4[%add3A_43] : memref<327680xi32, #tpu.memory_space<hbm>> -> memref<128xi32, #tpu.memory_space<hbm>>
        %dma_start3A_49 = tpu.memref_slice %arg4[%add3A_43] : memref<327680xi32, #tpu.memory_space<hbm>> -> memref<128xi32, #tpu.memory_space<hbm>>
        tpu.enqueue_dma source(%dma_start3A_49 : memref<128xi32, #tpu.memory_space<hbm>>) target(%arg7 : memref<128xi32, #tpu.memory_space<vmem>>) target_semaphore(%run_scoped3A : memref<!tpu.dma_semaphore, #tpu.memory_space<semaphore_mem>>)
        %dma_wait3A_50 = tpu.memref_slice %arg4[%add3A_43] : memref<327680xi32, #tpu.memory_space<hbm>> -> memref<128xi32, #tpu.memory_space<hbm>>
        %dma_wait3A_51 = tpu.memref_slice %arg4[%add3A_43] : memref<327680xi32, #tpu.memory_space<hbm>> -> memref<128xi32, #tpu.memory_space<hbm>>
        tpu.wait_dma2 semaphore(%run_scoped3A : memref<!tpu.dma_semaphore, #tpu.memory_space<semaphore_mem>>) src(%dma_wait3A_51 : memref<128xi32, #tpu.memory_space<hbm>>) dst(%arg7 : memref<128xi32, #tpu.memory_space<vmem>>)
        tpu.yield
      }) : () -> ()
      %dma_start3A = arith.constant 0 : i32
      %dma_start3A_44 = arith.constant 0 : i32
      %dma_start3A_45 = tpu.memref_slice %arg2[%dma_start3A, %dma_start3A_44] : memref<10000x128xf32, #tpu.memory_space<hbm>> -> memref<10000x128xf32, #tpu.memory_space<hbm>>
      tpu.enqueue_indirect_dma source(%dma_start3A_45 : memref<10000x128xf32, #tpu.memory_space<hbm>>) target(%arg8 : memref<128x128xf32, #tpu.memory_space<vmem>>) offsets(%arg6 : memref<128xi32, #tpu.memory_space<vmem>>) semaphore(%arg10 : memref<!tpu.dma_semaphore, #tpu.memory_space<semaphore_mem>>)
      %dma_wait3A = arith.constant 0 : i32
      %dma_wait3A_46 = arith.constant 0 : i32
      %dma_wait3A_47 = tpu.memref_slice %arg2[%dma_wait3A, %dma_wait3A_46] : memref<10000x128xf32, #tpu.memory_space<hbm>> -> memref<10000x128xf32, #tpu.memory_space<hbm>>
      tpu.wait_indirect_dma semaphore(%arg10 : memref<!tpu.dma_semaphore, #tpu.memory_space<semaphore_mem>>) src(%dma_wait3A_47 : memref<10000x128xf32, #tpu.memory_space<hbm>>) dst(%arg8 : memref<128x128xf32, #tpu.memory_space<vmem>>)
      "tpu.region"() ({
        %run_scoped3A = tpu.sem_alloc : memref<!tpu.dma_semaphore, #tpu.memory_space<semaphore_mem>>
        %dma_start3A_48 = arith.constant 0 : i32
        %dma_start3A_49 = arith.constant 0 : i32
        %dma_start3A_50 = tpu.memref_slice %arg9[%dma_start3A_48, %dma_start3A_49] : memref<10240x128xf32, #tpu.memory_space<vmem_shared>> -> memref<10240x128xf32, #tpu.memory_space<vmem_shared>>
        tpu.enqueue_indirect_dma source(%arg8 : memref<128x128xf32, #tpu.memory_space<vmem>>) target(%dma_start3A_50 : memref<10240x128xf32, #tpu.memory_space<vmem_shared>>) offsets(%arg7 : memref<128xi32, #tpu.memory_space<vmem>>) semaphore(%run_scoped3A : memref<!tpu.dma_semaphore, #tpu.memory_space<semaphore_mem>>) {add = true}
        %dma_wait3A_51 = arith.constant 0 : i32
        %dma_wait3A_52 = arith.constant 0 : i32
        %dma_wait3A_53 = tpu.memref_slice %arg9[%dma_wait3A_51, %dma_wait3A_52] : memref<10240x128xf32, #tpu.memory_space<vmem_shared>> -> memref<10240x128xf32, #tpu.memory_space<vmem_shared>>
        tpu.wait_indirect_dma semaphore(%run_scoped3A : memref<!tpu.dma_semaphore, #tpu.memory_space<semaphore_mem>>) src(%arg8 : memref<128x128xf32, #tpu.memory_space<vmem>>) dst(%dma_wait3A_53 : memref<10240x128xf32, #tpu.memory_space<vmem_shared>>)
        tpu.yield
      }) : () -> ()
    }
    %scan3A_34 = arith.constant 80 : i32
    %barrier3A_35 = arith.constant 0 : index
    tpu.barrier barrier_id(%barrier3A_35)
    %mul3A_36 = arith.constant 640 : i32
    %mul3A_37 = arith.muli %arg1, %mul3A_36 : i32
    %mul3A_38 = arith.constant 640 : i32
    %mul3A_39 = arith.muli %arg1, %mul3A_38 : i32
    "tpu.region"() ({
      %run_scoped3A = tpu.sem_alloc : memref<!tpu.dma_semaphore, #tpu.memory_space<semaphore_mem>>
      %dma_start3A = arith.constant 0 : i32
      %dma_start3A_40 = tpu.memref_slice %arg5[%arg0, %mul3A_39, %dma_start3A] : memref<2x10240x128xf32, #tpu.memory_space<hbm>> -> memref<1x640x128xf32, #tpu.memory_space<hbm>>
      %dma_start3A_41 = tpu.memref_squeeze %dma_start3A_40 : memref<1x640x128xf32, #tpu.memory_space<hbm>> -> memref<640x128xf32, #tpu.memory_space<hbm>>
      %dma_start3A_42 = arith.constant 0 : i32
      %dma_start3A_43 = tpu.memref_slice %arg9[%mul3A_37, %dma_start3A_42] : memref<10240x128xf32, #tpu.memory_space<vmem_shared>> -> memref<640x128xf32, #tpu.memory_space<vmem_shared>>
      tpu.enqueue_dma source(%dma_start3A_43 : memref<640x128xf32, #tpu.memory_space<vmem_shared>>) target(%dma_start3A_41 : memref<640x128xf32, #tpu.memory_space<hbm>>) target_semaphore(%run_scoped3A : memref<!tpu.dma_semaphore, #tpu.memory_space<semaphore_mem>>)
      %dma_wait3A = arith.constant 0 : i32
      %dma_wait3A_44 = tpu.memref_slice %arg5[%arg0, %mul3A_39, %dma_wait3A] : memref<2x10240x128xf32, #tpu.memory_space<hbm>> -> memref<1x640x128xf32, #tpu.memory_space<hbm>>
      %dma_wait3A_45 = tpu.memref_squeeze %dma_wait3A_44 : memref<1x640x128xf32, #tpu.memory_space<hbm>> -> memref<640x128xf32, #tpu.memory_space<hbm>>
      %dma_wait3A_46 = arith.constant 0 : i32
      %dma_wait3A_47 = tpu.memref_slice %arg9[%mul3A_37, %dma_wait3A_46] : memref<10240x128xf32, #tpu.memory_space<vmem_shared>> -> memref<640x128xf32, #tpu.memory_space<vmem_shared>>
      tpu.wait_dma2 semaphore(%run_scoped3A : memref<!tpu.dma_semaphore, #tpu.memory_space<semaphore_mem>>) src(%dma_wait3A_47 : memref<640x128xf32, #tpu.memory_space<vmem_shared>>) dst(%dma_wait3A_45 : memref<640x128xf32, #tpu.memory_space<hbm>>)
      tpu.yield
    }) : () -> ()
    return
  }
}

#map = affine_map<(d0, d1) -> (0, 0)>
#map1 = affine_map<(d0, d1) -> (0)>
#map2 = affine_map<(d0, d1) -> (0, 0, 0)>
module attributes {stable_mosaic.version = 14 : i64} {
  func.func @agg(%arg0: i32, %arg1: i32, %arg2: memref<10000x128xf32, #tpu.memory_space<hbm>>, %arg3: memref<327680xi32, #tpu.memory_space<hbm>>, %arg4: memref<327680xi32, #tpu.memory_space<hbm>>, %arg5: memref<2x10240x128xf32, #tpu.memory_space<hbm>>, %arg6: memref<128xi32, #tpu.memory_space<vmem>>, %arg7: memref<128xi32, #tpu.memory_space<vmem>>, %arg8: memref<128x128xf32, #tpu.memory_space<vmem>>, %arg9: memref<10240x128xf32, #tpu.memory_space<vmem_shared>>, %arg10: memref<!tpu.dma_semaphore, #tpu.memory_space<semaphore_mem>>) attributes {dimension_semantics = [#tpu.dimension_semantics<core_parallel>, #tpu.dimension_semantics<subcore_parallel>], iteration_bounds = array<i64: 2, 16>, scalar_prefetch = 0 : i64, scratch_operands = 5 : i64, tpu.core_type = #tpu.core_type<sc_vector_subcore>, window_params = [{transform_indices = #map}, {transform_indices = #map1}, {transform_indices = #map1}, {transform_indices = #map2}]} {
    %mul3A = arith.constant 16 : i32
    %mul3A_0 = arith.muli %arg0, %mul3A : i32
    %add3A = arith.addi %mul3A_0, %arg1 : i32
    %broadcast_in_dim3A = arith.constant 0.000000e+00 : f32
    %broadcast_in_dim3A_1 = vector.broadcast %broadcast_in_dim3A : f32 to vector<16xf32>
    %scan3A = arith.constant 0 : i32
    %scan3A_2 = arith.constant 0 : i32
    %scan3A_3 = arith.constant 128 : i32
    %scan3A_4 = arith.addi %scan3A_2, %scan3A_3 : i32
    %scan3A_5 = arith.constant 1 : i32
    scf.for %scan3A_40 = %scan3A_2 to %scan3A_4 step %scan3A_5  : i32 {
      %swap3A = arith.index_cast %scan3A_40 : i32 to index
      %swap3A_41 = arith.constant 0 : index
      %swap3A_42 = tpu.vector_load %arg8[%swap3A, %swap3A_41] {strides = array<i32>} : memref<128x128xf32, #tpu.memory_space<vmem>>, vector<1x16xf32>,
      %swap3A_43 = vector.shape_cast %swap3A_42 : vector<1x16xf32> to vector<16xf32>
      %swap3A_44 = vector.shape_cast %broadcast_in_dim3A_1 : vector<16xf32> to vector<1x16xf32>
      tpu.vector_store %arg8[%swap3A, %swap3A_41], %swap3A_44 {strides = array<i32>} : memref<128x128xf32, #tpu.memory_space<vmem>>, vector<1x16xf32>,
      %swap3A_45 = arith.index_cast %scan3A_40 : i32 to index
      %swap3A_46 = arith.constant 16 : index
      %swap3A_47 = tpu.vector_load %arg8[%swap3A_45, %swap3A_46] {strides = array<i32>} : memref<128x128xf32, #tpu.memory_space<vmem>>, vector<1x16xf32>,
      %swap3A_48 = vector.shape_cast %swap3A_47 : vector<1x16xf32> to vector<16xf32>
      %swap3A_49 = vector.shape_cast %broadcast_in_dim3A_1 : vector<16xf32> to vector<1x16xf32>
      tpu.vector_store %arg8[%swap3A_45, %swap3A_46], %swap3A_49 {strides = array<i32>} : memref<128x128xf32, #tpu.memory_space<vmem>>, vector<1x16xf32>,
      %swap3A_50 = arith.index_cast %scan3A_40 : i32 to index
      %swap3A_51 = arith.constant 32 : index
      %swap3A_52 = tpu.vector_load %arg8[%swap3A_50, %swap3A_51] {strides = array<i32>} : memref<128x128xf32, #tpu.memory_space<vmem>>, vector<1x16xf32>,
      %swap3A_53 = vector.shape_cast %swap3A_52 : vector<1x16xf32> to vector<16xf32>
      %swap3A_54 = vector.shape_cast %broadcast_in_dim3A_1 : vector<16xf32> to vector<1x16xf32>
      tpu.vector_store %arg8[%swap3A_50, %swap3A_51], %swap3A_54 {strides = array<i32>} : memref<128x128xf32, #tpu.memory_space<vmem>>, vector<1x16xf32>,
      %swap3A_55 = arith.index_cast %scan3A_40 : i32 to index
      %swap3A_56 = arith.constant 48 : index
      %swap3A_57 = tpu.vector_load %arg8[%swap3A_55, %swap3A_56] {strides = array<i32>} : memref<128x128xf32, #tpu.memory_space<vmem>>, vector<1x16xf32>,
      %swap3A_58 = vector.shape_cast %swap3A_57 : vector<1x16xf32> to vector<16xf32>
      %swap3A_59 = vector.shape_cast %broadcast_in_dim3A_1 : vector<16xf32> to vector<1x16xf32>
      tpu.vector_store %arg8[%swap3A_55, %swap3A_56], %swap3A_59 {strides = array<i32>} : memref<128x128xf32, #tpu.memory_space<vmem>>, vector<1x16xf32>,
      %swap3A_60 = arith.index_cast %scan3A_40 : i32 to index
      %swap3A_61 = arith.constant 64 : index
      %swap3A_62 = tpu.vector_load %arg8[%swap3A_60, %swap3A_61] {strides = array<i32>} : memref<128x128xf32, #tpu.memory_space<vmem>>, vector<1x16xf32>,
      %swap3A_63 = vector.shape_cast %swap3A_62 : vector<1x16xf32> to vector<16xf32>
      %swap3A_64 = vector.shape_cast %broadcast_in_dim3A_1 : vector<16xf32> to vector<1x16xf32>
      tpu.vector_store %arg8[%swap3A_60, %swap3A_61], %swap3A_64 {strides = array<i32>} : memref<128x128xf32, #tpu.memory_space<vmem>>, vector<1x16xf32>,
      %swap3A_65 = arith.index_cast %scan3A_40 : i32 to index
      %swap3A_66 = arith.constant 80 : index
      %swap3A_67 = tpu.vector_load %arg8[%swap3A_65, %swap3A_66] {strides = array<i32>} : memref<128x128xf32, #tpu.memory_space<vmem>>, vector<1x16xf32>,
      %swap3A_68 = vector.shape_cast %swap3A_67 : vector<1x16xf32> to vector<16xf32>
      %swap3A_69 = vector.shape_cast %broadcast_in_dim3A_1 : vector<16xf32> to vector<1x16xf32>
      tpu.vector_store %arg8[%swap3A_65, %swap3A_66], %swap3A_69 {strides = array<i32>} : memref<128x128xf32, #tpu.memory_space<vmem>>, vector<1x16xf32>,
      %swap3A_70 = arith.index_cast %scan3A_40 : i32 to index
      %swap3A_71 = arith.constant 96 : index
      %swap3A_72 = tpu.vector_load %arg8[%swap3A_70, %swap3A_71] {strides = array<i32>} : memref<128x128xf32, #tpu.memory_space<vmem>>, vector<1x16xf32>,
      %swap3A_73 = vector.shape_cast %swap3A_72 : vector<1x16xf32> to vector<16xf32>
      %swap3A_74 = vector.shape_cast %broadcast_in_dim3A_1 : vector<16xf32> to vector<1x16xf32>
      tpu.vector_store %arg8[%swap3A_70, %swap3A_71], %swap3A_74 {strides = array<i32>} : memref<128x128xf32, #tpu.memory_space<vmem>>, vector<1x16xf32>,
      %swap3A_75 = arith.index_cast %scan3A_40 : i32 to index
      %swap3A_76 = arith.constant 112 : index
      %swap3A_77 = tpu.vector_load %arg8[%swap3A_75, %swap3A_76] {strides = array<i32>} : memref<128x128xf32, #tpu.memory_space<vmem>>, vector<1x16xf32>,
      %swap3A_78 = vector.shape_cast %swap3A_77 : vector<1x16xf32> to vector<16xf32>
      %swap3A_79 = vector.shape_cast %broadcast_in_dim3A_1 : vector<16xf32> to vector<1x16xf32>
      tpu.vector_store %arg8[%swap3A_75, %swap3A_76], %swap3A_79 {strides = array<i32>} : memref<128x128xf32, #tpu.memory_space<vmem>>, vector<1x16xf32>,
    }
    %scan3A_6 = arith.constant 128 : i32
    %mul3A_7 = arith.constant 640 : i32
    %mul3A_8 = arith.muli %arg1, %mul3A_7 : i32
    %add3A_9 = arith.constant 0 : i32
    %add3A_10 = arith.addi %mul3A_8, %add3A_9 : i32
    "tpu.region"() ({
      %run_scoped3A = tpu.sem_alloc : memref<!tpu.dma_semaphore, #tpu.memory_space<semaphore_mem>>
      %dma_start3A = arith.constant 0 : i32
      %dma_start3A_40 = tpu.memref_slice %arg9[%add3A_10, %dma_start3A] : memref<10240x128xf32, #tpu.memory_space<vmem_shared>> -> memref<128x128xf32, #tpu.memory_space<vmem_shared>>
      %dma_start3A_41 = arith.constant 0 : i32
      %dma_start3A_42 = tpu.memref_slice %arg9[%add3A_10, %dma_start3A_41] : memref<10240x128xf32, #tpu.memory_space<vmem_shared>> -> memref<128x128xf32, #tpu.memory_space<vmem_shared>>
      tpu.enqueue_dma source(%arg8 : memref<128x128xf32, #tpu.memory_space<vmem>>) target(%dma_start3A_42 : memref<128x128xf32, #tpu.memory_space<vmem_shared>>) target_semaphore(%run_scoped3A : memref<!tpu.dma_semaphore, #tpu.memory_space<semaphore_mem>>)
      %dma_wait3A = arith.constant 0 : i32
      %dma_wait3A_43 = tpu.memref_slice %arg9[%add3A_10, %dma_wait3A] : memref<10240x128xf32, #tpu.memory_space<vmem_shared>> -> memref<128x128xf32, #tpu.memory_space<vmem_shared>>
      %dma_wait3A_44 = arith.constant 0 : i32
      %dma_wait3A_45 = tpu.memref_slice %arg9[%add3A_10, %dma_wait3A_44] : memref<10240x128xf32, #tpu.memory_space<vmem_shared>> -> memref<128x128xf32, #tpu.memory_space<vmem_shared>>
      tpu.wait_dma2 semaphore(%run_scoped3A : memref<!tpu.dma_semaphore, #tpu.memory_space<semaphore_mem>>) src(%arg8 : memref<128x128xf32, #tpu.memory_space<vmem>>) dst(%dma_wait3A_45 : memref<128x128xf32, #tpu.memory_space<vmem_shared>>)
      tpu.yield
    }) : () -> ()
    %mul3A_11 = arith.constant 640 : i32
    %mul3A_12 = arith.muli %arg1, %mul3A_11 : i32
    %add3A_13 = arith.constant 128 : i32
    %add3A_14 = arith.addi %mul3A_12, %add3A_13 : i32
    "tpu.region"() ({
      %run_scoped3A = tpu.sem_alloc : memref<!tpu.dma_semaphore, #tpu.memory_space<semaphore_mem>>
      %dma_start3A = arith.constant 0 : i32
      %dma_start3A_40 = tpu.memref_slice %arg9[%add3A_14, %dma_start3A] : memref<10240x128xf32, #tpu.memory_space<vmem_shared>> -> memref<128x128xf32, #tpu.memory_space<vmem_shared>>
      %dma_start3A_41 = arith.constant 0 : i32
      %dma_start3A_42 = tpu.memref_slice %arg9[%add3A_14, %dma_start3A_41] : memref<10240x128xf32, #tpu.memory_space<vmem_shared>> -> memref<128x128xf32, #tpu.memory_space<vmem_shared>>
      tpu.enqueue_dma source(%arg8 : memref<128x128xf32, #tpu.memory_space<vmem>>) target(%dma_start3A_42 : memref<128x128xf32, #tpu.memory_space<vmem_shared>>) target_semaphore(%run_scoped3A : memref<!tpu.dma_semaphore, #tpu.memory_space<semaphore_mem>>)
      %dma_wait3A = arith.constant 0 : i32
      %dma_wait3A_43 = tpu.memref_slice %arg9[%add3A_14, %dma_wait3A] : memref<10240x128xf32, #tpu.memory_space<vmem_shared>> -> memref<128x128xf32, #tpu.memory_space<vmem_shared>>
      %dma_wait3A_44 = arith.constant 0 : i32
      %dma_wait3A_45 = tpu.memref_slice %arg9[%add3A_14, %dma_wait3A_44] : memref<10240x128xf32, #tpu.memory_space<vmem_shared>> -> memref<128x128xf32, #tpu.memory_space<vmem_shared>>
      tpu.wait_dma2 semaphore(%run_scoped3A : memref<!tpu.dma_semaphore, #tpu.memory_space<semaphore_mem>>) src(%arg8 : memref<128x128xf32, #tpu.memory_space<vmem>>) dst(%dma_wait3A_45 : memref<128x128xf32, #tpu.memory_space<vmem_shared>>)
      tpu.yield
    }) : () -> ()
    %mul3A_15 = arith.constant 640 : i32
    %mul3A_16 = arith.muli %arg1, %mul3A_15 : i32
    %add3A_17 = arith.constant 256 : i32
    %add3A_18 = arith.addi %mul3A_16, %add3A_17 : i32
    "tpu.region"() ({
      %run_scoped3A = tpu.sem_alloc : memref<!tpu.dma_semaphore, #tpu.memory_space<semaphore_mem>>
      %dma_start3A = arith.constant 0 : i32
      %dma_start3A_40 = tpu.memref_slice %arg9[%add3A_18, %dma_start3A] : memref<10240x128xf32, #tpu.memory_space<vmem_shared>> -> memref<128x128xf32, #tpu.memory_space<vmem_shared>>
      %dma_start3A_41 = arith.constant 0 : i32
      %dma_start3A_42 = tpu.memref_slice %arg9[%add3A_18, %dma_start3A_41] : memref<10240x128xf32, #tpu.memory_space<vmem_shared>> -> memref<128x128xf32, #tpu.memory_space<vmem_shared>>
      tpu.enqueue_dma source(%arg8 : memref<128x128xf32, #tpu.memory_space<vmem>>) target(%dma_start3A_42 : memref<128x128xf32, #tpu.memory_space<vmem_shared>>) target_semaphore(%run_scoped3A : memref<!tpu.dma_semaphore, #tpu.memory_space<semaphore_mem>>)
      %dma_wait3A = arith.constant 0 : i32
      %dma_wait3A_43 = tpu.memref_slice %arg9[%add3A_18, %dma_wait3A] : memref<10240x128xf32, #tpu.memory_space<vmem_shared>> -> memref<128x128xf32, #tpu.memory_space<vmem_shared>>
      %dma_wait3A_44 = arith.constant 0 : i32
      %dma_wait3A_45 = tpu.memref_slice %arg9[%add3A_18, %dma_wait3A_44] : memref<10240x128xf32, #tpu.memory_space<vmem_shared>> -> memref<128x128xf32, #tpu.memory_space<vmem_shared>>
      tpu.wait_dma2 semaphore(%run_scoped3A : memref<!tpu.dma_semaphore, #tpu.memory_space<semaphore_mem>>) src(%arg8 : memref<128x128xf32, #tpu.memory_space<vmem>>) dst(%dma_wait3A_45 : memref<128x128xf32, #tpu.memory_space<vmem_shared>>)
      tpu.yield
    }) : () -> ()
    %mul3A_19 = arith.constant 640 : i32
    %mul3A_20 = arith.muli %arg1, %mul3A_19 : i32
    %add3A_21 = arith.constant 384 : i32
    %add3A_22 = arith.addi %mul3A_20, %add3A_21 : i32
    "tpu.region"() ({
      %run_scoped3A = tpu.sem_alloc : memref<!tpu.dma_semaphore, #tpu.memory_space<semaphore_mem>>
      %dma_start3A = arith.constant 0 : i32
      %dma_start3A_40 = tpu.memref_slice %arg9[%add3A_22, %dma_start3A] : memref<10240x128xf32, #tpu.memory_space<vmem_shared>> -> memref<128x128xf32, #tpu.memory_space<vmem_shared>>
      %dma_start3A_41 = arith.constant 0 : i32
      %dma_start3A_42 = tpu.memref_slice %arg9[%add3A_22, %dma_start3A_41] : memref<10240x128xf32, #tpu.memory_space<vmem_shared>> -> memref<128x128xf32, #tpu.memory_space<vmem_shared>>
      tpu.enqueue_dma source(%arg8 : memref<128x128xf32, #tpu.memory_space<vmem>>) target(%dma_start3A_42 : memref<128x128xf32, #tpu.memory_space<vmem_shared>>) target_semaphore(%run_scoped3A : memref<!tpu.dma_semaphore, #tpu.memory_space<semaphore_mem>>)
      %dma_wait3A = arith.constant 0 : i32
      %dma_wait3A_43 = tpu.memref_slice %arg9[%add3A_22, %dma_wait3A] : memref<10240x128xf32, #tpu.memory_space<vmem_shared>> -> memref<128x128xf32, #tpu.memory_space<vmem_shared>>
      %dma_wait3A_44 = arith.constant 0 : i32
      %dma_wait3A_45 = tpu.memref_slice %arg9[%add3A_22, %dma_wait3A_44] : memref<10240x128xf32, #tpu.memory_space<vmem_shared>> -> memref<128x128xf32, #tpu.memory_space<vmem_shared>>
      tpu.wait_dma2 semaphore(%run_scoped3A : memref<!tpu.dma_semaphore, #tpu.memory_space<semaphore_mem>>) src(%arg8 : memref<128x128xf32, #tpu.memory_space<vmem>>) dst(%dma_wait3A_45 : memref<128x128xf32, #tpu.memory_space<vmem_shared>>)
      tpu.yield
    }) : () -> ()
    %mul3A_23 = arith.constant 640 : i32
    %mul3A_24 = arith.muli %arg1, %mul3A_23 : i32
    %add3A_25 = arith.constant 512 : i32
    %add3A_26 = arith.addi %mul3A_24, %add3A_25 : i32
    "tpu.region"() ({
      %run_scoped3A = tpu.sem_alloc : memref<!tpu.dma_semaphore, #tpu.memory_space<semaphore_mem>>
      %dma_start3A = arith.constant 0 : i32
      %dma_start3A_40 = tpu.memref_slice %arg9[%add3A_26, %dma_start3A] : memref<10240x128xf32, #tpu.memory_space<vmem_shared>> -> memref<128x128xf32, #tpu.memory_space<vmem_shared>>
      %dma_start3A_41 = arith.constant 0 : i32
      %dma_start3A_42 = tpu.memref_slice %arg9[%add3A_26, %dma_start3A_41] : memref<10240x128xf32, #tpu.memory_space<vmem_shared>> -> memref<128x128xf32, #tpu.memory_space<vmem_shared>>
      tpu.enqueue_dma source(%arg8 : memref<128x128xf32, #tpu.memory_space<vmem>>) target(%dma_start3A_42 : memref<128x128xf32, #tpu.memory_space<vmem_shared>>) target_semaphore(%run_scoped3A : memref<!tpu.dma_semaphore, #tpu.memory_space<semaphore_mem>>)
      %dma_wait3A = arith.constant 0 : i32
      %dma_wait3A_43 = tpu.memref_slice %arg9[%add3A_26, %dma_wait3A] : memref<10240x128xf32, #tpu.memory_space<vmem_shared>> -> memref<128x128xf32, #tpu.memory_space<vmem_shared>>
      %dma_wait3A_44 = arith.constant 0 : i32
      %dma_wait3A_45 = tpu.memref_slice %arg9[%add3A_26, %dma_wait3A_44] : memref<10240x128xf32, #tpu.memory_space<vmem_shared>> -> memref<128x128xf32, #tpu.memory_space<vmem_shared>>
      tpu.wait_dma2 semaphore(%run_scoped3A : memref<!tpu.dma_semaphore, #tpu.memory_space<semaphore_mem>>) src(%arg8 : memref<128x128xf32, #tpu.memory_space<vmem>>) dst(%dma_wait3A_45 : memref<128x128xf32, #tpu.memory_space<vmem_shared>>)
      tpu.yield
    }) : () -> ()
    %barrier3A = arith.constant 0 : index
    tpu.barrier barrier_id(%barrier3A)
    %mul3A_27 = arith.constant 10240 : i32
    %mul3A_28 = arith.muli %add3A, %mul3A_27 : i32
    %scan3A_29 = arith.constant 0 : i32
    %scan3A_30 = arith.constant 0 : i32
    %scan3A_31 = arith.constant 80 : i32
    %scan3A_32 = arith.addi %scan3A_30, %scan3A_31 : i32
    %scan3A_33 = arith.constant 1 : i32
    scf.for %scan3A_40 = %scan3A_30 to %scan3A_32 step %scan3A_33  : i32 {
      %mul3A_41 = arith.constant 128 : i32
      %mul3A_42 = arith.muli %scan3A_40, %mul3A_41 : i32
      %add3A_43 = arith.addi %mul3A_28, %mul3A_42 : i32
      "tpu.region"() ({
        %run_scoped3A = tpu.sem_alloc : memref<!tpu.dma_semaphore, #tpu.memory_space<semaphore_mem>>
        %dma_start3A_48 = tpu.memref_slice %arg3[%add3A_43] : memref<327680xi32, #tpu.memory_space<hbm>> -> memref<128xi32, #tpu.memory_space<hbm>>
        %dma_start3A_49 = tpu.memref_slice %arg3[%add3A_43] : memref<327680xi32, #tpu.memory_space<hbm>> -> memref<128xi32, #tpu.memory_space<hbm>>
        tpu.enqueue_dma source(%dma_start3A_49 : memref<128xi32, #tpu.memory_space<hbm>>) target(%arg6 : memref<128xi32, #tpu.memory_space<vmem>>) target_semaphore(%run_scoped3A : memref<!tpu.dma_semaphore, #tpu.memory_space<semaphore_mem>>)
        %dma_wait3A_50 = tpu.memref_slice %arg3[%add3A_43] : memref<327680xi32, #tpu.memory_space<hbm>> -> memref<128xi32, #tpu.memory_space<hbm>>
        %dma_wait3A_51 = tpu.memref_slice %arg3[%add3A_43] : memref<327680xi32, #tpu.memory_space<hbm>> -> memref<128xi32, #tpu.memory_space<hbm>>
        tpu.wait_dma2 semaphore(%run_scoped3A : memref<!tpu.dma_semaphore, #tpu.memory_space<semaphore_mem>>) src(%dma_wait3A_51 : memref<128xi32, #tpu.memory_space<hbm>>) dst(%arg6 : memref<128xi32, #tpu.memory_space<vmem>>)
        tpu.yield
      }) : () -> ()
      "tpu.region"() ({
        %run_scoped3A = tpu.sem_alloc : memref<!tpu.dma_semaphore, #tpu.memory_space<semaphore_mem>>
        %dma_start3A_48 = tpu.memref_slice %arg4[%add3A_43] : memref<327680xi32, #tpu.memory_space<hbm>> -> memref<128xi32, #tpu.memory_space<hbm>>
        %dma_start3A_49 = tpu.memref_slice %arg4[%add3A_43] : memref<327680xi32, #tpu.memory_space<hbm>> -> memref<128xi32, #tpu.memory_space<hbm>>
        tpu.enqueue_dma source(%dma_start3A_49 : memref<128xi32, #tpu.memory_space<hbm>>) target(%arg7 : memref<128xi32, #tpu.memory_space<vmem>>) target_semaphore(%run_scoped3A : memref<!tpu.dma_semaphore, #tpu.memory_space<semaphore_mem>>)
        %dma_wait3A_50 = tpu.memref_slice %arg4[%add3A_43] : memref<327680xi32, #tpu.memory_space<hbm>> -> memref<128xi32, #tpu.memory_space<hbm>>
        %dma_wait3A_51 = tpu.memref_slice %arg4[%add3A_43] : memref<327680xi32, #tpu.memory_space<hbm>> -> memref<128xi32, #tpu.memory_space<hbm>>
        tpu.wait_dma2 semaphore(%run_scoped3A : memref<!tpu.dma_semaphore, #tpu.memory_space<semaphore_mem>>) src(%dma_wait3A_51 : memref<128xi32, #tpu.memory_space<hbm>>) dst(%arg7 : memref<128xi32, #tpu.memory_space<vmem>>)
        tpu.yield
      }) : () -> ()
      %dma_start3A = arith.constant 0 : i32
      %dma_start3A_44 = arith.constant 0 : i32
      %dma_start3A_45 = tpu.memref_slice %arg2[%dma_start3A, %dma_start3A_44] : memref<10000x128xf32, #tpu.memory_space<hbm>> -> memref<10000x128xf32, #tpu.memory_space<hbm>>
      tpu.enqueue_indirect_dma source(%dma_start3A_45 : memref<10000x128xf32, #tpu.memory_space<hbm>>) target(%arg8 : memref<128x128xf32, #tpu.memory_space<vmem>>) offsets(%arg6 : memref<128xi32, #tpu.memory_space<vmem>>) semaphore(%arg10 : memref<!tpu.dma_semaphore, #tpu.memory_space<semaphore_mem>>)
      %dma_wait3A = arith.constant 0 : i32
      %dma_wait3A_46 = arith.constant 0 : i32
      %dma_wait3A_47 = tpu.memref_slice %arg2[%dma_wait3A, %dma_wait3A_46] : memref<10000x128xf32, #tpu.memory_space<hbm>> -> memref<10000x128xf32, #tpu.memory_space<hbm>>
      tpu.wait_indirect_dma semaphore(%arg10 : memref<!tpu.dma_semaphore, #tpu.memory_space<semaphore_mem>>) src(%dma_wait3A_47 : memref<10000x128xf32, #tpu.memory_space<hbm>>) dst(%arg8 : memref<128x128xf32, #tpu.memory_space<vmem>>)
      "tpu.region"() ({
        %run_scoped3A = tpu.sem_alloc : memref<!tpu.dma_semaphore, #tpu.memory_space<semaphore_mem>>
        %dma_start3A_48 = arith.constant 0 : i32
        %dma_start3A_49 = arith.constant 0 : i32
        %dma_start3A_50 = tpu.memref_slice %arg9[%dma_start3A_48, %dma_start3A_49] : memref<10240x128xf32, #tpu.memory_space<vmem_shared>> -> memref<10240x128xf32, #tpu.memory_space<vmem_shared>>
        tpu.enqueue_indirect_dma source(%arg8 : memref<128x128xf32, #tpu.memory_space<vmem>>) target(%dma_start3A_50 : memref<10240x128xf32, #tpu.memory_space<vmem_shared>>) offsets(%arg7 : memref<128xi32, #tpu.memory_space<vmem>>) semaphore(%run_scoped3A : memref<!tpu.dma_semaphore, #tpu.memory_space<semaphore_mem>>) {add = true}
        %dma_wait3A_51 = arith.constant 0 : i32
        %dma_wait3A_52 = arith.constant 0 : i32
        %dma_wait3A_53 = tpu.memref_slice %arg9[%dma_wait3A_51, %dma_wait3A_52] : memref<10240x128xf32, #tpu.memory_space<vmem_shared>> -> memref<10240x128xf32, #tpu.memory_space<vmem_shared>>
        tpu.wait_indirect_dma semaphore(%run_scoped3A : memref<!tpu.dma_semaphore, #tpu.memory_space<semaphore_mem>>) src(%arg8 : memref<128x128xf32, #tpu.memory_space<vmem>>) dst(%dma_wait3A_53 : memref<10240x128xf32, #tpu.memory_space<vmem_shared>>)
        tpu.yield
      }) : () -> ()
    }
    %scan3A_34 = arith.constant 80 : i32
    %barrier3A_35 = arith.constant 0 : index
    tpu.barrier barrier_id(%barrier3A_35)
    %mul3A_36 = arith.constant 640 : i32
    %mul3A_37 = arith.muli %arg1, %mul3A_36 : i32
    %mul3A_38 = arith.constant 640 : i32
    %mul3A_39 = arith.muli %arg1, %mul3A_38 : i32
    "tpu.region"() ({
      %run_scoped3A = tpu.sem_alloc : memref<!tpu.dma_semaphore, #tpu.memory_space<semaphore_mem>>
      %dma_start3A = arith.constant 0 : i32
      %dma_start3A_40 = tpu.memref_slice %arg5[%arg0, %mul3A_39, %dma_start3A] : memref<2x10240x128xf32, #tpu.memory_space<hbm>> -> memref<1x640x128xf32, #tpu.memory_space<hbm>>
      %dma_start3A_41 = tpu.memref_squeeze %dma_start3A_40 : memref<1x640x128xf32, #tpu.memory_space<hbm>> -> memref<640x128xf32, #tpu.memory_space<hbm>>
      %dma_start3A_42 = arith.constant 0 : i32
      %dma_start3A_43 = tpu.memref_slice %arg9[%mul3A_37, %dma_start3A_42] : memref<10240x128xf32, #tpu.memory_space<vmem_shared>> -> memref<640x128xf32, #tpu.memory_space<vmem_shared>>
      tpu.enqueue_dma source(%dma_start3A_43 : memref<640x128xf32, #tpu.memory_space<vmem_shared>>) target(%dma_start3A_41 : memref<640x128xf32, #tpu.memory_space<hbm>>) target_semaphore(%run_scoped3A : memref<!tpu.dma_semaphore, #tpu.memory_space<semaphore_mem>>)
      %dma_wait3A = arith.constant 0 : i32
      %dma_wait3A_44 = tpu.memref_slice %arg5[%arg0, %mul3A_39, %dma_wait3A] : memref<2x10240x128xf32, #tpu.memory_space<hbm>> -> memref<1x640x128xf32, #tpu.memory_space<hbm>>
      %dma_wait3A_45 = tpu.memref_squeeze %dma_wait3A_44 : memref<1x640x128xf32, #tpu.memory_space<hbm>> -> memref<640x128xf32, #tpu.memory_space<hbm>>
      %dma_wait3A_46 = arith.constant 0 : i32
      %dma_wait3A_47 = tpu.memref_slice %arg9[%mul3A_37, %dma_wait3A_46] : memref<10240x128xf32, #tpu.memory_space<vmem_shared>> -> memref<640x128xf32, #tpu.memory_space<vmem_shared>>
      tpu.wait_dma2 semaphore(%run_scoped3A : memref<!tpu.dma_semaphore, #tpu.memory_space<semaphore_mem>>) src(%dma_wait3A_47 : memref<640x128xf32, #tpu.memory_space<vmem_shared>>) dst(%dma_wait3A_45 : memref<640x128xf32, #tpu.memory_space<hbm>>)
      tpu.yield
    }) : () -> ()
    return
  }
}

#map = affine_map<(d0, d1) -> (0, 0)>
#map1 = affine_map<(d0, d1) -> (0)>
#map2 = affine_map<(d0, d1) -> (0, 0, 0)>
module attributes {stable_mosaic.version = 14 : i64} {
  func.func @agg(%arg0: i32, %arg1: i32, %arg2: memref<10000x128xf32, #tpu.memory_space<hbm>>, %arg3: memref<327680xi32, #tpu.memory_space<hbm>>, %arg4: memref<327680xi32, #tpu.memory_space<hbm>>, %arg5: memref<2x10240x128xf32, #tpu.memory_space<hbm>>, %arg6: memref<128xi32, #tpu.memory_space<vmem>>, %arg7: memref<128xi32, #tpu.memory_space<vmem>>, %arg8: memref<128x128xf32, #tpu.memory_space<vmem>>, %arg9: memref<10240x128xf32, #tpu.memory_space<vmem_shared>>, %arg10: memref<!tpu.dma_semaphore, #tpu.memory_space<semaphore_mem>>) attributes {dimension_semantics = [#tpu.dimension_semantics<core_parallel>, #tpu.dimension_semantics<subcore_parallel>], iteration_bounds = array<i64: 2, 16>, scalar_prefetch = 0 : i64, scratch_operands = 5 : i64, tpu.core_type = #tpu.core_type<sc_vector_subcore>, window_params = [{transform_indices = #map}, {transform_indices = #map1}, {transform_indices = #map1}, {transform_indices = #map2}]} {
    %mul3A = arith.constant 16 : i32
    %mul3A_0 = arith.muli %arg0, %mul3A : i32
    %add3A = arith.addi %mul3A_0, %arg1 : i32
    %broadcast_in_dim3A = arith.constant 0.000000e+00 : f32
    %broadcast_in_dim3A_1 = vector.broadcast %broadcast_in_dim3A : f32 to vector<16xf32>
    %scan3A = arith.constant 0 : i32
    %scan3A_2 = arith.constant 0 : i32
    %scan3A_3 = arith.constant 128 : i32
    %scan3A_4 = arith.addi %scan3A_2, %scan3A_3 : i32
    %scan3A_5 = arith.constant 1 : i32
    scf.for %scan3A_40 = %scan3A_2 to %scan3A_4 step %scan3A_5  : i32 {
      %swap3A = arith.index_cast %scan3A_40 : i32 to index
      %swap3A_41 = arith.constant 0 : index
      %swap3A_42 = tpu.vector_load %arg8[%swap3A, %swap3A_41] {strides = array<i32>} : memref<128x128xf32, #tpu.memory_space<vmem>>, vector<1x16xf32>,
      %swap3A_43 = vector.shape_cast %swap3A_42 : vector<1x16xf32> to vector<16xf32>
      %swap3A_44 = vector.shape_cast %broadcast_in_dim3A_1 : vector<16xf32> to vector<1x16xf32>
      tpu.vector_store %arg8[%swap3A, %swap3A_41], %swap3A_44 {strides = array<i32>} : memref<128x128xf32, #tpu.memory_space<vmem>>, vector<1x16xf32>,
      %swap3A_45 = arith.index_cast %scan3A_40 : i32 to index
      %swap3A_46 = arith.constant 16 : index
      %swap3A_47 = tpu.vector_load %arg8[%swap3A_45, %swap3A_46] {strides = array<i32>} : memref<128x128xf32, #tpu.memory_space<vmem>>, vector<1x16xf32>,
      %swap3A_48 = vector.shape_cast %swap3A_47 : vector<1x16xf32> to vector<16xf32>
      %swap3A_49 = vector.shape_cast %broadcast_in_dim3A_1 : vector<16xf32> to vector<1x16xf32>
      tpu.vector_store %arg8[%swap3A_45, %swap3A_46], %swap3A_49 {strides = array<i32>} : memref<128x128xf32, #tpu.memory_space<vmem>>, vector<1x16xf32>,
      %swap3A_50 = arith.index_cast %scan3A_40 : i32 to index
      %swap3A_51 = arith.constant 32 : index
      %swap3A_52 = tpu.vector_load %arg8[%swap3A_50, %swap3A_51] {strides = array<i32>} : memref<128x128xf32, #tpu.memory_space<vmem>>, vector<1x16xf32>,
      %swap3A_53 = vector.shape_cast %swap3A_52 : vector<1x16xf32> to vector<16xf32>
      %swap3A_54 = vector.shape_cast %broadcast_in_dim3A_1 : vector<16xf32> to vector<1x16xf32>
      tpu.vector_store %arg8[%swap3A_50, %swap3A_51], %swap3A_54 {strides = array<i32>} : memref<128x128xf32, #tpu.memory_space<vmem>>, vector<1x16xf32>,
      %swap3A_55 = arith.index_cast %scan3A_40 : i32 to index
      %swap3A_56 = arith.constant 48 : index
      %swap3A_57 = tpu.vector_load %arg8[%swap3A_55, %swap3A_56] {strides = array<i32>} : memref<128x128xf32, #tpu.memory_space<vmem>>, vector<1x16xf32>,
      %swap3A_58 = vector.shape_cast %swap3A_57 : vector<1x16xf32> to vector<16xf32>
      %swap3A_59 = vector.shape_cast %broadcast_in_dim3A_1 : vector<16xf32> to vector<1x16xf32>
      tpu.vector_store %arg8[%swap3A_55, %swap3A_56], %swap3A_59 {strides = array<i32>} : memref<128x128xf32, #tpu.memory_space<vmem>>, vector<1x16xf32>,
      %swap3A_60 = arith.index_cast %scan3A_40 : i32 to index
      %swap3A_61 = arith.constant 64 : index
      %swap3A_62 = tpu.vector_load %arg8[%swap3A_60, %swap3A_61] {strides = array<i32>} : memref<128x128xf32, #tpu.memory_space<vmem>>, vector<1x16xf32>,
      %swap3A_63 = vector.shape_cast %swap3A_62 : vector<1x16xf32> to vector<16xf32>
      %swap3A_64 = vector.shape_cast %broadcast_in_dim3A_1 : vector<16xf32> to vector<1x16xf32>
      tpu.vector_store %arg8[%swap3A_60, %swap3A_61], %swap3A_64 {strides = array<i32>} : memref<128x128xf32, #tpu.memory_space<vmem>>, vector<1x16xf32>,
      %swap3A_65 = arith.index_cast %scan3A_40 : i32 to index
      %swap3A_66 = arith.constant 80 : index
      %swap3A_67 = tpu.vector_load %arg8[%swap3A_65, %swap3A_66] {strides = array<i32>} : memref<128x128xf32, #tpu.memory_space<vmem>>, vector<1x16xf32>,
      %swap3A_68 = vector.shape_cast %swap3A_67 : vector<1x16xf32> to vector<16xf32>
      %swap3A_69 = vector.shape_cast %broadcast_in_dim3A_1 : vector<16xf32> to vector<1x16xf32>
      tpu.vector_store %arg8[%swap3A_65, %swap3A_66], %swap3A_69 {strides = array<i32>} : memref<128x128xf32, #tpu.memory_space<vmem>>, vector<1x16xf32>,
      %swap3A_70 = arith.index_cast %scan3A_40 : i32 to index
      %swap3A_71 = arith.constant 96 : index
      %swap3A_72 = tpu.vector_load %arg8[%swap3A_70, %swap3A_71] {strides = array<i32>} : memref<128x128xf32, #tpu.memory_space<vmem>>, vector<1x16xf32>,
      %swap3A_73 = vector.shape_cast %swap3A_72 : vector<1x16xf32> to vector<16xf32>
      %swap3A_74 = vector.shape_cast %broadcast_in_dim3A_1 : vector<16xf32> to vector<1x16xf32>
      tpu.vector_store %arg8[%swap3A_70, %swap3A_71], %swap3A_74 {strides = array<i32>} : memref<128x128xf32, #tpu.memory_space<vmem>>, vector<1x16xf32>,
      %swap3A_75 = arith.index_cast %scan3A_40 : i32 to index
      %swap3A_76 = arith.constant 112 : index
      %swap3A_77 = tpu.vector_load %arg8[%swap3A_75, %swap3A_76] {strides = array<i32>} : memref<128x128xf32, #tpu.memory_space<vmem>>, vector<1x16xf32>,
      %swap3A_78 = vector.shape_cast %swap3A_77 : vector<1x16xf32> to vector<16xf32>
      %swap3A_79 = vector.shape_cast %broadcast_in_dim3A_1 : vector<16xf32> to vector<1x16xf32>
      tpu.vector_store %arg8[%swap3A_75, %swap3A_76], %swap3A_79 {strides = array<i32>} : memref<128x128xf32, #tpu.memory_space<vmem>>, vector<1x16xf32>,
    }
    %scan3A_6 = arith.constant 128 : i32
    %mul3A_7 = arith.constant 640 : i32
    %mul3A_8 = arith.muli %arg1, %mul3A_7 : i32
    %add3A_9 = arith.constant 0 : i32
    %add3A_10 = arith.addi %mul3A_8, %add3A_9 : i32
    "tpu.region"() ({
      %run_scoped3A = tpu.sem_alloc : memref<!tpu.dma_semaphore, #tpu.memory_space<semaphore_mem>>
      %dma_start3A = arith.constant 0 : i32
      %dma_start3A_40 = tpu.memref_slice %arg9[%add3A_10, %dma_start3A] : memref<10240x128xf32, #tpu.memory_space<vmem_shared>> -> memref<128x128xf32, #tpu.memory_space<vmem_shared>>
      %dma_start3A_41 = arith.constant 0 : i32
      %dma_start3A_42 = tpu.memref_slice %arg9[%add3A_10, %dma_start3A_41] : memref<10240x128xf32, #tpu.memory_space<vmem_shared>> -> memref<128x128xf32, #tpu.memory_space<vmem_shared>>
      tpu.enqueue_dma source(%arg8 : memref<128x128xf32, #tpu.memory_space<vmem>>) target(%dma_start3A_42 : memref<128x128xf32, #tpu.memory_space<vmem_shared>>) target_semaphore(%run_scoped3A : memref<!tpu.dma_semaphore, #tpu.memory_space<semaphore_mem>>)
      %dma_wait3A = arith.constant 0 : i32
      %dma_wait3A_43 = tpu.memref_slice %arg9[%add3A_10, %dma_wait3A] : memref<10240x128xf32, #tpu.memory_space<vmem_shared>> -> memref<128x128xf32, #tpu.memory_space<vmem_shared>>
      %dma_wait3A_44 = arith.constant 0 : i32
      %dma_wait3A_45 = tpu.memref_slice %arg9[%add3A_10, %dma_wait3A_44] : memref<10240x128xf32, #tpu.memory_space<vmem_shared>> -> memref<128x128xf32, #tpu.memory_space<vmem_shared>>
      tpu.wait_dma2 semaphore(%run_scoped3A : memref<!tpu.dma_semaphore, #tpu.memory_space<semaphore_mem>>) src(%arg8 : memref<128x128xf32, #tpu.memory_space<vmem>>) dst(%dma_wait3A_45 : memref<128x128xf32, #tpu.memory_space<vmem_shared>>)
      tpu.yield
    }) : () -> ()
    %mul3A_11 = arith.constant 640 : i32
    %mul3A_12 = arith.muli %arg1, %mul3A_11 : i32
    %add3A_13 = arith.constant 128 : i32
    %add3A_14 = arith.addi %mul3A_12, %add3A_13 : i32
    "tpu.region"() ({
      %run_scoped3A = tpu.sem_alloc : memref<!tpu.dma_semaphore, #tpu.memory_space<semaphore_mem>>
      %dma_start3A = arith.constant 0 : i32
      %dma_start3A_40 = tpu.memref_slice %arg9[%add3A_14, %dma_start3A] : memref<10240x128xf32, #tpu.memory_space<vmem_shared>> -> memref<128x128xf32, #tpu.memory_space<vmem_shared>>
      %dma_start3A_41 = arith.constant 0 : i32
      %dma_start3A_42 = tpu.memref_slice %arg9[%add3A_14, %dma_start3A_41] : memref<10240x128xf32, #tpu.memory_space<vmem_shared>> -> memref<128x128xf32, #tpu.memory_space<vmem_shared>>
      tpu.enqueue_dma source(%arg8 : memref<128x128xf32, #tpu.memory_space<vmem>>) target(%dma_start3A_42 : memref<128x128xf32, #tpu.memory_space<vmem_shared>>) target_semaphore(%run_scoped3A : memref<!tpu.dma_semaphore, #tpu.memory_space<semaphore_mem>>)
      %dma_wait3A = arith.constant 0 : i32
      %dma_wait3A_43 = tpu.memref_slice %arg9[%add3A_14, %dma_wait3A] : memref<10240x128xf32, #tpu.memory_space<vmem_shared>> -> memref<128x128xf32, #tpu.memory_space<vmem_shared>>
      %dma_wait3A_44 = arith.constant 0 : i32
      %dma_wait3A_45 = tpu.memref_slice %arg9[%add3A_14, %dma_wait3A_44] : memref<10240x128xf32, #tpu.memory_space<vmem_shared>> -> memref<128x128xf32, #tpu.memory_space<vmem_shared>>
      tpu.wait_dma2 semaphore(%run_scoped3A : memref<!tpu.dma_semaphore, #tpu.memory_space<semaphore_mem>>) src(%arg8 : memref<128x128xf32, #tpu.memory_space<vmem>>) dst(%dma_wait3A_45 : memref<128x128xf32, #tpu.memory_space<vmem_shared>>)
      tpu.yield
    }) : () -> ()
    %mul3A_15 = arith.constant 640 : i32
    %mul3A_16 = arith.muli %arg1, %mul3A_15 : i32
    %add3A_17 = arith.constant 256 : i32
    %add3A_18 = arith.addi %mul3A_16, %add3A_17 : i32
    "tpu.region"() ({
      %run_scoped3A = tpu.sem_alloc : memref<!tpu.dma_semaphore, #tpu.memory_space<semaphore_mem>>
      %dma_start3A = arith.constant 0 : i32
      %dma_start3A_40 = tpu.memref_slice %arg9[%add3A_18, %dma_start3A] : memref<10240x128xf32, #tpu.memory_space<vmem_shared>> -> memref<128x128xf32, #tpu.memory_space<vmem_shared>>
      %dma_start3A_41 = arith.constant 0 : i32
      %dma_start3A_42 = tpu.memref_slice %arg9[%add3A_18, %dma_start3A_41] : memref<10240x128xf32, #tpu.memory_space<vmem_shared>> -> memref<128x128xf32, #tpu.memory_space<vmem_shared>>
      tpu.enqueue_dma source(%arg8 : memref<128x128xf32, #tpu.memory_space<vmem>>) target(%dma_start3A_42 : memref<128x128xf32, #tpu.memory_space<vmem_shared>>) target_semaphore(%run_scoped3A : memref<!tpu.dma_semaphore, #tpu.memory_space<semaphore_mem>>)
      %dma_wait3A = arith.constant 0 : i32
      %dma_wait3A_43 = tpu.memref_slice %arg9[%add3A_18, %dma_wait3A] : memref<10240x128xf32, #tpu.memory_space<vmem_shared>> -> memref<128x128xf32, #tpu.memory_space<vmem_shared>>
      %dma_wait3A_44 = arith.constant 0 : i32
      %dma_wait3A_45 = tpu.memref_slice %arg9[%add3A_18, %dma_wait3A_44] : memref<10240x128xf32, #tpu.memory_space<vmem_shared>> -> memref<128x128xf32, #tpu.memory_space<vmem_shared>>
      tpu.wait_dma2 semaphore(%run_scoped3A : memref<!tpu.dma_semaphore, #tpu.memory_space<semaphore_mem>>) src(%arg8 : memref<128x128xf32, #tpu.memory_space<vmem>>) dst(%dma_wait3A_45 : memref<128x128xf32, #tpu.memory_space<vmem_shared>>)
      tpu.yield
    }) : () -> ()
    %mul3A_19 = arith.constant 640 : i32
    %mul3A_20 = arith.muli %arg1, %mul3A_19 : i32
    %add3A_21 = arith.constant 384 : i32
    %add3A_22 = arith.addi %mul3A_20, %add3A_21 : i32
    "tpu.region"() ({
      %run_scoped3A = tpu.sem_alloc : memref<!tpu.dma_semaphore, #tpu.memory_space<semaphore_mem>>
      %dma_start3A = arith.constant 0 : i32
      %dma_start3A_40 = tpu.memref_slice %arg9[%add3A_22, %dma_start3A] : memref<10240x128xf32, #tpu.memory_space<vmem_shared>> -> memref<128x128xf32, #tpu.memory_space<vmem_shared>>
      %dma_start3A_41 = arith.constant 0 : i32
      %dma_start3A_42 = tpu.memref_slice %arg9[%add3A_22, %dma_start3A_41] : memref<10240x128xf32, #tpu.memory_space<vmem_shared>> -> memref<128x128xf32, #tpu.memory_space<vmem_shared>>
      tpu.enqueue_dma source(%arg8 : memref<128x128xf32, #tpu.memory_space<vmem>>) target(%dma_start3A_42 : memref<128x128xf32, #tpu.memory_space<vmem_shared>>) target_semaphore(%run_scoped3A : memref<!tpu.dma_semaphore, #tpu.memory_space<semaphore_mem>>)
      %dma_wait3A = arith.constant 0 : i32
      %dma_wait3A_43 = tpu.memref_slice %arg9[%add3A_22, %dma_wait3A] : memref<10240x128xf32, #tpu.memory_space<vmem_shared>> -> memref<128x128xf32, #tpu.memory_space<vmem_shared>>
      %dma_wait3A_44 = arith.constant 0 : i32
      %dma_wait3A_45 = tpu.memref_slice %arg9[%add3A_22, %dma_wait3A_44] : memref<10240x128xf32, #tpu.memory_space<vmem_shared>> -> memref<128x128xf32, #tpu.memory_space<vmem_shared>>
      tpu.wait_dma2 semaphore(%run_scoped3A : memref<!tpu.dma_semaphore, #tpu.memory_space<semaphore_mem>>) src(%arg8 : memref<128x128xf32, #tpu.memory_space<vmem>>) dst(%dma_wait3A_45 : memref<128x128xf32, #tpu.memory_space<vmem_shared>>)
      tpu.yield
    }) : () -> ()
    %mul3A_23 = arith.constant 640 : i32
    %mul3A_24 = arith.muli %arg1, %mul3A_23 : i32
    %add3A_25 = arith.constant 512 : i32
    %add3A_26 = arith.addi %mul3A_24, %add3A_25 : i32
    "tpu.region"() ({
      %run_scoped3A = tpu.sem_alloc : memref<!tpu.dma_semaphore, #tpu.memory_space<semaphore_mem>>
      %dma_start3A = arith.constant 0 : i32
      %dma_start3A_40 = tpu.memref_slice %arg9[%add3A_26, %dma_start3A] : memref<10240x128xf32, #tpu.memory_space<vmem_shared>> -> memref<128x128xf32, #tpu.memory_space<vmem_shared>>
      %dma_start3A_41 = arith.constant 0 : i32
      %dma_start3A_42 = tpu.memref_slice %arg9[%add3A_26, %dma_start3A_41] : memref<10240x128xf32, #tpu.memory_space<vmem_shared>> -> memref<128x128xf32, #tpu.memory_space<vmem_shared>>
      tpu.enqueue_dma source(%arg8 : memref<128x128xf32, #tpu.memory_space<vmem>>) target(%dma_start3A_42 : memref<128x128xf32, #tpu.memory_space<vmem_shared>>) target_semaphore(%run_scoped3A : memref<!tpu.dma_semaphore, #tpu.memory_space<semaphore_mem>>)
      %dma_wait3A = arith.constant 0 : i32
      %dma_wait3A_43 = tpu.memref_slice %arg9[%add3A_26, %dma_wait3A] : memref<10240x128xf32, #tpu.memory_space<vmem_shared>> -> memref<128x128xf32, #tpu.memory_space<vmem_shared>>
      %dma_wait3A_44 = arith.constant 0 : i32
      %dma_wait3A_45 = tpu.memref_slice %arg9[%add3A_26, %dma_wait3A_44] : memref<10240x128xf32, #tpu.memory_space<vmem_shared>> -> memref<128x128xf32, #tpu.memory_space<vmem_shared>>
      tpu.wait_dma2 semaphore(%run_scoped3A : memref<!tpu.dma_semaphore, #tpu.memory_space<semaphore_mem>>) src(%arg8 : memref<128x128xf32, #tpu.memory_space<vmem>>) dst(%dma_wait3A_45 : memref<128x128xf32, #tpu.memory_space<vmem_shared>>)
      tpu.yield
    }) : () -> ()
    %barrier3A = arith.constant 0 : index
    tpu.barrier barrier_id(%barrier3A)
    %mul3A_27 = arith.constant 10240 : i32
    %mul3A_28 = arith.muli %add3A, %mul3A_27 : i32
    %scan3A_29 = arith.constant 0 : i32
    %scan3A_30 = arith.constant 0 : i32
    %scan3A_31 = arith.constant 80 : i32
    %scan3A_32 = arith.addi %scan3A_30, %scan3A_31 : i32
    %scan3A_33 = arith.constant 1 : i32
    scf.for %scan3A_40 = %scan3A_30 to %scan3A_32 step %scan3A_33  : i32 {
      %mul3A_41 = arith.constant 128 : i32
      %mul3A_42 = arith.muli %scan3A_40, %mul3A_41 : i32
      %add3A_43 = arith.addi %mul3A_28, %mul3A_42 : i32
      "tpu.region"() ({
        %run_scoped3A = tpu.sem_alloc : memref<!tpu.dma_semaphore, #tpu.memory_space<semaphore_mem>>
        %dma_start3A_48 = tpu.memref_slice %arg3[%add3A_43] : memref<327680xi32, #tpu.memory_space<hbm>> -> memref<128xi32, #tpu.memory_space<hbm>>
        %dma_start3A_49 = tpu.memref_slice %arg3[%add3A_43] : memref<327680xi32, #tpu.memory_space<hbm>> -> memref<128xi32, #tpu.memory_space<hbm>>
        tpu.enqueue_dma source(%dma_start3A_49 : memref<128xi32, #tpu.memory_space<hbm>>) target(%arg6 : memref<128xi32, #tpu.memory_space<vmem>>) target_semaphore(%run_scoped3A : memref<!tpu.dma_semaphore, #tpu.memory_space<semaphore_mem>>)
        %dma_wait3A_50 = tpu.memref_slice %arg3[%add3A_43] : memref<327680xi32, #tpu.memory_space<hbm>> -> memref<128xi32, #tpu.memory_space<hbm>>
        %dma_wait3A_51 = tpu.memref_slice %arg3[%add3A_43] : memref<327680xi32, #tpu.memory_space<hbm>> -> memref<128xi32, #tpu.memory_space<hbm>>
        tpu.wait_dma2 semaphore(%run_scoped3A : memref<!tpu.dma_semaphore, #tpu.memory_space<semaphore_mem>>) src(%dma_wait3A_51 : memref<128xi32, #tpu.memory_space<hbm>>) dst(%arg6 : memref<128xi32, #tpu.memory_space<vmem>>)
        tpu.yield
      }) : () -> ()
      "tpu.region"() ({
        %run_scoped3A = tpu.sem_alloc : memref<!tpu.dma_semaphore, #tpu.memory_space<semaphore_mem>>
        %dma_start3A_48 = tpu.memref_slice %arg4[%add3A_43] : memref<327680xi32, #tpu.memory_space<hbm>> -> memref<128xi32, #tpu.memory_space<hbm>>
        %dma_start3A_49 = tpu.memref_slice %arg4[%add3A_43] : memref<327680xi32, #tpu.memory_space<hbm>> -> memref<128xi32, #tpu.memory_space<hbm>>
        tpu.enqueue_dma source(%dma_start3A_49 : memref<128xi32, #tpu.memory_space<hbm>>) target(%arg7 : memref<128xi32, #tpu.memory_space<vmem>>) target_semaphore(%run_scoped3A : memref<!tpu.dma_semaphore, #tpu.memory_space<semaphore_mem>>)
        %dma_wait3A_50 = tpu.memref_slice %arg4[%add3A_43] : memref<327680xi32, #tpu.memory_space<hbm>> -> memref<128xi32, #tpu.memory_space<hbm>>
        %dma_wait3A_51 = tpu.memref_slice %arg4[%add3A_43] : memref<327680xi32, #tpu.memory_space<hbm>> -> memref<128xi32, #tpu.memory_space<hbm>>
        tpu.wait_dma2 semaphore(%run_scoped3A : memref<!tpu.dma_semaphore, #tpu.memory_space<semaphore_mem>>) src(%dma_wait3A_51 : memref<128xi32, #tpu.memory_space<hbm>>) dst(%arg7 : memref<128xi32, #tpu.memory_space<vmem>>)
        tpu.yield
      }) : () -> ()
      %dma_start3A = arith.constant 0 : i32
      %dma_start3A_44 = arith.constant 0 : i32
      %dma_start3A_45 = tpu.memref_slice %arg2[%dma_start3A, %dma_start3A_44] : memref<10000x128xf32, #tpu.memory_space<hbm>> -> memref<10000x128xf32, #tpu.memory_space<hbm>>
      tpu.enqueue_indirect_dma source(%dma_start3A_45 : memref<10000x128xf32, #tpu.memory_space<hbm>>) target(%arg8 : memref<128x128xf32, #tpu.memory_space<vmem>>) offsets(%arg6 : memref<128xi32, #tpu.memory_space<vmem>>) semaphore(%arg10 : memref<!tpu.dma_semaphore, #tpu.memory_space<semaphore_mem>>)
      %dma_wait3A = arith.constant 0 : i32
      %dma_wait3A_46 = arith.constant 0 : i32
      %dma_wait3A_47 = tpu.memref_slice %arg2[%dma_wait3A, %dma_wait3A_46] : memref<10000x128xf32, #tpu.memory_space<hbm>> -> memref<10000x128xf32, #tpu.memory_space<hbm>>
      tpu.wait_indirect_dma semaphore(%arg10 : memref<!tpu.dma_semaphore, #tpu.memory_space<semaphore_mem>>) src(%dma_wait3A_47 : memref<10000x128xf32, #tpu.memory_space<hbm>>) dst(%arg8 : memref<128x128xf32, #tpu.memory_space<vmem>>)
      "tpu.region"() ({
        %run_scoped3A = tpu.sem_alloc : memref<!tpu.dma_semaphore, #tpu.memory_space<semaphore_mem>>
        %dma_start3A_48 = arith.constant 0 : i32
        %dma_start3A_49 = arith.constant 0 : i32
        %dma_start3A_50 = tpu.memref_slice %arg9[%dma_start3A_48, %dma_start3A_49] : memref<10240x128xf32, #tpu.memory_space<vmem_shared>> -> memref<10240x128xf32, #tpu.memory_space<vmem_shared>>
        tpu.enqueue_indirect_dma source(%arg8 : memref<128x128xf32, #tpu.memory_space<vmem>>) target(%dma_start3A_50 : memref<10240x128xf32, #tpu.memory_space<vmem_shared>>) offsets(%arg7 : memref<128xi32, #tpu.memory_space<vmem>>) semaphore(%run_scoped3A : memref<!tpu.dma_semaphore, #tpu.memory_space<semaphore_mem>>) {add = true}
        %dma_wait3A_51 = arith.constant 0 : i32
        %dma_wait3A_52 = arith.constant 0 : i32
        %dma_wait3A_53 = tpu.memref_slice %arg9[%dma_wait3A_51, %dma_wait3A_52] : memref<10240x128xf32, #tpu.memory_space<vmem_shared>> -> memref<10240x128xf32, #tpu.memory_space<vmem_shared>>
        tpu.wait_indirect_dma semaphore(%run_scoped3A : memref<!tpu.dma_semaphore, #tpu.memory_space<semaphore_mem>>) src(%arg8 : memref<128x128xf32, #tpu.memory_space<vmem>>) dst(%dma_wait3A_53 : memref<10240x128xf32, #tpu.memory_space<vmem_shared>>)
        tpu.yield
      }) : () -> ()
    }
    %scan3A_34 = arith.constant 80 : i32
    %barrier3A_35 = arith.constant 0 : index
    tpu.barrier barrier_id(%barrier3A_35)
    %mul3A_36 = arith.constant 640 : i32
    %mul3A_37 = arith.muli %arg1, %mul3A_36 : i32
    %mul3A_38 = arith.constant 640 : i32
    %mul3A_39 = arith.muli %arg1, %mul3A_38 : i32
    "tpu.region"() ({
      %run_scoped3A = tpu.sem_alloc : memref<!tpu.dma_semaphore, #tpu.memory_space<semaphore_mem>>
      %dma_start3A = arith.constant 0 : i32
      %dma_start3A_40 = tpu.memref_slice %arg5[%arg0, %mul3A_39, %dma_start3A] : memref<2x10240x128xf32, #tpu.memory_space<hbm>> -> memref<1x640x128xf32, #tpu.memory_space<hbm>>
      %dma_start3A_41 = tpu.memref_squeeze %dma_start3A_40 : memref<1x640x128xf32, #tpu.memory_space<hbm>> -> memref<640x128xf32, #tpu.memory_space<hbm>>
      %dma_start3A_42 = arith.constant 0 : i32
      %dma_start3A_43 = tpu.memref_slice %arg9[%mul3A_37, %dma_start3A_42] : memref<10240x128xf32, #tpu.memory_space<vmem_shared>> -> memref<640x128xf32, #tpu.memory_space<vmem_shared>>
      tpu.enqueue_dma source(%dma_start3A_43 : memref<640x128xf32, #tpu.memory_space<vmem_shared>>) target(%dma_start3A_41 : memref<640x128xf32, #tpu.memory_space<hbm>>) target_semaphore(%run_scoped3A : memref<!tpu.dma_semaphore, #tpu.memory_space<semaphore_mem>>)
      %dma_wait3A = arith.constant 0 : i32
      %dma_wait3A_44 = tpu.memref_slice %arg5[%arg0, %mul3A_39, %dma_wait3A] : memref<2x10240x128xf32, #tpu.memory_space<hbm>> -> memref<1x640x128xf32, #tpu.memory_space<hbm>>
      %dma_wait3A_45 = tpu.memref_squeeze %dma_wait3A_44 : memref<1x640x128xf32, #tpu.memory_space<hbm>> -> memref<640x128xf32, #tpu.memory_space<hbm>>
      %dma_wait3A_46 = arith.constant 0 : i32
      %dma_wait3A_47 = tpu.memref_slice %arg9[%mul3A_37, %dma_wait3A_46] : memref<10240x128xf32, #tpu.memory_space<vmem_shared>> -> memref<640x128xf32, #tpu.memory_space<vmem_shared>>
      tpu.wait_dma2 semaphore(%run_scoped3A : memref<!tpu.dma_semaphore, #tpu.memory_space<semaphore_mem>>) src(%dma_wait3A_47 : memref<640x128xf32, #tpu.memory_space<vmem_shared>>) dst(%dma_wait3A_45 : memref<640x128xf32, #tpu.memory_space<hbm>>)
      tpu.yield
    }) : () -> ()
    return
  }
}

#map = affine_map<(d0, d1) -> (0, 0)>
#map1 = affine_map<(d0, d1) -> (0)>
#map2 = affine_map<(d0, d1) -> (0, 0, 0)>
module attributes {stable_mosaic.version = 14 : i64} {
  func.func @agg(%arg0: i32, %arg1: i32, %arg2: memref<10000x128xf32, #tpu.memory_space<hbm>>, %arg3: memref<327680xi32, #tpu.memory_space<hbm>>, %arg4: memref<327680xi32, #tpu.memory_space<hbm>>, %arg5: memref<2x10240x128xf32, #tpu.memory_space<hbm>>, %arg6: memref<128xi32, #tpu.memory_space<vmem>>, %arg7: memref<128xi32, #tpu.memory_space<vmem>>, %arg8: memref<128x128xf32, #tpu.memory_space<vmem>>, %arg9: memref<10240x128xf32, #tpu.memory_space<vmem_shared>>, %arg10: memref<!tpu.dma_semaphore, #tpu.memory_space<semaphore_mem>>) attributes {dimension_semantics = [#tpu.dimension_semantics<core_parallel>, #tpu.dimension_semantics<subcore_parallel>], iteration_bounds = array<i64: 2, 16>, scalar_prefetch = 0 : i64, scratch_operands = 5 : i64, tpu.core_type = #tpu.core_type<sc_vector_subcore>, window_params = [{transform_indices = #map}, {transform_indices = #map1}, {transform_indices = #map1}, {transform_indices = #map2}]} {
    %mul3A = arith.constant 16 : i32
    %mul3A_0 = arith.muli %arg0, %mul3A : i32
    %add3A = arith.addi %mul3A_0, %arg1 : i32
    %broadcast_in_dim3A = arith.constant 0.000000e+00 : f32
    %broadcast_in_dim3A_1 = vector.broadcast %broadcast_in_dim3A : f32 to vector<16xf32>
    %scan3A = arith.constant 0 : i32
    %scan3A_2 = arith.constant 0 : i32
    %scan3A_3 = arith.constant 128 : i32
    %scan3A_4 = arith.addi %scan3A_2, %scan3A_3 : i32
    %scan3A_5 = arith.constant 1 : i32
    scf.for %scan3A_40 = %scan3A_2 to %scan3A_4 step %scan3A_5  : i32 {
      %swap3A = arith.index_cast %scan3A_40 : i32 to index
      %swap3A_41 = arith.constant 0 : index
      %swap3A_42 = tpu.vector_load %arg8[%swap3A, %swap3A_41] {strides = array<i32>} : memref<128x128xf32, #tpu.memory_space<vmem>>, vector<1x16xf32>,
      %swap3A_43 = vector.shape_cast %swap3A_42 : vector<1x16xf32> to vector<16xf32>
      %swap3A_44 = vector.shape_cast %broadcast_in_dim3A_1 : vector<16xf32> to vector<1x16xf32>
      tpu.vector_store %arg8[%swap3A, %swap3A_41], %swap3A_44 {strides = array<i32>} : memref<128x128xf32, #tpu.memory_space<vmem>>, vector<1x16xf32>,
      %swap3A_45 = arith.index_cast %scan3A_40 : i32 to index
      %swap3A_46 = arith.constant 16 : index
      %swap3A_47 = tpu.vector_load %arg8[%swap3A_45, %swap3A_46] {strides = array<i32>} : memref<128x128xf32, #tpu.memory_space<vmem>>, vector<1x16xf32>,
      %swap3A_48 = vector.shape_cast %swap3A_47 : vector<1x16xf32> to vector<16xf32>
      %swap3A_49 = vector.shape_cast %broadcast_in_dim3A_1 : vector<16xf32> to vector<1x16xf32>
      tpu.vector_store %arg8[%swap3A_45, %swap3A_46], %swap3A_49 {strides = array<i32>} : memref<128x128xf32, #tpu.memory_space<vmem>>, vector<1x16xf32>,
      %swap3A_50 = arith.index_cast %scan3A_40 : i32 to index
      %swap3A_51 = arith.constant 32 : index
      %swap3A_52 = tpu.vector_load %arg8[%swap3A_50, %swap3A_51] {strides = array<i32>} : memref<128x128xf32, #tpu.memory_space<vmem>>, vector<1x16xf32>,
      %swap3A_53 = vector.shape_cast %swap3A_52 : vector<1x16xf32> to vector<16xf32>
      %swap3A_54 = vector.shape_cast %broadcast_in_dim3A_1 : vector<16xf32> to vector<1x16xf32>
      tpu.vector_store %arg8[%swap3A_50, %swap3A_51], %swap3A_54 {strides = array<i32>} : memref<128x128xf32, #tpu.memory_space<vmem>>, vector<1x16xf32>,
      %swap3A_55 = arith.index_cast %scan3A_40 : i32 to index
      %swap3A_56 = arith.constant 48 : index
      %swap3A_57 = tpu.vector_load %arg8[%swap3A_55, %swap3A_56] {strides = array<i32>} : memref<128x128xf32, #tpu.memory_space<vmem>>, vector<1x16xf32>,
      %swap3A_58 = vector.shape_cast %swap3A_57 : vector<1x16xf32> to vector<16xf32>
      %swap3A_59 = vector.shape_cast %broadcast_in_dim3A_1 : vector<16xf32> to vector<1x16xf32>
      tpu.vector_store %arg8[%swap3A_55, %swap3A_56], %swap3A_59 {strides = array<i32>} : memref<128x128xf32, #tpu.memory_space<vmem>>, vector<1x16xf32>,
      %swap3A_60 = arith.index_cast %scan3A_40 : i32 to index
      %swap3A_61 = arith.constant 64 : index
      %swap3A_62 = tpu.vector_load %arg8[%swap3A_60, %swap3A_61] {strides = array<i32>} : memref<128x128xf32, #tpu.memory_space<vmem>>, vector<1x16xf32>,
      %swap3A_63 = vector.shape_cast %swap3A_62 : vector<1x16xf32> to vector<16xf32>
      %swap3A_64 = vector.shape_cast %broadcast_in_dim3A_1 : vector<16xf32> to vector<1x16xf32>
      tpu.vector_store %arg8[%swap3A_60, %swap3A_61], %swap3A_64 {strides = array<i32>} : memref<128x128xf32, #tpu.memory_space<vmem>>, vector<1x16xf32>,
      %swap3A_65 = arith.index_cast %scan3A_40 : i32 to index
      %swap3A_66 = arith.constant 80 : index
      %swap3A_67 = tpu.vector_load %arg8[%swap3A_65, %swap3A_66] {strides = array<i32>} : memref<128x128xf32, #tpu.memory_space<vmem>>, vector<1x16xf32>,
      %swap3A_68 = vector.shape_cast %swap3A_67 : vector<1x16xf32> to vector<16xf32>
      %swap3A_69 = vector.shape_cast %broadcast_in_dim3A_1 : vector<16xf32> to vector<1x16xf32>
      tpu.vector_store %arg8[%swap3A_65, %swap3A_66], %swap3A_69 {strides = array<i32>} : memref<128x128xf32, #tpu.memory_space<vmem>>, vector<1x16xf32>,
      %swap3A_70 = arith.index_cast %scan3A_40 : i32 to index
      %swap3A_71 = arith.constant 96 : index
      %swap3A_72 = tpu.vector_load %arg8[%swap3A_70, %swap3A_71] {strides = array<i32>} : memref<128x128xf32, #tpu.memory_space<vmem>>, vector<1x16xf32>,
      %swap3A_73 = vector.shape_cast %swap3A_72 : vector<1x16xf32> to vector<16xf32>
      %swap3A_74 = vector.shape_cast %broadcast_in_dim3A_1 : vector<16xf32> to vector<1x16xf32>
      tpu.vector_store %arg8[%swap3A_70, %swap3A_71], %swap3A_74 {strides = array<i32>} : memref<128x128xf32, #tpu.memory_space<vmem>>, vector<1x16xf32>,
      %swap3A_75 = arith.index_cast %scan3A_40 : i32 to index
      %swap3A_76 = arith.constant 112 : index
      %swap3A_77 = tpu.vector_load %arg8[%swap3A_75, %swap3A_76] {strides = array<i32>} : memref<128x128xf32, #tpu.memory_space<vmem>>, vector<1x16xf32>,
      %swap3A_78 = vector.shape_cast %swap3A_77 : vector<1x16xf32> to vector<16xf32>
      %swap3A_79 = vector.shape_cast %broadcast_in_dim3A_1 : vector<16xf32> to vector<1x16xf32>
      tpu.vector_store %arg8[%swap3A_75, %swap3A_76], %swap3A_79 {strides = array<i32>} : memref<128x128xf32, #tpu.memory_space<vmem>>, vector<1x16xf32>,
    }
    %scan3A_6 = arith.constant 128 : i32
    %mul3A_7 = arith.constant 640 : i32
    %mul3A_8 = arith.muli %arg1, %mul3A_7 : i32
    %add3A_9 = arith.constant 0 : i32
    %add3A_10 = arith.addi %mul3A_8, %add3A_9 : i32
    "tpu.region"() ({
      %run_scoped3A = tpu.sem_alloc : memref<!tpu.dma_semaphore, #tpu.memory_space<semaphore_mem>>
      %dma_start3A = arith.constant 0 : i32
      %dma_start3A_40 = tpu.memref_slice %arg9[%add3A_10, %dma_start3A] : memref<10240x128xf32, #tpu.memory_space<vmem_shared>> -> memref<128x128xf32, #tpu.memory_space<vmem_shared>>
      %dma_start3A_41 = arith.constant 0 : i32
      %dma_start3A_42 = tpu.memref_slice %arg9[%add3A_10, %dma_start3A_41] : memref<10240x128xf32, #tpu.memory_space<vmem_shared>> -> memref<128x128xf32, #tpu.memory_space<vmem_shared>>
      tpu.enqueue_dma source(%arg8 : memref<128x128xf32, #tpu.memory_space<vmem>>) target(%dma_start3A_42 : memref<128x128xf32, #tpu.memory_space<vmem_shared>>) target_semaphore(%run_scoped3A : memref<!tpu.dma_semaphore, #tpu.memory_space<semaphore_mem>>)
      %dma_wait3A = arith.constant 0 : i32
      %dma_wait3A_43 = tpu.memref_slice %arg9[%add3A_10, %dma_wait3A] : memref<10240x128xf32, #tpu.memory_space<vmem_shared>> -> memref<128x128xf32, #tpu.memory_space<vmem_shared>>
      %dma_wait3A_44 = arith.constant 0 : i32
      %dma_wait3A_45 = tpu.memref_slice %arg9[%add3A_10, %dma_wait3A_44] : memref<10240x128xf32, #tpu.memory_space<vmem_shared>> -> memref<128x128xf32, #tpu.memory_space<vmem_shared>>
      tpu.wait_dma2 semaphore(%run_scoped3A : memref<!tpu.dma_semaphore, #tpu.memory_space<semaphore_mem>>) src(%arg8 : memref<128x128xf32, #tpu.memory_space<vmem>>) dst(%dma_wait3A_45 : memref<128x128xf32, #tpu.memory_space<vmem_shared>>)
      tpu.yield
    }) : () -> ()
    %mul3A_11 = arith.constant 640 : i32
    %mul3A_12 = arith.muli %arg1, %mul3A_11 : i32
    %add3A_13 = arith.constant 128 : i32
    %add3A_14 = arith.addi %mul3A_12, %add3A_13 : i32
    "tpu.region"() ({
      %run_scoped3A = tpu.sem_alloc : memref<!tpu.dma_semaphore, #tpu.memory_space<semaphore_mem>>
      %dma_start3A = arith.constant 0 : i32
      %dma_start3A_40 = tpu.memref_slice %arg9[%add3A_14, %dma_start3A] : memref<10240x128xf32, #tpu.memory_space<vmem_shared>> -> memref<128x128xf32, #tpu.memory_space<vmem_shared>>
      %dma_start3A_41 = arith.constant 0 : i32
      %dma_start3A_42 = tpu.memref_slice %arg9[%add3A_14, %dma_start3A_41] : memref<10240x128xf32, #tpu.memory_space<vmem_shared>> -> memref<128x128xf32, #tpu.memory_space<vmem_shared>>
      tpu.enqueue_dma source(%arg8 : memref<128x128xf32, #tpu.memory_space<vmem>>) target(%dma_start3A_42 : memref<128x128xf32, #tpu.memory_space<vmem_shared>>) target_semaphore(%run_scoped3A : memref<!tpu.dma_semaphore, #tpu.memory_space<semaphore_mem>>)
      %dma_wait3A = arith.constant 0 : i32
      %dma_wait3A_43 = tpu.memref_slice %arg9[%add3A_14, %dma_wait3A] : memref<10240x128xf32, #tpu.memory_space<vmem_shared>> -> memref<128x128xf32, #tpu.memory_space<vmem_shared>>
      %dma_wait3A_44 = arith.constant 0 : i32
      %dma_wait3A_45 = tpu.memref_slice %arg9[%add3A_14, %dma_wait3A_44] : memref<10240x128xf32, #tpu.memory_space<vmem_shared>> -> memref<128x128xf32, #tpu.memory_space<vmem_shared>>
      tpu.wait_dma2 semaphore(%run_scoped3A : memref<!tpu.dma_semaphore, #tpu.memory_space<semaphore_mem>>) src(%arg8 : memref<128x128xf32, #tpu.memory_space<vmem>>) dst(%dma_wait3A_45 : memref<128x128xf32, #tpu.memory_space<vmem_shared>>)
      tpu.yield
    }) : () -> ()
    %mul3A_15 = arith.constant 640 : i32
    %mul3A_16 = arith.muli %arg1, %mul3A_15 : i32
    %add3A_17 = arith.constant 256 : i32
    %add3A_18 = arith.addi %mul3A_16, %add3A_17 : i32
    "tpu.region"() ({
      %run_scoped3A = tpu.sem_alloc : memref<!tpu.dma_semaphore, #tpu.memory_space<semaphore_mem>>
      %dma_start3A = arith.constant 0 : i32
      %dma_start3A_40 = tpu.memref_slice %arg9[%add3A_18, %dma_start3A] : memref<10240x128xf32, #tpu.memory_space<vmem_shared>> -> memref<128x128xf32, #tpu.memory_space<vmem_shared>>
      %dma_start3A_41 = arith.constant 0 : i32
      %dma_start3A_42 = tpu.memref_slice %arg9[%add3A_18, %dma_start3A_41] : memref<10240x128xf32, #tpu.memory_space<vmem_shared>> -> memref<128x128xf32, #tpu.memory_space<vmem_shared>>
      tpu.enqueue_dma source(%arg8 : memref<128x128xf32, #tpu.memory_space<vmem>>) target(%dma_start3A_42 : memref<128x128xf32, #tpu.memory_space<vmem_shared>>) target_semaphore(%run_scoped3A : memref<!tpu.dma_semaphore, #tpu.memory_space<semaphore_mem>>)
      %dma_wait3A = arith.constant 0 : i32
      %dma_wait3A_43 = tpu.memref_slice %arg9[%add3A_18, %dma_wait3A] : memref<10240x128xf32, #tpu.memory_space<vmem_shared>> -> memref<128x128xf32, #tpu.memory_space<vmem_shared>>
      %dma_wait3A_44 = arith.constant 0 : i32
      %dma_wait3A_45 = tpu.memref_slice %arg9[%add3A_18, %dma_wait3A_44] : memref<10240x128xf32, #tpu.memory_space<vmem_shared>> -> memref<128x128xf32, #tpu.memory_space<vmem_shared>>
      tpu.wait_dma2 semaphore(%run_scoped3A : memref<!tpu.dma_semaphore, #tpu.memory_space<semaphore_mem>>) src(%arg8 : memref<128x128xf32, #tpu.memory_space<vmem>>) dst(%dma_wait3A_45 : memref<128x128xf32, #tpu.memory_space<vmem_shared>>)
      tpu.yield
    }) : () -> ()
    %mul3A_19 = arith.constant 640 : i32
    %mul3A_20 = arith.muli %arg1, %mul3A_19 : i32
    %add3A_21 = arith.constant 384 : i32
    %add3A_22 = arith.addi %mul3A_20, %add3A_21 : i32
    "tpu.region"() ({
      %run_scoped3A = tpu.sem_alloc : memref<!tpu.dma_semaphore, #tpu.memory_space<semaphore_mem>>
      %dma_start3A = arith.constant 0 : i32
      %dma_start3A_40 = tpu.memref_slice %arg9[%add3A_22, %dma_start3A] : memref<10240x128xf32, #tpu.memory_space<vmem_shared>> -> memref<128x128xf32, #tpu.memory_space<vmem_shared>>
      %dma_start3A_41 = arith.constant 0 : i32
      %dma_start3A_42 = tpu.memref_slice %arg9[%add3A_22, %dma_start3A_41] : memref<10240x128xf32, #tpu.memory_space<vmem_shared>> -> memref<128x128xf32, #tpu.memory_space<vmem_shared>>
      tpu.enqueue_dma source(%arg8 : memref<128x128xf32, #tpu.memory_space<vmem>>) target(%dma_start3A_42 : memref<128x128xf32, #tpu.memory_space<vmem_shared>>) target_semaphore(%run_scoped3A : memref<!tpu.dma_semaphore, #tpu.memory_space<semaphore_mem>>)
      %dma_wait3A = arith.constant 0 : i32
      %dma_wait3A_43 = tpu.memref_slice %arg9[%add3A_22, %dma_wait3A] : memref<10240x128xf32, #tpu.memory_space<vmem_shared>> -> memref<128x128xf32, #tpu.memory_space<vmem_shared>>
      %dma_wait3A_44 = arith.constant 0 : i32
      %dma_wait3A_45 = tpu.memref_slice %arg9[%add3A_22, %dma_wait3A_44] : memref<10240x128xf32, #tpu.memory_space<vmem_shared>> -> memref<128x128xf32, #tpu.memory_space<vmem_shared>>
      tpu.wait_dma2 semaphore(%run_scoped3A : memref<!tpu.dma_semaphore, #tpu.memory_space<semaphore_mem>>) src(%arg8 : memref<128x128xf32, #tpu.memory_space<vmem>>) dst(%dma_wait3A_45 : memref<128x128xf32, #tpu.memory_space<vmem_shared>>)
      tpu.yield
    }) : () -> ()
    %mul3A_23 = arith.constant 640 : i32
    %mul3A_24 = arith.muli %arg1, %mul3A_23 : i32
    %add3A_25 = arith.constant 512 : i32
    %add3A_26 = arith.addi %mul3A_24, %add3A_25 : i32
    "tpu.region"() ({
      %run_scoped3A = tpu.sem_alloc : memref<!tpu.dma_semaphore, #tpu.memory_space<semaphore_mem>>
      %dma_start3A = arith.constant 0 : i32
      %dma_start3A_40 = tpu.memref_slice %arg9[%add3A_26, %dma_start3A] : memref<10240x128xf32, #tpu.memory_space<vmem_shared>> -> memref<128x128xf32, #tpu.memory_space<vmem_shared>>
      %dma_start3A_41 = arith.constant 0 : i32
      %dma_start3A_42 = tpu.memref_slice %arg9[%add3A_26, %dma_start3A_41] : memref<10240x128xf32, #tpu.memory_space<vmem_shared>> -> memref<128x128xf32, #tpu.memory_space<vmem_shared>>
      tpu.enqueue_dma source(%arg8 : memref<128x128xf32, #tpu.memory_space<vmem>>) target(%dma_start3A_42 : memref<128x128xf32, #tpu.memory_space<vmem_shared>>) target_semaphore(%run_scoped3A : memref<!tpu.dma_semaphore, #tpu.memory_space<semaphore_mem>>)
      %dma_wait3A = arith.constant 0 : i32
      %dma_wait3A_43 = tpu.memref_slice %arg9[%add3A_26, %dma_wait3A] : memref<10240x128xf32, #tpu.memory_space<vmem_shared>> -> memref<128x128xf32, #tpu.memory_space<vmem_shared>>
      %dma_wait3A_44 = arith.constant 0 : i32
      %dma_wait3A_45 = tpu.memref_slice %arg9[%add3A_26, %dma_wait3A_44] : memref<10240x128xf32, #tpu.memory_space<vmem_shared>> -> memref<128x128xf32, #tpu.memory_space<vmem_shared>>
      tpu.wait_dma2 semaphore(%run_scoped3A : memref<!tpu.dma_semaphore, #tpu.memory_space<semaphore_mem>>) src(%arg8 : memref<128x128xf32, #tpu.memory_space<vmem>>) dst(%dma_wait3A_45 : memref<128x128xf32, #tpu.memory_space<vmem_shared>>)
      tpu.yield
    }) : () -> ()
    %barrier3A = arith.constant 0 : index
    tpu.barrier barrier_id(%barrier3A)
    %mul3A_27 = arith.constant 10240 : i32
    %mul3A_28 = arith.muli %add3A, %mul3A_27 : i32
    %scan3A_29 = arith.constant 0 : i32
    %scan3A_30 = arith.constant 0 : i32
    %scan3A_31 = arith.constant 80 : i32
    %scan3A_32 = arith.addi %scan3A_30, %scan3A_31 : i32
    %scan3A_33 = arith.constant 1 : i32
    scf.for %scan3A_40 = %scan3A_30 to %scan3A_32 step %scan3A_33  : i32 {
      %mul3A_41 = arith.constant 128 : i32
      %mul3A_42 = arith.muli %scan3A_40, %mul3A_41 : i32
      %add3A_43 = arith.addi %mul3A_28, %mul3A_42 : i32
      "tpu.region"() ({
        %run_scoped3A = tpu.sem_alloc : memref<!tpu.dma_semaphore, #tpu.memory_space<semaphore_mem>>
        %dma_start3A_48 = tpu.memref_slice %arg3[%add3A_43] : memref<327680xi32, #tpu.memory_space<hbm>> -> memref<128xi32, #tpu.memory_space<hbm>>
        %dma_start3A_49 = tpu.memref_slice %arg3[%add3A_43] : memref<327680xi32, #tpu.memory_space<hbm>> -> memref<128xi32, #tpu.memory_space<hbm>>
        tpu.enqueue_dma source(%dma_start3A_49 : memref<128xi32, #tpu.memory_space<hbm>>) target(%arg6 : memref<128xi32, #tpu.memory_space<vmem>>) target_semaphore(%run_scoped3A : memref<!tpu.dma_semaphore, #tpu.memory_space<semaphore_mem>>)
        %dma_wait3A_50 = tpu.memref_slice %arg3[%add3A_43] : memref<327680xi32, #tpu.memory_space<hbm>> -> memref<128xi32, #tpu.memory_space<hbm>>
        %dma_wait3A_51 = tpu.memref_slice %arg3[%add3A_43] : memref<327680xi32, #tpu.memory_space<hbm>> -> memref<128xi32, #tpu.memory_space<hbm>>
        tpu.wait_dma2 semaphore(%run_scoped3A : memref<!tpu.dma_semaphore, #tpu.memory_space<semaphore_mem>>) src(%dma_wait3A_51 : memref<128xi32, #tpu.memory_space<hbm>>) dst(%arg6 : memref<128xi32, #tpu.memory_space<vmem>>)
        tpu.yield
      }) : () -> ()
      "tpu.region"() ({
        %run_scoped3A = tpu.sem_alloc : memref<!tpu.dma_semaphore, #tpu.memory_space<semaphore_mem>>
        %dma_start3A_48 = tpu.memref_slice %arg4[%add3A_43] : memref<327680xi32, #tpu.memory_space<hbm>> -> memref<128xi32, #tpu.memory_space<hbm>>
        %dma_start3A_49 = tpu.memref_slice %arg4[%add3A_43] : memref<327680xi32, #tpu.memory_space<hbm>> -> memref<128xi32, #tpu.memory_space<hbm>>
        tpu.enqueue_dma source(%dma_start3A_49 : memref<128xi32, #tpu.memory_space<hbm>>) target(%arg7 : memref<128xi32, #tpu.memory_space<vmem>>) target_semaphore(%run_scoped3A : memref<!tpu.dma_semaphore, #tpu.memory_space<semaphore_mem>>)
        %dma_wait3A_50 = tpu.memref_slice %arg4[%add3A_43] : memref<327680xi32, #tpu.memory_space<hbm>> -> memref<128xi32, #tpu.memory_space<hbm>>
        %dma_wait3A_51 = tpu.memref_slice %arg4[%add3A_43] : memref<327680xi32, #tpu.memory_space<hbm>> -> memref<128xi32, #tpu.memory_space<hbm>>
        tpu.wait_dma2 semaphore(%run_scoped3A : memref<!tpu.dma_semaphore, #tpu.memory_space<semaphore_mem>>) src(%dma_wait3A_51 : memref<128xi32, #tpu.memory_space<hbm>>) dst(%arg7 : memref<128xi32, #tpu.memory_space<vmem>>)
        tpu.yield
      }) : () -> ()
      %dma_start3A = arith.constant 0 : i32
      %dma_start3A_44 = arith.constant 0 : i32
      %dma_start3A_45 = tpu.memref_slice %arg2[%dma_start3A, %dma_start3A_44] : memref<10000x128xf32, #tpu.memory_space<hbm>> -> memref<10000x128xf32, #tpu.memory_space<hbm>>
      tpu.enqueue_indirect_dma source(%dma_start3A_45 : memref<10000x128xf32, #tpu.memory_space<hbm>>) target(%arg8 : memref<128x128xf32, #tpu.memory_space<vmem>>) offsets(%arg6 : memref<128xi32, #tpu.memory_space<vmem>>) semaphore(%arg10 : memref<!tpu.dma_semaphore, #tpu.memory_space<semaphore_mem>>)
      %dma_wait3A = arith.constant 0 : i32
      %dma_wait3A_46 = arith.constant 0 : i32
      %dma_wait3A_47 = tpu.memref_slice %arg2[%dma_wait3A, %dma_wait3A_46] : memref<10000x128xf32, #tpu.memory_space<hbm>> -> memref<10000x128xf32, #tpu.memory_space<hbm>>
      tpu.wait_indirect_dma semaphore(%arg10 : memref<!tpu.dma_semaphore, #tpu.memory_space<semaphore_mem>>) src(%dma_wait3A_47 : memref<10000x128xf32, #tpu.memory_space<hbm>>) dst(%arg8 : memref<128x128xf32, #tpu.memory_space<vmem>>)
      "tpu.region"() ({
        %run_scoped3A = tpu.sem_alloc : memref<!tpu.dma_semaphore, #tpu.memory_space<semaphore_mem>>
        %dma_start3A_48 = arith.constant 0 : i32
        %dma_start3A_49 = arith.constant 0 : i32
        %dma_start3A_50 = tpu.memref_slice %arg9[%dma_start3A_48, %dma_start3A_49] : memref<10240x128xf32, #tpu.memory_space<vmem_shared>> -> memref<10240x128xf32, #tpu.memory_space<vmem_shared>>
        tpu.enqueue_indirect_dma source(%arg8 : memref<128x128xf32, #tpu.memory_space<vmem>>) target(%dma_start3A_50 : memref<10240x128xf32, #tpu.memory_space<vmem_shared>>) offsets(%arg7 : memref<128xi32, #tpu.memory_space<vmem>>) semaphore(%run_scoped3A : memref<!tpu.dma_semaphore, #tpu.memory_space<semaphore_mem>>) {add = true}
        %dma_wait3A_51 = arith.constant 0 : i32
        %dma_wait3A_52 = arith.constant 0 : i32
        %dma_wait3A_53 = tpu.memref_slice %arg9[%dma_wait3A_51, %dma_wait3A_52] : memref<10240x128xf32, #tpu.memory_space<vmem_shared>> -> memref<10240x128xf32, #tpu.memory_space<vmem_shared>>
        tpu.wait_indirect_dma semaphore(%run_scoped3A : memref<!tpu.dma_semaphore, #tpu.memory_space<semaphore_mem>>) src(%arg8 : memref<128x128xf32, #tpu.memory_space<vmem>>) dst(%dma_wait3A_53 : memref<10240x128xf32, #tpu.memory_space<vmem_shared>>)
        tpu.yield
      }) : () -> ()
    }
    %scan3A_34 = arith.constant 80 : i32
    %barrier3A_35 = arith.constant 0 : index
    tpu.barrier barrier_id(%barrier3A_35)
    %mul3A_36 = arith.constant 640 : i32
    %mul3A_37 = arith.muli %arg1, %mul3A_36 : i32
    %mul3A_38 = arith.constant 640 : i32
    %mul3A_39 = arith.muli %arg1, %mul3A_38 : i32
    "tpu.region"() ({
      %run_scoped3A = tpu.sem_alloc : memref<!tpu.dma_semaphore, #tpu.memory_space<semaphore_mem>>
      %dma_start3A = arith.constant 0 : i32
      %dma_start3A_40 = tpu.memref_slice %arg5[%arg0, %mul3A_39, %dma_start3A] : memref<2x10240x128xf32, #tpu.memory_space<hbm>> -> memref<1x640x128xf32, #tpu.memory_space<hbm>>
      %dma_start3A_41 = tpu.memref_squeeze %dma_start3A_40 : memref<1x640x128xf32, #tpu.memory_space<hbm>> -> memref<640x128xf32, #tpu.memory_space<hbm>>
      %dma_start3A_42 = arith.constant 0 : i32
      %dma_start3A_43 = tpu.memref_slice %arg9[%mul3A_37, %dma_start3A_42] : memref<10240x128xf32, #tpu.memory_space<vmem_shared>> -> memref<640x128xf32, #tpu.memory_space<vmem_shared>>
      tpu.enqueue_dma source(%dma_start3A_43 : memref<640x128xf32, #tpu.memory_space<vmem_shared>>) target(%dma_start3A_41 : memref<640x128xf32, #tpu.memory_space<hbm>>) target_semaphore(%run_scoped3A : memref<!tpu.dma_semaphore, #tpu.memory_space<semaphore_mem>>)
      %dma_wait3A = arith.constant 0 : i32
      %dma_wait3A_44 = tpu.memref_slice %arg5[%arg0, %mul3A_39, %dma_wait3A] : memref<2x10240x128xf32, #tpu.memory_space<hbm>> -> memref<1x640x128xf32, #tpu.memory_space<hbm>>
      %dma_wait3A_45 = tpu.memref_squeeze %dma_wait3A_44 : memref<1x640x128xf32, #tpu.memory_space<hbm>> -> memref<640x128xf32, #tpu.memory_space<hbm>>
      %dma_wait3A_46 = arith.constant 0 : i32
      %dma_wait3A_47 = tpu.memref_slice %arg9[%mul3A_37, %dma_wait3A_46] : memref<10240x128xf32, #tpu.memory_space<vmem_shared>> -> memref<640x128xf32, #tpu.memory_space<vmem_shared>>
      tpu.wait_dma2 semaphore(%run_scoped3A : memref<!tpu.dma_semaphore, #tpu.memory_space<semaphore_mem>>) src(%dma_wait3A_47 : memref<640x128xf32, #tpu.memory_space<vmem_shared>>) dst(%dma_wait3A_45 : memref<640x128xf32, #tpu.memory_space<hbm>>)
      tpu.yield
    }) : () -> ()
    return
  }
}

module attributes {stable_mosaic.version = 14 : i64} {
  func.func @body(%arg0: i32, %arg1: memref<2x1000x128xf32, #tpu.memory_space<vmem>>, %arg2: memref<2x1000x128xf32, #tpu.memory_space<vmem>>, %arg3: memref<1000x224xf32, #tpu.memory_space<vmem>>, %arg4: memref<256x128xf32, #tpu.memory_space<vmem>>, %arg5: memref<224x128xf32, #tpu.memory_space<vmem>>, %arg6: memref<1x128xf32, #tpu.memory_space<vmem>>, %arg7: memref<1000x128xf32, #tpu.memory_space<vmem>>) attributes {dimension_semantics = [#tpu.dimension_semantics<arbitrary>], iteration_bounds = array<i64: 10>, scalar_prefetch = 0 : i64, scratch_operands = 0 : i64, tpu.core_type = #tpu.core_type<tc>, window_params = [{transform_indices = @transform_0, window_bounds = array<i64: 2, 1000, 128>}, {transform_indices = @transform_1, window_bounds = array<i64: 2, 1000, 128>}, {transform_indices = @transform_2, window_bounds = array<i64: 1000, 224>}, {pipeline_mode = #tpu.pipeline_mode<synchronous>, transform_indices = @transform_3, window_bounds = array<i64: 256, 128>}, {pipeline_mode = #tpu.pipeline_mode<synchronous>, transform_indices = @transform_4, window_bounds = array<i64: 224, 128>}, {pipeline_mode = #tpu.pipeline_mode<synchronous>, transform_indices = @transform_5, window_bounds = array<i64: 1, 128>}, {transform_indices = @transform_6, window_bounds = array<i64: 1000, 128>}]} {
    %get3A = arith.constant 0 : index
    %get3A_0 = arith.constant 0 : index
    %get3A_1 = arith.constant 96 : index
    %get3A_2 = vector.load %arg2[%get3A, %get3A_0, %get3A_1] : memref<2x1000x128xf32, #tpu.memory_space<vmem>>, vector<1x1000x1xf32>
    %get3A_3 = vector.shape_cast %get3A_2 : vector<1x1000x1xf32> to vector<1000x1xf32>
    %get3A_4 = arith.constant 1 : index
    %get3A_5 = arith.constant 0 : index
    %get3A_6 = arith.constant 96 : index
    %get3A_7 = vector.load %arg2[%get3A_4, %get3A_5, %get3A_6] : memref<2x1000x128xf32, #tpu.memory_space<vmem>>, vector<1x1000x1xf32>
    %get3A_8 = vector.shape_cast %get3A_7 : vector<1x1000x1xf32> to vector<1000x1xf32>
    %add3A = arith.addf %get3A_3, %get3A_8 : vector<1000x1xf32>
    %max3A = arith.constant 1.000000e+00 : f32
    %max3A_9 = vector.broadcast %max3A : f32 to vector<1000x1xf32>
    %max3A_10 = arith.maximumf %add3A, %max3A_9 : vector<1000x1xf32>
    %get3A_11 = arith.constant 0 : index
    %get3A_12 = arith.constant 0 : index
    %get3A_13 = arith.constant 0 : index
    %get3A_14 = vector.load %arg1[%get3A_11, %get3A_12, %get3A_13] : memref<2x1000x128xf32, #tpu.memory_space<vmem>>, vector<1x1000x128xf32>
    %get3A_15 = vector.shape_cast %get3A_14 : vector<1x1000x128xf32> to vector<1000x128xf32>
    %get3A_16 = arith.constant 1 : index
    %get3A_17 = arith.constant 0 : index
    %get3A_18 = arith.constant 0 : index
    %get3A_19 = vector.load %arg1[%get3A_16, %get3A_17, %get3A_18] : memref<2x1000x128xf32, #tpu.memory_space<vmem>>, vector<1x1000x128xf32>
    %get3A_20 = vector.shape_cast %get3A_19 : vector<1x1000x128xf32> to vector<1000x128xf32>
    %add3A_21 = arith.addf %get3A_15, %get3A_20 : vector<1000x128xf32>
    %div3A = vector.broadcast %max3A_10 : vector<1000x1xf32> to vector<1000x128xf32>
    %div3A_22 = arith.divf %add3A_21, %div3A : vector<1000x128xf32>
    %get3A_23 = arith.constant 0 : index
    %get3A_24 = arith.constant 0 : index
    %get3A_25 = arith.constant 0 : index
    %get3A_26 = vector.load %arg2[%get3A_23, %get3A_24, %get3A_25] : memref<2x1000x128xf32, #tpu.memory_space<vmem>>, vector<1x1000x128xf32>
    %get3A_27 = vector.shape_cast %get3A_26 : vector<1x1000x128xf32> to vector<1000x128xf32>
    %get3A_28 = arith.constant 1 : index
    %get3A_29 = arith.constant 0 : index
    %get3A_30 = arith.constant 0 : index
    %get3A_31 = vector.load %arg2[%get3A_28, %get3A_29, %get3A_30] : memref<2x1000x128xf32, #tpu.memory_space<vmem>>, vector<1x1000x128xf32>
    %get3A_32 = vector.shape_cast %get3A_31 : vector<1x1000x128xf32> to vector<1000x128xf32>
    %add3A_33 = arith.addf %get3A_27, %get3A_32 : vector<1000x128xf32>
    %div3A_34 = vector.broadcast %max3A_10 : vector<1000x1xf32> to vector<1000x128xf32>
    %div3A_35 = arith.divf %add3A_33, %div3A_34 : vector<1000x128xf32>
    %get3A_36 = arith.constant 0 : index
    %get3A_37 = arith.constant 0 : index
    %get3A_38 = vector.load %arg4[%get3A_36, %get3A_37] : memref<256x128xf32, #tpu.memory_space<vmem>>, vector<128x128xf32>
    %dot_general3A = arith.constant dense<0.000000e+00> : vector<1000x128xf32>
    %dot_general3A_39 = tpu.matmul %div3A_22, %get3A_38, %dot_general3A {dimension_numbers = #tpu.dot_dimension_numbers<[1], [0], [0], [1], [0, 0, 1, 1], [], []>, transpose_lhs_hint = false} : vector<1000x128xf32>, vector<128x128xf32>, vector<1000x128xf32> -> vector<1000x128xf32>
    %get3A_40 = arith.constant 128 : index
    %get3A_41 = arith.constant 0 : index
    %get3A_42 = vector.load %arg4[%get3A_40, %get3A_41] : memref<256x128xf32, #tpu.memory_space<vmem>>, vector<128x128xf32>
    %dot_general3A_43 = arith.constant dense<0.000000e+00> : vector<1000x128xf32>
    %dot_general3A_44 = tpu.matmul %div3A_35, %get3A_42, %dot_general3A_43 {dimension_numbers = #tpu.dot_dimension_numbers<[1], [0], [0], [1], [0, 0, 1, 1], [], []>, transpose_lhs_hint = false} : vector<1000x128xf32>, vector<128x128xf32>, vector<1000x128xf32> -> vector<1000x128xf32>
    %add3A_45 = arith.addf %dot_general3A_39, %dot_general3A_44 : vector<1000x128xf32>
    %get3A_46 = arith.constant 0 : index
    %get3A_47 = arith.constant 0 : index
    %get3A_48 = vector.load %arg3[%get3A_46, %get3A_47] : memref<1000x224xf32, #tpu.memory_space<vmem>>, vector<1000x224xf32>
    %get3A_49 = arith.constant 0 : index
    %get3A_50 = arith.constant 0 : index
    %get3A_51 = vector.load %arg5[%get3A_49, %get3A_50] : memref<224x128xf32, #tpu.memory_space<vmem>>, vector<224x128xf32>
    %dot_general3A_52 = arith.constant dense<0.000000e+00> : vector<1000x128xf32>
    %dot_general3A_53 = tpu.matmul %get3A_48, %get3A_51, %dot_general3A_52 {dimension_numbers = #tpu.dot_dimension_numbers<[1], [0], [0], [1], [0, 0, 1, 1], [], []>, transpose_lhs_hint = false} : vector<1000x224xf32>, vector<224x128xf32>, vector<1000x128xf32> -> vector<1000x128xf32>
    %add3A_54 = arith.addf %add3A_45, %dot_general3A_53 : vector<1000x128xf32>
    %get3A_55 = arith.constant 0 : index
    %get3A_56 = arith.constant 0 : index
    %get3A_57 = vector.load %arg6[%get3A_55, %get3A_56] : memref<1x128xf32, #tpu.memory_space<vmem>>, vector<1x128xf32>
    %add3A_58 = vector.broadcast %get3A_57 : vector<1x128xf32> to vector<1000x128xf32>
    %add3A_59 = arith.addf %add3A_54, %add3A_58 : vector<1000x128xf32>
    %max3A_60 = arith.constant 0.000000e+00 : f32
    %max3A_61 = vector.broadcast %max3A_60 : f32 to vector<1000x128xf32>
    %max3A_62 = arith.maximumf %add3A_59, %max3A_61 : vector<1000x128xf32>
    %swap3A = arith.constant 0 : index
    %swap3A_63 = arith.constant 0 : index
    %swap3A_64 = vector.load %arg7[%swap3A, %swap3A_63] : memref<1000x128xf32, #tpu.memory_space<vmem>>, vector<1000x128xf32>
    tpu.vector_store %arg7[%swap3A, %swap3A_63], %max3A_62 {strides = array<i32>} : memref<1000x128xf32, #tpu.memory_space<vmem>>, vector<1000x128xf32>,
    return
  }
  func.func @transform_0(%arg0: i32) -> (i32, i32, i32) {
    %c0_i32 = arith.constant 0 : i32
    %c0_i32_0 = arith.constant 0 : i32
    %c0_i32_1 = arith.constant 0 : i32
    return %c0_i32, %arg0, %c0_i32_0 : i32, i32, i32
  }
  func.func @transform_1(%arg0: i32) -> (i32, i32, i32) {
    %c0_i32 = arith.constant 0 : i32
    %c0_i32_0 = arith.constant 0 : i32
    %c0_i32_1 = arith.constant 0 : i32
    return %c0_i32, %arg0, %c0_i32_0 : i32, i32, i32
  }
  func.func @transform_2(%arg0: i32) -> (i32, i32) {
    %c0_i32 = arith.constant 0 : i32
    %c0_i32_0 = arith.constant 0 : i32
    return %arg0, %c0_i32 : i32, i32
  }
  func.func @transform_3(%arg0: i32) -> (i32, i32) {
    %c0_i32 = arith.constant 0 : i32
    %c0_i32_0 = arith.constant 0 : i32
    %c0_i32_1 = arith.constant 0 : i32
    return %c0_i32, %c0_i32_0 : i32, i32
  }
  func.func @transform_4(%arg0: i32) -> (i32, i32) {
    %c0_i32 = arith.constant 0 : i32
    %c0_i32_0 = arith.constant 0 : i32
    %c0_i32_1 = arith.constant 0 : i32
    return %c0_i32, %c0_i32_0 : i32, i32
  }
  func.func @transform_5(%arg0: i32) -> (i32, i32) {
    %c0_i32 = arith.constant 0 : i32
    %c0_i32_0 = arith.constant 0 : i32
    %c0_i32_1 = arith.constant 0 : i32
    return %c0_i32, %c0_i32_0 : i32, i32
  }
  func.func @transform_6(%arg0: i32) -> (i32, i32) {
    %c0_i32 = arith.constant 0 : i32
    %c0_i32_0 = arith.constant 0 : i32
    return %arg0, %c0_i32 : i32, i32
  }
}

module attributes {stable_mosaic.version = 14 : i64} {
  func.func @body(%arg0: i32, %arg1: memref<2x1000x128xf32, #tpu.memory_space<vmem>>, %arg2: memref<2x1000x128xf32, #tpu.memory_space<vmem>>, %arg3: memref<1000x128xf32, #tpu.memory_space<vmem>>, %arg4: memref<128x128xf32, #tpu.memory_space<vmem>>, %arg5: memref<128x128xf32, #tpu.memory_space<vmem>>, %arg6: memref<1x128xf32, #tpu.memory_space<vmem>>, %arg7: memref<1000x128xf32, #tpu.memory_space<vmem>>) attributes {dimension_semantics = [#tpu.dimension_semantics<arbitrary>], iteration_bounds = array<i64: 10>, scalar_prefetch = 0 : i64, scratch_operands = 0 : i64, tpu.core_type = #tpu.core_type<tc>, window_params = [{transform_indices = @transform_0, window_bounds = array<i64: 2, 1000, 128>}, {transform_indices = @transform_1, window_bounds = array<i64: 2, 1000, 128>}, {transform_indices = @transform_2, window_bounds = array<i64: 1000, 128>}, {pipeline_mode = #tpu.pipeline_mode<synchronous>, transform_indices = @transform_3, window_bounds = array<i64: 128, 128>}, {pipeline_mode = #tpu.pipeline_mode<synchronous>, transform_indices = @transform_4, window_bounds = array<i64: 128, 128>}, {pipeline_mode = #tpu.pipeline_mode<synchronous>, transform_indices = @transform_5, window_bounds = array<i64: 1, 128>}, {transform_indices = @transform_6, window_bounds = array<i64: 1000, 128>}]} {
    %get3A = arith.constant 0 : index
    %get3A_0 = arith.constant 0 : index
    %get3A_1 = arith.constant 96 : index
    %get3A_2 = vector.load %arg2[%get3A, %get3A_0, %get3A_1] : memref<2x1000x128xf32, #tpu.memory_space<vmem>>, vector<1x1000x1xf32>
    %get3A_3 = vector.shape_cast %get3A_2 : vector<1x1000x1xf32> to vector<1000x1xf32>
    %get3A_4 = arith.constant 1 : index
    %get3A_5 = arith.constant 0 : index
    %get3A_6 = arith.constant 96 : index
    %get3A_7 = vector.load %arg2[%get3A_4, %get3A_5, %get3A_6] : memref<2x1000x128xf32, #tpu.memory_space<vmem>>, vector<1x1000x1xf32>
    %get3A_8 = vector.shape_cast %get3A_7 : vector<1x1000x1xf32> to vector<1000x1xf32>
    %add3A = arith.addf %get3A_3, %get3A_8 : vector<1000x1xf32>
    %max3A = arith.constant 1.000000e+00 : f32
    %max3A_9 = vector.broadcast %max3A : f32 to vector<1000x1xf32>
    %max3A_10 = arith.maximumf %add3A, %max3A_9 : vector<1000x1xf32>
    %get3A_11 = arith.constant 0 : index
    %get3A_12 = arith.constant 0 : index
    %get3A_13 = arith.constant 0 : index
    %get3A_14 = vector.load %arg1[%get3A_11, %get3A_12, %get3A_13] : memref<2x1000x128xf32, #tpu.memory_space<vmem>>, vector<1x1000x128xf32>
    %get3A_15 = vector.shape_cast %get3A_14 : vector<1x1000x128xf32> to vector<1000x128xf32>
    %get3A_16 = arith.constant 1 : index
    %get3A_17 = arith.constant 0 : index
    %get3A_18 = arith.constant 0 : index
    %get3A_19 = vector.load %arg1[%get3A_16, %get3A_17, %get3A_18] : memref<2x1000x128xf32, #tpu.memory_space<vmem>>, vector<1x1000x128xf32>
    %get3A_20 = vector.shape_cast %get3A_19 : vector<1x1000x128xf32> to vector<1000x128xf32>
    %add3A_21 = arith.addf %get3A_15, %get3A_20 : vector<1000x128xf32>
    %div3A = vector.broadcast %max3A_10 : vector<1000x1xf32> to vector<1000x128xf32>
    %div3A_22 = arith.divf %add3A_21, %div3A : vector<1000x128xf32>
    %get3A_23 = arith.constant 0 : index
    %get3A_24 = arith.constant 0 : index
    %get3A_25 = vector.load %arg4[%get3A_23, %get3A_24] : memref<128x128xf32, #tpu.memory_space<vmem>>, vector<128x128xf32>
    %dot_general3A = arith.constant dense<0.000000e+00> : vector<1000x128xf32>
    %dot_general3A_26 = tpu.matmul %div3A_22, %get3A_25, %dot_general3A {dimension_numbers = #tpu.dot_dimension_numbers<[1], [0], [0], [1], [0, 0, 1, 1], [], []>, transpose_lhs_hint = false} : vector<1000x128xf32>, vector<128x128xf32>, vector<1000x128xf32> -> vector<1000x128xf32>
    %get3A_27 = arith.constant 0 : index
    %get3A_28 = arith.constant 0 : index
    %get3A_29 = vector.load %arg3[%get3A_27, %get3A_28] : memref<1000x128xf32, #tpu.memory_space<vmem>>, vector<1000x128xf32>
    %get3A_30 = arith.constant 0 : index
    %get3A_31 = arith.constant 0 : index
    %get3A_32 = vector.load %arg5[%get3A_30, %get3A_31] : memref<128x128xf32, #tpu.memory_space<vmem>>, vector<128x128xf32>
    %dot_general3A_33 = arith.constant dense<0.000000e+00> : vector<1000x128xf32>
    %dot_general3A_34 = tpu.matmul %get3A_29, %get3A_32, %dot_general3A_33 {dimension_numbers = #tpu.dot_dimension_numbers<[1], [0], [0], [1], [0, 0, 1, 1], [], []>, transpose_lhs_hint = false} : vector<1000x128xf32>, vector<128x128xf32>, vector<1000x128xf32> -> vector<1000x128xf32>
    %add3A_35 = arith.addf %dot_general3A_26, %dot_general3A_34 : vector<1000x128xf32>
    %get3A_36 = arith.constant 0 : index
    %get3A_37 = arith.constant 0 : index
    %get3A_38 = vector.load %arg6[%get3A_36, %get3A_37] : memref<1x128xf32, #tpu.memory_space<vmem>>, vector<1x128xf32>
    %add3A_39 = vector.broadcast %get3A_38 : vector<1x128xf32> to vector<1000x128xf32>
    %add3A_40 = arith.addf %add3A_35, %add3A_39 : vector<1000x128xf32>
    %max3A_41 = arith.constant 0.000000e+00 : f32
    %max3A_42 = vector.broadcast %max3A_41 : f32 to vector<1000x128xf32>
    %max3A_43 = arith.maximumf %add3A_40, %max3A_42 : vector<1000x128xf32>
    %swap3A = arith.constant 0 : index
    %swap3A_44 = arith.constant 0 : index
    %swap3A_45 = vector.load %arg7[%swap3A, %swap3A_44] : memref<1000x128xf32, #tpu.memory_space<vmem>>, vector<1000x128xf32>
    tpu.vector_store %arg7[%swap3A, %swap3A_44], %max3A_43 {strides = array<i32>} : memref<1000x128xf32, #tpu.memory_space<vmem>>, vector<1000x128xf32>,
    return
  }
  func.func @transform_0(%arg0: i32) -> (i32, i32, i32) {
    %c0_i32 = arith.constant 0 : i32
    %c0_i32_0 = arith.constant 0 : i32
    %c0_i32_1 = arith.constant 0 : i32
    return %c0_i32, %arg0, %c0_i32_0 : i32, i32, i32
  }
  func.func @transform_1(%arg0: i32) -> (i32, i32, i32) {
    %c0_i32 = arith.constant 0 : i32
    %c0_i32_0 = arith.constant 0 : i32
    %c0_i32_1 = arith.constant 0 : i32
    return %c0_i32, %arg0, %c0_i32_0 : i32, i32, i32
  }
  func.func @transform_2(%arg0: i32) -> (i32, i32) {
    %c0_i32 = arith.constant 0 : i32
    %c0_i32_0 = arith.constant 0 : i32
    return %arg0, %c0_i32 : i32, i32
  }
  func.func @transform_3(%arg0: i32) -> (i32, i32) {
    %c0_i32 = arith.constant 0 : i32
    %c0_i32_0 = arith.constant 0 : i32
    %c0_i32_1 = arith.constant 0 : i32
    return %c0_i32, %c0_i32_0 : i32, i32
  }
  func.func @transform_4(%arg0: i32) -> (i32, i32) {
    %c0_i32 = arith.constant 0 : i32
    %c0_i32_0 = arith.constant 0 : i32
    %c0_i32_1 = arith.constant 0 : i32
    return %c0_i32, %c0_i32_0 : i32, i32
  }
  func.func @transform_5(%arg0: i32) -> (i32, i32) {
    %c0_i32 = arith.constant 0 : i32
    %c0_i32_0 = arith.constant 0 : i32
    %c0_i32_1 = arith.constant 0 : i32
    return %c0_i32, %c0_i32_0 : i32, i32
  }
  func.func @transform_6(%arg0: i32) -> (i32, i32) {
    %c0_i32 = arith.constant 0 : i32
    %c0_i32_0 = arith.constant 0 : i32
    return %arg0, %c0_i32 : i32, i32
  }
}

module attributes {stable_mosaic.version = 14 : i64} {
  func.func @body(%arg0: memref<1280x1024xf32, #tpu.memory_space<vmem>>, %arg1: memref<1024x128xf32, #tpu.memory_space<vmem>>, %arg2: memref<1x128xf32, #tpu.memory_space<vmem>>, %arg3: memref<128x128xf32, #tpu.memory_space<vmem>>, %arg4: memref<1x128xf32, #tpu.memory_space<vmem>>, %arg5: memref<1280x128xf32, #tpu.memory_space<vmem>>) attributes {dimension_semantics = [], scalar_prefetch = 0 : i64, scratch_operands = 0 : i64, tpu.core_type = #tpu.core_type<tc>} {
    %get3A = arith.constant 0 : index
    %get3A_0 = arith.constant 0 : index
    %get3A_1 = vector.load %arg0[%get3A, %get3A_0] : memref<1280x1024xf32, #tpu.memory_space<vmem>>, vector<1280x1024xf32>
    %get3A_2 = arith.constant 0 : index
    %get3A_3 = arith.constant 0 : index
    %get3A_4 = vector.load %arg1[%get3A_2, %get3A_3] : memref<1024x128xf32, #tpu.memory_space<vmem>>, vector<1024x128xf32>
    %dot_general3A = arith.constant dense<0.000000e+00> : vector<1280x128xf32>
    %dot_general3A_5 = tpu.matmul %get3A_1, %get3A_4, %dot_general3A {dimension_numbers = #tpu.dot_dimension_numbers<[1], [0], [0], [1], [0, 0, 1, 1], [], []>, transpose_lhs_hint = false} : vector<1280x1024xf32>, vector<1024x128xf32>, vector<1280x128xf32> -> vector<1280x128xf32>
    %get3A_6 = arith.constant 0 : index
    %get3A_7 = arith.constant 0 : index
    %get3A_8 = vector.load %arg2[%get3A_6, %get3A_7] : memref<1x128xf32, #tpu.memory_space<vmem>>, vector<1x128xf32>
    %add3A = vector.broadcast %get3A_8 : vector<1x128xf32> to vector<1280x128xf32>
    %add3A_9 = arith.addf %dot_general3A_5, %add3A : vector<1280x128xf32>
    %max3A = arith.constant 0.000000e+00 : f32
    %max3A_10 = vector.broadcast %max3A : f32 to vector<1280x128xf32>
    %max3A_11 = arith.maximumf %add3A_9, %max3A_10 : vector<1280x128xf32>
    %get3A_12 = arith.constant 0 : index
    %get3A_13 = arith.constant 0 : index
    %get3A_14 = vector.load %arg3[%get3A_12, %get3A_13] : memref<128x128xf32, #tpu.memory_space<vmem>>, vector<128x128xf32>
    %dot_general3A_15 = arith.constant dense<0.000000e+00> : vector<1280x128xf32>
    %dot_general3A_16 = tpu.matmul %max3A_11, %get3A_14, %dot_general3A_15 {dimension_numbers = #tpu.dot_dimension_numbers<[1], [0], [0], [1], [0, 0, 1, 1], [], []>, transpose_lhs_hint = false} : vector<1280x128xf32>, vector<128x128xf32>, vector<1280x128xf32> -> vector<1280x128xf32>
    %get3A_17 = arith.constant 0 : index
    %get3A_18 = arith.constant 0 : index
    %get3A_19 = vector.load %arg4[%get3A_17, %get3A_18] : memref<1x128xf32, #tpu.memory_space<vmem>>, vector<1x128xf32>
    %add3A_20 = vector.broadcast %get3A_19 : vector<1x128xf32> to vector<1280x128xf32>
    %add3A_21 = arith.addf %dot_general3A_16, %add3A_20 : vector<1280x128xf32>
    %swap3A = arith.constant 0 : index
    %swap3A_22 = arith.constant 0 : index
    %swap3A_23 = vector.load %arg5[%swap3A, %swap3A_22] : memref<1280x128xf32, #tpu.memory_space<vmem>>, vector<1280x128xf32>
    tpu.vector_store %arg5[%swap3A, %swap3A_22], %add3A_21 {strides = array<i32>} : memref<1280x128xf32, #tpu.memory_space<vmem>>, vector<1280x128xf32>,
    return
  }
}

module attributes {stable_mosaic.version = 14 : i64} {
  func.func @body(%arg0: memref<10x128xf32, #tpu.memory_space<vmem>>, %arg1: memref<1x128xf32, #tpu.memory_space<vmem>>, %arg2: memref<1x128xf32, #tpu.memory_space<vmem>>, %arg3: memref<128x128xf32, #tpu.memory_space<vmem>>, %arg4: memref<1x128xf32, #tpu.memory_space<vmem>>, %arg5: memref<128x8xf32, #tpu.memory_space<vmem>>, %arg6: memref<1x8xf32, #tpu.memory_space<vmem>>, %arg7: memref<10x8xf32, #tpu.memory_space<vmem>>) attributes {dimension_semantics = [], scalar_prefetch = 0 : i64, scratch_operands = 0 : i64, tpu.core_type = #tpu.core_type<tc>} {
    %get3A = arith.constant 0 : index
    %get3A_0 = arith.constant 0 : index
    %get3A_1 = vector.load %arg0[%get3A, %get3A_0] : memref<10x128xf32, #tpu.memory_space<vmem>>, vector<10x128xf32>
    %reduce_sum3A = arith.constant dense<0.000000e+00> : vector<128xf32>
    %reduce_sum3A_2 = vector.multi_reduction <add>, %get3A_1, %reduce_sum3A [0] : vector<10x128xf32> to vector<128xf32>
    %broadcast_in_dim3A = vector.shape_cast %reduce_sum3A_2 : vector<128xf32> to vector<1x128xf32>
    %div3A = arith.constant 1.000000e+01 : f32
    %div3A_3 = vector.broadcast %div3A : f32 to vector<1x128xf32>
    %div3A_4 = arith.divf %broadcast_in_dim3A, %div3A_3 : vector<1x128xf32>
    %sub3A = vector.broadcast %div3A_4 : vector<1x128xf32> to vector<10x128xf32>
    %sub3A_5 = arith.subf %get3A_1, %sub3A : vector<10x128xf32>
    %mul3A = arith.mulf %sub3A_5, %sub3A_5 : vector<10x128xf32>
    %reduce_sum3A_6 = arith.constant dense<0.000000e+00> : vector<128xf32>
    %reduce_sum3A_7 = vector.multi_reduction <add>, %mul3A, %reduce_sum3A_6 [0] : vector<10x128xf32> to vector<128xf32>
    %broadcast_in_dim3A_8 = vector.shape_cast %reduce_sum3A_7 : vector<128xf32> to vector<1x128xf32>
    %div3A_9 = arith.constant 1.000000e+01 : f32
    %div3A_10 = vector.broadcast %div3A_9 : f32 to vector<1x128xf32>
    %div3A_11 = arith.divf %broadcast_in_dim3A_8, %div3A_10 : vector<1x128xf32>
    %add3A = arith.constant 9.99999974E-6 : f32
    %add3A_12 = vector.broadcast %add3A : f32 to vector<1x128xf32>
    %add3A_13 = arith.addf %div3A_11, %add3A_12 : vector<1x128xf32>
    %sqrt3A = math.sqrt %add3A_13 : vector<1x128xf32>
    %div3A_14 = vector.broadcast %sqrt3A : vector<1x128xf32> to vector<10x128xf32>
    %div3A_15 = arith.divf %sub3A_5, %div3A_14 : vector<10x128xf32>
    %get3A_16 = arith.constant 0 : index
    %get3A_17 = arith.constant 0 : index
    %get3A_18 = vector.load %arg1[%get3A_16, %get3A_17] : memref<1x128xf32, #tpu.memory_space<vmem>>, vector<1x128xf32>
    %mul3A_19 = vector.broadcast %get3A_18 : vector<1x128xf32> to vector<10x128xf32>
    %mul3A_20 = arith.mulf %div3A_15, %mul3A_19 : vector<10x128xf32>
    %get3A_21 = arith.constant 0 : index
    %get3A_22 = arith.constant 0 : index
    %get3A_23 = vector.load %arg2[%get3A_21, %get3A_22] : memref<1x128xf32, #tpu.memory_space<vmem>>, vector<1x128xf32>
    %add3A_24 = vector.broadcast %get3A_23 : vector<1x128xf32> to vector<10x128xf32>
    %add3A_25 = arith.addf %mul3A_20, %add3A_24 : vector<10x128xf32>
    %max3A = arith.constant 0.000000e+00 : f32
    %max3A_26 = vector.broadcast %max3A : f32 to vector<10x128xf32>
    %max3A_27 = arith.maximumf %add3A_25, %max3A_26 : vector<10x128xf32>
    %get3A_28 = arith.constant 0 : index
    %get3A_29 = arith.constant 0 : index
    %get3A_30 = vector.load %arg3[%get3A_28, %get3A_29] : memref<128x128xf32, #tpu.memory_space<vmem>>, vector<128x128xf32>
    %dot_general3A = arith.constant dense<0.000000e+00> : vector<10x128xf32>
    %dot_general3A_31 = tpu.matmul %max3A_27, %get3A_30, %dot_general3A {dimension_numbers = #tpu.dot_dimension_numbers<[1], [0], [0], [1], [0, 0, 1, 1], [], []>, transpose_lhs_hint = false} : vector<10x128xf32>, vector<128x128xf32>, vector<10x128xf32> -> vector<10x128xf32>
    %get3A_32 = arith.constant 0 : index
    %get3A_33 = arith.constant 0 : index
    %get3A_34 = vector.load %arg4[%get3A_32, %get3A_33] : memref<1x128xf32, #tpu.memory_space<vmem>>, vector<1x128xf32>
    %add3A_35 = vector.broadcast %get3A_34 : vector<1x128xf32> to vector<10x128xf32>
    %add3A_36 = arith.addf %dot_general3A_31, %add3A_35 : vector<10x128xf32>
    %max3A_37 = arith.constant 0.000000e+00 : f32
    %max3A_38 = vector.broadcast %max3A_37 : f32 to vector<10x128xf32>
    %max3A_39 = arith.maximumf %add3A_36, %max3A_38 : vector<10x128xf32>
    %get3A_40 = arith.constant 0 : index
    %get3A_41 = arith.constant 0 : index
    %get3A_42 = vector.load %arg5[%get3A_40, %get3A_41] : memref<128x8xf32, #tpu.memory_space<vmem>>, vector<128x8xf32>
    %dot_general3A_43 = arith.constant dense<0.000000e+00> : vector<10x8xf32>
    %dot_general3A_44 = tpu.matmul %max3A_39, %get3A_42, %dot_general3A_43 {dimension_numbers = #tpu.dot_dimension_numbers<[1], [0], [0], [1], [0, 0, 1, 1], [], []>, transpose_lhs_hint = false} : vector<10x128xf32>, vector<128x8xf32>, vector<10x8xf32> -> vector<10x8xf32>
    %get3A_45 = arith.constant 0 : index
    %get3A_46 = arith.constant 0 : index
    %get3A_47 = vector.load %arg6[%get3A_45, %get3A_46] : memref<1x8xf32, #tpu.memory_space<vmem>>, vector<1x8xf32>
    %add3A_48 = vector.broadcast %get3A_47 : vector<1x8xf32> to vector<10x8xf32>
    %add3A_49 = arith.addf %dot_general3A_44, %add3A_48 : vector<10x8xf32>
    %swap3A = arith.constant 0 : index
    %swap3A_50 = arith.constant 0 : index
    %swap3A_51 = vector.load %arg7[%swap3A, %swap3A_50] : memref<10x8xf32, #tpu.memory_space<vmem>>, vector<10x8xf32>
    tpu.vector_store %arg7[%swap3A, %swap3A_50], %add3A_49 {strides = array<i32>} : memref<10x8xf32, #tpu.memory_space<vmem>>, vector<10x8xf32>,
    return
  }
}

</mosaic_0001>

<sc_bundles>
// kernel: kernel.13.cloned.1.call-start
scs
__scs_entry_jumppad:
0x0: {  	(pc) =	sbr.rel $0x88, $3  }
0x1: {  	(tag) =	ssettag $0x0;
	lr =	simm.s32 $0x1  }
0x2: {  	[smem:$0x3F86] =	sst lr;
	_ =	strace $0xD0000000  }
0x3: {  	_ = 	snop  }
0x4: {  	_ = 	snop  }
0x5: {  	_ = 	snop  }
0x6: {  	_ = 	snop  }
0x7: {  	_ = 	snop  }
__scs_overlays_trampoline_lowered:
0x8: {  	[smem:$0x3F95] =	sst s0  }
0x9: {  	[smem:$0x3F96] =	sst s1  }
0xa: {  	[smem:$0x3F97] =	sst s2  }
0xb: {  	[smem:$0x3F98] =	sst s3  }
0xc: {  	[smem:$0x3F99] =	sst s4  }
0xd: {  	[smem:$0x3F9A] =	sst s5  }
0xe: {  	[smem:$0x3F9B] =	sst s6  }
0xf: {  	[smem:$0x3F9C] =	sst s7  }
0x10: {  	[smem:$0x3F9D] =	sst s8  }
0x11: {  	[smem:$0x3F9E] =	sst s9;
	s0 =	simm.s32 @!p0 $0x0  }
0x12: {  	s1 =	sld [smem:$0x3F84];
	s0 =	simm.s32 @p0 $0x1  }
0x13: {  	[smem:$0x3F9F] =	sst s0;
	s0 =	simm.s32 @!p1 $0x0  }
0x14: {  	s2 =	sld [smem:$0x3F83];
	s0 =	simm.s32 @p1 $0x1  }
0x15: {  	[smem:$0x3FA0] =	sst s0;
	s0 =	simm.s32 @!p2 $0x0  }
0x16: {  	s3 =	sld [smem:$0x3FDB];
	s0 =	simm.s32 @p2 $0x1  }
0x17: {  	s4 =	simm.s32 $0x1BF5;
	[smem:$0x3FA2] =	sst s0  }
0x18: {  	s0 =	sld [smem:$0x3F85];
	_ =	swait.ge [sflag:s4], $0x0  }
0x19: {  	s7 =	sld [smem:$0x3F86]  }
0x1a: {  	s8 =	sadd.s32 $0xFFFFE003, lr  }
0x1b: {  	s9 =	sadd.s32 $0xFFFFFEF7, lr;
	s5 =	simm.s32 $0xFFFFFFFF;
	p2 =	slt.u32 s8, $0xFFFFF086  }
0x1c: {  	p1 =	slt.u32 s9, $0xF7A;
	s5 =	simm.s32 @!p2 $0x0  }
0x1d: {  	s5 =	simm.s32 @p1 $0x1;
	p0 =	seq.s32 s7, s2  }
0x1e: {  	s7 =	smul.u32 @!p0 $0xF7A, s2;
	p2 =	seq.s32 @!p0 s5, $0x0  }
0x1f: {  	s9 =	smul.u32 $0xF7A, s1;
	s8 =	simm.s32 @!p0 $0x1BF5;
	p2 =	por !p2, p0  }
0x20: {  	[sflag:s8] =	ssyncset.s32 @!p0 $0xFFFFF086;
	s6 =	sadd.s32 @!p0 s3, s7;
	s7 =	simm.s32 @!p0 $0x108  }
0x21: {  	s3 =	sadd.s32 s3, s9;
	s6 =	sadd.s32 @!p0 $0x88, s6;
	s7 =	simm.s32 @p2 $0x1082  }
0x22: {  	[simem:s7], [sflag:s8] =	dma.local @!p0 [hbm:s6], $0xF7A  }
0x23: {  	s9 =	sor.u32 $0xD0000000, s2;
	s6 =	simm.s32 $0x108;
	_ =	swait.ge @!p0 [sflag:s8], $0x0  }
0x24: {  	s3 =	sadd.s32 $0x88, s3;
	s6 =	simm.s32 @!p1 $0x1082;
	[sflag:s4] =	ssyncset.s32 $0xFFFFF086  }
0x25: {  	[simem:s6], [sflag:s4] =	dma.local [hbm:s3], $0xF7A  }
0x26: {  	[smem:$0x3F86] =	sst s1;
	(tag) =	ssettag s2;
	_ =	strace s9  }
0x27: {  	s1 =	sld [smem:$0x3F96]  }
0x28: {  	s2 =	sld [smem:$0x3F97]  }
0x29: {  	s4 =	sld [smem:$0x3F99]  }
0x2a: {  	p0 =	seq.s32 s5, $0x0;
	s5 =	sld [smem:$0x3F9A]  }
0x2b: {  	s6 =	sld [smem:$0x3F9B]  }
0x2c: {  	s7 =	sld [smem:$0x3F9C]  }
0x2d: {  	s3 =	simm.s32 $0x108;
	s8 =	sld [smem:$0x3F9D]  }
0x2e: {  	s3 =	simm.s32 @!p0 $0x1082;
	s9 =	sld [smem:$0x3F9E]  }
0x2f: {  	lr =	sadd.s32 s0, s3;
	s0 =	sld [smem:$0x3F95]  }
0x30: {  	s3 =	sld [smem:$0x3F98]  }
0x31: {  	[smem:$0x3FA1] =	sst s10  }
0x32: {  	s10 =	sld [smem:$0x3F9F];
	_ =	sdelay $0x3  }
0x33: {  	p0 =	seq.s32 s10, $0x1;
	s10 =	sld [smem:$0x3FA1];
	_ =	sdelay $0x3  }
0x34: {  	[smem:$0x3FA1] =	sst s10  }
0x35: {  	s10 =	sld [smem:$0x3FA0];
	_ =	sdelay $0x3  }
0x36: {  	p1 =	seq.s32 s10, $0x1;
	s10 =	sld [smem:$0x3FA1];
	_ =	sdelay $0x3  }
0x37: {  	[smem:$0x3FA1] =	sst s10  }
0x38: {  	s10 =	sld [smem:$0x3FA2]  }
0x39: {  	_ = 	snop;
	(pc) =	sbr.ind lr, $3  }
0x3a: {  	_ = 	snop  }
0x3b: {  	_ = 	snop  }
0x3c: {  	p2 =	seq.s32 s10, $0x1;
	s10 =	sld [smem:$0x3FA1]  }
0x3d: {  	_ =	shalt  }
0x3e: {  	_ =	shalt  }
0x3f: {  	_ =	shalt  }
0x40: {  	_ =	shalt  }
0x41: {  	_ =	shalt  }
0x42: {  	_ =	shalt  }
0x43: {  	_ =	shalt  }
0x44: {  	_ =	shalt  }
0x45: {  	_ =	shalt  }
0x46: {  	_ =	shalt  }
0x47: {  	_ =	shalt  }
0x48: {  	_ =	shalt  }
0x49: {  	_ =	shalt  }
0x4a: {  	_ =	shalt  }
0x4b: {  	_ =	shalt  }
0x4c: {  	_ =	shalt  }
0x4d: {  	_ =	shalt  }
0x4e: {  	_ =	shalt  }
0x4f: {  	_ =	shalt  }
0x50: {  	_ =	shalt  }
0x51: {  	_ =	shalt  }
0x52: {  	_ =	shalt  }
0x53: {  	_ =	shalt  }
0x54: {  	_ =	shalt  }
0x55: {  	_ =	shalt  }
0x56: {  	_ =	shalt  }
0x57: {  	_ =	shalt  }
0x58: {  	_ =	shalt  }
0x59: {  	_ =	shalt  }
0x5a: {  	_ =	shalt  }
0x5b: {  	_ =	shalt  }
0x5c: {  	_ =	shalt  }
0x5d: {  	_ =	shalt  }
0x5e: {  	_ =	shalt  }
0x5f: {  	_ =	shalt  }
0x60: {  	_ =	shalt  }
0x61: {  	_ =	shalt  }
0x62: {  	_ =	shalt  }
0x63: {  	_ =	shalt  }
0x64: {  	_ =	shalt  }
0x65: {  	_ =	shalt  }
0x66: {  	_ =	shalt  }
0x67: {  	_ =	shalt  }
0x68: {  	_ =	shalt  }
0x69: {  	_ =	shalt  }
0x6a: {  	_ =	shalt  }
0x6b: {  	_ =	shalt  }
0x6c: {  	_ =	shalt  }
0x6d: {  	_ =	shalt  }
0x6e: {  	_ =	shalt  }
0x6f: {  	_ =	shalt  }
0x70: {  	_ =	shalt  }
0x71: {  	_ =	shalt  }
0x72: {  	_ =	shalt  }
0x73: {  	_ =	shalt  }
0x74: {  	_ =	shalt  }
0x75: {  	_ =	shalt  }
0x76: {  	_ =	shalt  }
0x77: {  	_ =	shalt  }
0x78: {  	_ =	shalt  }
0x79: {  	_ =	shalt  }
0x7a: {  	_ =	shalt  }
0x7b: {  	_ =	shalt  }
0x7c: {  	_ =	shalt  }
0x7d: {  	_ =	shalt  }
0x7e: {  	_ =	shalt  }
0x7f: {  	_ =	shalt  }
0x80: {  	_ =	shalt  }
0x81: {  	_ =	shalt  }
0x82: {  	_ =	shalt  }
0x83: {  	_ =	shalt  }
0x84: {  	_ =	shalt  }
0x85: {  	_ =	shalt  }
0x86: {  	_ =	shalt  }
0x87: {  	_ =	shalt  }
.Lfunc_end0:
.L_simem_size_0:
called_computation_lowered:
.L_overlay_start_0:
0x88: {  	s2 =	sld [smem:$0x3FD9]  }
0x89: {  	s3 =	sld [smem:$0x3FFE];
	_ =	sdelay $0x1  }
0x8a: {  	s1 =	srdreg.scid  }
0x8b: {  	s0 =	sand.u32 $0x1, s1  }
0x8c: {  	s17 =	sshll.u32 s0, $0xA;
	s2 =	sadd.s32 s3, s2  }
0x8d: {  	s2 =	sadd.s32 s2, s17  }
0x8e: {  	[smem:$0x3FAD] =	sst s2  }
0x8f: {  	_ = 	snop  }
0x90: {  	s18 =	sld [smem:$0x3FC9];
	(tm) =	ssettm $0x1  }
0x91: {  	s19 =	sld [smem:$0x3FFB];
	_ =	sdelay $0x3  }
0x92: {  	_ =	strace s19  }
0x93: {  	s2 =	sld [smem:$0x3FFC];
	_ =	sdelay $0x3  }
0x94: {  	_ =	strace s2  }
0x95: {  	s2 =	sld [smem:$0x3FFD];
	_ =	sdelay $0x3  }
0x96: {  	_ =	strace s2  }
0x97: {  	_ =	strace $0x8FFFFFFF  }
0x98: {  	s20 =	sld [smem:$0x3FDB];
	_ =	sdelay $0x1  }
0x99: {  	s4 =	simm.s32 $_scs_section_size  }
0x9a: {  	s5 =	simm.s32 $_size__tile_overlayer_lowered;
	s6 =	simm.s32 $_tile_overlayer_lowered  }
0x9b: {  	s7 =	simm.s32 $0x1BFF;
	s21 =	sshll.u32 s6, $0x1;
	s4 =	sadd.s32 s4, s20  }
0x9c: {  	s22 =	simm.s32 $0x0;
	s5 =	sshll.u32 s5, $0x1;
	s6 =	sadd.s32 s21, s4  }
0x9d: {  	[timem:s22], [sflag:s7] =	dma.local [hbm:s6], s5  }
0x9e: {  	_ =	swait.ge [sflag:s7], s5  }
0x9f: {  	s5 =	ssub.s32 $0x0, s5;
	[sflag:s7] =	ssyncset.done $0x0  }
0xa0: {  	[sflag:s7] =	ssyncadd.s32 s5;
	_ =	sdelay $0x1  }
0xa1: {  	s23 =	simm.s32 $0x1B8B  }
0xa2: {  	_ =	swait.ge [sflag:s23], $0x1  }
0xa3: {  	[sflag:s23] =	ssyncset.done $0x0  }
0xa4: {  	[sflag:s23] =	ssyncadd.s32 $0xFFFFFFFF  }
0xa5: {  	s5 =	sld [smem:$0x0]  }
0xa6: {  	s6 =	sand.u32 $0xFFFFFFFE, s1  }
0xa7: {  	p0 =	sne.s32 s1, s6  }
0xa8: {  	s6 =	sshll.u32 @p0 s6, $0xE  }
0xa9: {  	s6 =	sadd.s32 @p0 $0x11B8D, s6;
	s7 =	sshll.u32 @p0 s5, $0x11  }
0xaa: {  	s6 =	sor.u32 @p0 s7, s6  }
0xab: {  	[sflag:s6] =	ssyncadd.remote.s32 @p0 $0x1;
	_ =	sdelay $0x1  }
0xac: {  	s6 =	simm.s32 @p0 $0x1B8D  }
0xad: {  	_ =	swait.eq @p0 [sflag:s6], $0x1  }
0xae: {  	[sflag:s6] =	ssyncadd.s32 @p0 $0xFFFFFFFF  }
0xaf: {  	s7 =	sshll.u32 @!p0 s1, $0xE  }
0xb0: {  	s7 =	sor.u32 @!p0 $0x4000, s7;
	s6 =	simm.s32 @!p0 $0x1B8D  }
0xb1: {  	s5 =	sshll.u32 @!p0 s5, $0x11;
	s7 =	sadd.s32 @!p0 $0x11B8D, s7;
	_ =	swait.eq @!p0 [sflag:s6], $0x1  }
0xb2: {  	s5 =	sor.u32 @!p0 s5, s7;
	[sflag:s6] =	ssyncadd.s32 @!p0 $0xFFFFFFFF  }
0xb3: {  	s25 =	simm.s32 $0x1B8E;
	s24 =	sld [smem:$0x3FFE];
	[sflag:s5] =	ssyncadd.remote.s32 @!p0 $0x1  }
0xb4: {  	s26 =	simm.s32 $execute0_lowered;
	[smem:$0x3FD2] =	sst s25  }
0xb5: {  	s6 =	sshll.u32 s26, $0x1;
	_ =	strace $0x80000049;
	[dreg:$0x1] =	wrdreg $0xFFFFFFFF  }
0xb6: {  	s28 =	simm.s32 $_size_execute0_lowered;
	s4 =	sadd.s32 s4, s6;
	[dreg:$0x0] =	wrdreg $0x0  }
0xb7: {  	s6 =	sshll.u32 s28, $0x1;
	[dreg:$0x2] =	wrdreg s4  }
0xb8: {  	[dreg:$0x3] =	wrdreg s6  }
0xb9: {  	[dreg:$0x4] =	wrdreg $0xC0  }
0xba: {  	_ =	task [dreg:s22], $0x5FFFF  }
0xbb: {  	[dreg:$0x1] =	wrdreg $0xFFFFFFFF  }
0xbc: {  	[dreg:$0x0] =	wrdreg $0x60  }
0xbd: {  	[dreg:$0x2] =	wrdreg s18  }
0xbe: {  	[dreg:$0x3] =	wrdreg s24  }
0xbf: {  	[dreg:$0x4] =	wrdreg $0x41000  }
0xc0: {  	[dreg:$0x5] =	wrdreg $0x9  }
0xc1: {  	_ =	task.clear_ibuf [dreg:s22], $0x6FFFF;
	_ =	strace $0x90000049  }
0xc2: {  	s29 =	simm.s32 $0x9;
	_ =	strace $0x8000004B  }
0xc3: {  	_ =	swait.ge [sflag:s29], $0x1  }
0xc4: {  	[sflag:s29] =	ssyncadd.s32 $0xFFFFFFFF  }
0xc5: {  	_ =	strace $0x9000004B  }
0xc6: {  	_ =	sfence  }
0xc7: {  	s30 =	sld [smem:$0x0];
	_ =	sdelay $0x2  }
0xc8: {  	s31 =	sshll.u32 s1, $0xD;
	s1 =	sshrl.u32 s1, $0x2  }
0xc9: {  	s4 =	sand.u32 $0x4000, s31;
	s1 =	sadd.s32 s1, s30  }
0xca: {  	s0 =	sor.u32 s4, s0;
	s1 =	sshll.u32 s1, $0x11  }
0xcb: {  	s0 =	sor.u32 s1, s0  }
0xcc: {  	s0 =	sadd.s32 $0x8F2B, s0  }
0xcd: {  	[sflag:s0] =	ssyncadd.remote.s32 $0x1  }
0xce: {  	_ =	sfence.sel $0xFFFF  }
0xcf: {  	[dreg:$0x0] =	wrdreg $0xFFFFFFFF;
	(pc) =	sbr.abs _section_cstart, $3  }
0xd0: {  	[dreg:$0x1] =	wrdreg $0xFFFFFFFF  }
0xd1: {  	_ =	task.clear_ibuf [dreg:s22], $0x2FFFF;
	_ =	strace $0x9FFFFFFF  }
0xd2: {  	(tm) =	ssettm $0x7FFFFFFF  }
0xd3: {  	_ =	shalt  }
tec
execute0_lowered:
.L_overlay_start_1:
0x0: {  	(tag) =	ssettag $0x1  }
0x1: {  	s1 =	rddreg [dreg:$0x0]  }
0x2: {  	s5 =	rddreg [dreg:$0x1]  }
0x3: {  	s0 =	srdreg.scid;
	s3 =	rddreg [dreg:$0x2]  }
0x4: {  	s2 =	rddreg [dreg:$0x3];
	s6 =	sand.u32 $0x1, s0  }
0x5: {  	s0 =	stileid.u32;
	s7 =	smul.u32 $0x140000, s6  }
0x6: {  	s4 =	simm.s32 $0x0;
	s15 =	simm.s32 $0x2;
	s8 =	smul.u32 $0x14000, s0  }
0x7: {  	s16 =	simm.s32 $0x80;
	s17 =	simm.s32 $0x1;
	s9 =	smul.u32 $0x5000, s6  }
0x8: {  	s20 =	simm.s32 $0x0;
	[smem:$0x7FF] =	sst s4;
	s29 =	smul.u32 $0x50000, s0  }
0x9: {  	_ =	strace $0x8000004A;
	s6 =	ssub.s32 $0x2, s6;
	s18 =	sshll.u32 s0, $0x6  }
0xa: {  	s12 =	smul.u32 $0x500, s0;
	s31 =	sshrl.u32 s6, $0x1;
	s18 =	sor.u32 $0x1C02, s18  }
0xb: {  	s7 =	sadd.s32 s8, s7;
	s10 =	sadd.s32 s9, s5;
	s30 =	sshrl.u32 s29, $0x2  }
0xc: {  	s13 =	ssub.s32 s6, s31;
	s7 =	sshrl.u32 s7, $0x3;
	s14 =	sadd.s32 s12, s10  }
0xd: {  	s11 =	sadd.s32 s7, s5;
	s5 =	sadd.s32 s30, s3;
	s12 =	sadd.s32 $0x5000, s14  }
0xe: {  	s6 =	sadd.s32 $0x4000, s5;
	s7 =	sadd.s32 $0x8000, s5;
	s8 =	sadd.s32 $0xC000, s5  }
0xf: {  	s9 =	sadd.s32 $0x10000, s5;
	s10 =	sadd.s32 $0x90200, s11;
	s11 =	smax.u32 s13, $0x1  }
0x10: {  	v0 =	vimm.f32 $0.0e+00;
	s13 =	sadd.s32 $0xF000, s14;
	s14 =	simm.s32 $0x100;
	s19 =	sshrl.u32 s5, $0x3  }
.LBB2_1:
0x11: {  	s21 =	simm.s32 $0x0;
	s22 =	simm.s32 $0x200  }
.LBB2_2:
0x12: {  	p0 =	sne.s32 s22, $0xFE00;
	[tilespmem:s21+$0x170] =	vst v0  }
0x13: {  	[tilespmem:s21+$0x100] =	vst v0  }
0x14: {  	[tilespmem:s21+$0x110] =	vst v0  }
.Ltmp0:
0x15: {  	[tilespmem:s21+$0x120] =	vst v0;
	(pc) =	sbr.rel @p0 .LBB2_2-.Ltmp0, $4  }
0x16: {  	[tilespmem:s21+$0x130] =	vst v0  }
0x17: {  	[tilespmem:s21+$0x140] =	vst v0  }
0x18: {  	[tilespmem:s21+$0x150] =	vst v0  }
0x19: {  	[tilespmem:s21+$0x160] =	vst v0;
	s21 =	sshra.s32 s22, $0x2;
	s22 =	sadd.s32 $0x200, s22  }
0x1a: {  	[tilespmem:s21+$0x170] =	vst v0  }
0x1b: {  	[tilespmem:s21+$0x100] =	vst v0  }
0x1c: {  	[tilespmem:s21+$0x110] =	vst v0  }
0x1d: {  	[tilespmem:s21+$0x120] =	vst v0  }
0x1e: {  	[tilespmem:s21+$0x130] =	vst v0  }
0x1f: {  	[tilespmem:s21+$0x140] =	vst v0  }
0x20: {  	[tilespmem:s21+$0x150] =	vst v0  }
0x21: {  	[tilespmem:s21+$0x160] =	vst v0  }
0x22: {  	[spmem:s5] =	stream.linear.scatter [tilespmem:s14], [sflag:$0x2], $0x4000, $0x38;
	[tilespmem:$0x18100] =	vst v63  }
0x23: {  	_ =	swait.ge [sflag:s15], $0x4000  }
0x24: {  	[sflag:s15] =	ssyncset.done $0x0  }
0x25: {  	[sflag:s15] =	ssyncadd.s32 $0xFFFFC000  }
0x26: {  	[spmem:s6] =	stream.linear.scatter [tilespmem:s14], [sflag:$0x2], $0x4000, $0x38;
	[tilespmem:$0x18100] =	vst v63  }
0x27: {  	_ =	swait.ge [sflag:s15], $0x4000  }
0x28: {  	[sflag:s15] =	ssyncset.done $0x0  }
0x29: {  	[sflag:s15] =	ssyncadd.s32 $0xFFFFC000  }
0x2a: {  	[spmem:s7] =	stream.linear.scatter [tilespmem:s14], [sflag:$0x2], $0x4000, $0x38;
	[tilespmem:$0x18100] =	vst v63  }
0x2b: {  	_ =	swait.ge [sflag:s15], $0x4000  }
0x2c: {  	[sflag:s15] =	ssyncset.done $0x0  }
0x2d: {  	[sflag:s15] =	ssyncadd.s32 $0xFFFFC000  }
0x2e: {  	[spmem:s8] =	stream.linear.scatter [tilespmem:s14], [sflag:$0x2], $0x4000, $0x38;
	[tilespmem:$0x18100] =	vst v63  }
0x2f: {  	_ =	swait.ge [sflag:s15], $0x4000  }
0x30: {  	[sflag:s15] =	ssyncset.done $0x0  }
0x31: {  	[sflag:s15] =	ssyncadd.s32 $0xFFFFC000  }
0x32: {  	[spmem:s9] =	stream.linear.scatter [tilespmem:s14], [sflag:$0x2], $0x4000, $0x38;
	[tilespmem:$0x18100] =	vst v63  }
0x33: {  	_ =	swait.ge [sflag:s15], $0x4000  }
0x34: {  	[sflag:s15] =	ssyncset.done $0x0  }
0x35: {  	[sflag:s15] =	ssyncadd.s32 $0xFFFFC000  }
0x36: {  	s30 =	sadd.s32 $0x0, s13;
	[bflag:$0x0] =	sbarrier.arrive $0xFFFF  }
0x37: {  	[tilespmem:s4], [sflag:$0x2] =	stream.linear.gather [hbm4b:s30+s4], $0x80, $0x38;
	[tilespmem:$0x18100] =	vst v63  }
0x38: {  	_ =	swait.ge [sflag:s15], $0x80  }
0x39: {  	[sflag:s15] =	ssyncset.done $0x0  }
0x3a: {  	s31 =	sadd.s32 $0x0, s12;
	[sflag:s15] =	ssyncadd.s32 $0xFFFFFF80  }
0x3b: {  	[tilespmem:s16], [sflag:$0x2] =	stream.linear.gather [hbm4b:s31+s4], $0x80, $0x38;
	[tilespmem:$0x18100] =	vst v63  }
0x3c: {  	_ =	swait.ge [sflag:s15], $0x80  }
0x3d: {  	[sflag:s15] =	ssyncset.done $0x0  }
0x3e: {  	[sflag:s15] =	ssyncadd.s32 $0xFFFFFF80  }
0x3f: {  	[tilespmem:s14], [sflag:$0x1] =	stream.indirect.gather [hbm4b:s1+s16], $0x80, s4, s16, $0xb8;
	[tilespmem:$0x18100] =	vst v63  }
0x40: {  	_ =	swait.ge [sflag:s17], $0x4000  }
0x41: {  	[sflag:s17] =	ssyncset.done $0x0  }
0x42: {  	[sflag:s17] =	ssyncadd.s32 $0xFFFFC000  }
0x43: {  	[spmem:s3] =	stream.indirect.scatter.add.f32 [tilespmem:s14], [sflag:$0x2], $0x80, s16, s16, $0xb8;
	[tilespmem:$0x18100] =	vst v63  }
0x44: {  	_ =	swait.ge [sflag:s15], $0x4000  }
0x45: {  	s21 =	simm.s32 $0x10;
	s22 =	simm.s32 $0x20;
	[sflag:s15] =	ssyncset.done $0x0  }
.LBB2_4:
0x46: {  	s23 =	sadd.s32 s21, s13  }
0x47: {  	[sflag:s15] =	ssyncadd.s32 $0xFFFFC000;
	s24 =	smov.u32 s22;
	s25 =	sadd.s32 $0x10, s22  }
0x48: {  	[tilespmem:s4], [sflag:$0x2] =	stream.linear.gather [hbm4b:s23+s4], $0x80, $0x38;
	[tilespmem:$0x18100] =	vst v63  }
0x49: {  	p0 =	sne.s32 s22, $0x4F0;
	_ =	swait.ge [sflag:s15], $0x80  }
0x4a: {  	[sflag:s15] =	ssyncset.done $0x0  }
0x4b: {  	s22 =	sadd.s32 s21, s12;
	s21 =	smov.u32 s24;
	[sflag:s15] =	ssyncadd.s32 $0xFFFFFF80  }
0x4c: {  	[tilespmem:s16], [sflag:$0x2] =	stream.linear.gather [hbm4b:s22+s4], $0x80, $0x38;
	[tilespmem:$0x18100] =	vst v63  }
0x4d: {  	_ =	swait.ge [sflag:s15], $0x80  }
0x4e: {  	[sflag:s15] =	ssyncset.done $0x0  }
0x4f: {  	[sflag:s15] =	ssyncadd.s32 $0xFFFFFF80  }
0x50: {  	[tilespmem:s14], [sflag:$0x1] =	stream.indirect.gather [hbm4b:s1+s16], $0x80, s4, s16, $0xb8;
	[tilespmem:$0x18100] =	vst v63  }
0x51: {  	_ =	swait.ge [sflag:s17], $0x4000  }
.Ltmp1:
0x52: {  	[sflag:s17] =	ssyncset.done $0x0;
	(pc) =	sbr.rel @p0 .LBB2_4-.Ltmp1, $4  }
0x53: {  	[sflag:s17] =	ssyncadd.s32 $0xFFFFC000  }
0x54: {  	[spmem:s3] =	stream.indirect.scatter.add.f32 [tilespmem:s14], [sflag:$0x2], $0x80, s16, s16, $0xb8;
	[tilespmem:$0x18100] =	vst v63  }
0x55: {  	_ =	swait.ge [sflag:s15], $0x4000  }
0x56: {  	s22 =	smov.u32 s25;
	[sflag:s15] =	ssyncset.done $0x0  }
0x57: {  	s22 =	sadd.s32 s21, s13;
	[sflag:s15] =	ssyncadd.s32 $0xFFFFC000  }
0x58: {  	[tilespmem:s4], [sflag:$0x2] =	stream.linear.gather [hbm4b:s22+s4], $0x80, $0x38;
	[tilespmem:$0x18100] =	vst v63  }
0x59: {  	_ =	swait.ge [sflag:s15], $0x80  }
0x5a: {  	[sflag:s15] =	ssyncset.done $0x0  }
0x5b: {  	s31 =	sadd.s32 s21, s12;
	[sflag:s15] =	ssyncadd.s32 $0xFFFFFF80  }
0x5c: {  	[tilespmem:s16], [sflag:$0x2] =	stream.linear.gather [hbm4b:s31+s4], $0x80, $0x38;
	[tilespmem:$0x18100] =	vst v63  }
0x5d: {  	_ =	swait.ge [sflag:s15], $0x80  }
0x5e: {  	[sflag:s15] =	ssyncset.done $0x0  }
0x5f: {  	[sflag:s15] =	ssyncadd.s32 $0xFFFFFF80  }
0x60: {  	[tilespmem:s14], [sflag:$0x1] =	stream.indirect.gather [hbm4b:s1+s16], $0x80, s4, s16, $0xb8;
	[tilespmem:$0x18100] =	vst v63  }
0x61: {  	_ =	swait.ge [sflag:s17], $0x4000  }
0x62: {  	[sflag:s17] =	ssyncset.done $0x0  }
0x63: {  	[sflag:s17] =	ssyncadd.s32 $0xFFFFC000  }
0x64: {  	[spmem:s3] =	stream.indirect.scatter.add.f32 [tilespmem:s14], [sflag:$0x2], $0x80, s16, s16, $0xb8;
	[tilespmem:$0x18100] =	vst v63  }
0x65: {  	_ =	swait.ge [sflag:s15], $0x4000  }
0x66: {  	s20 =	sadd.s32 $0x1, s20;
	[sflag:s15] =	ssyncset.done $0x0  }
0x67: {  	p0 =	sne.s32 s20, s11;
	[sflag:s15] =	ssyncadd.s32 $0xFFFFC000  }
.Ltmp2:
0x68: {  	[bflag:$0x0] =	sbarrier.arrive $0xFFFF;
	(pc) =	sbr.rel @p0 .LBB2_1-.Ltmp2, $4  }
0x69: {  	[hbm:s10], [sflag:s18] =	dma.local [spmem:s19], $0x2800  }
0x6a: {  	_ =	swait.ge [sflag:s15], $0x2800  }
0x6b: {  	[sflag:s15] =	ssyncset.done $0x0  }
0x6c: {  	[sflag:s15] =	ssyncadd.s32 $0xFFFFD800  }
0x6d: {  	_ =	sfence.sel $0x180000  }
0x6e: {  	[bflag:$0x0] =	sbarrier.arrive $0xFFFF  }
0x6f: {  	p0 =	sne.s32 s0, $0x0;
	_ =	strace $0x9000004A  }
0x70: {  	s0 =	sadd.s32 @!p0 $0x100000, s2;
	[bflag:$0x2] =	sbarrier.arrive $0xFFFF  }
0x71: {  	[sflag:s0] =	ssyncadd.tile.s32 @!p0 $0x1;
	_ =	shalt  }
.Lfunc_end2:
_tile_overlayer_lowered:
.L_overlay_start_2:
0x72: {  	(tag) =	ssettag $0x2  }
0x73: {  	s0 =	rddreg [dreg:$0x0];
	s2 =	stileid.u32  }
0x74: {  	s1 =	rddreg [dreg:$0x1];
	p0 =	sne.s32 s2, $0x0  }
0x75: {  	s3 =	rddreg [dreg:$0x2];
	[bflag:$0x3] =	sbarrier.arrive $0xFFFF;
	s2 =	simm.s32 @!p0 $0x1C02  }
0x76: {  	[timem:s3], [sflag:s2] =	dma.local @!p0 [hbm:s0], s1  }
0x77: {  	s0 =	simm.s32 @!p0 $0x2  }
0x78: {  	_ =	swait.ge @!p0 [sflag:s0], s1  }
0x79: {  	s1 =	ssub.s32 @!p0 $0x0, s1;
	[sflag:s0] =	ssyncset.done @!p0 $0x0  }
0x7a: {  	[sflag:s0] =	ssyncadd.s32 @!p0 s1  }
0x7b: {  	[bflag:$0x3] =	sbarrier.arrive $0xFFFF  }
0x7c: {  	_ =	shalt  }

// kernel: kernel.16.cloned.1.call-start
scs
__scs_entry_jumppad:
0x0: {  	(pc) =	sbr.rel $0x88, $3  }
0x1: {  	(tag) =	ssettag $0x0;
	lr =	simm.s32 $0x1  }
0x2: {  	[smem:$0x3F86] =	sst lr;
	_ =	strace $0xD0000000  }
0x3: {  	_ = 	snop  }
0x4: {  	_ = 	snop  }
0x5: {  	_ = 	snop  }
0x6: {  	_ = 	snop  }
0x7: {  	_ = 	snop  }
__scs_overlays_trampoline_lowered:
0x8: {  	[smem:$0x3F95] =	sst s0  }
0x9: {  	[smem:$0x3F96] =	sst s1  }
0xa: {  	[smem:$0x3F97] =	sst s2  }
0xb: {  	[smem:$0x3F98] =	sst s3  }
0xc: {  	[smem:$0x3F99] =	sst s4  }
0xd: {  	[smem:$0x3F9A] =	sst s5  }
0xe: {  	[smem:$0x3F9B] =	sst s6  }
0xf: {  	[smem:$0x3F9C] =	sst s7  }
0x10: {  	[smem:$0x3F9D] =	sst s8  }
0x11: {  	[smem:$0x3F9E] =	sst s9;
	s0 =	simm.s32 @!p0 $0x0  }
0x12: {  	s1 =	sld [smem:$0x3F84];
	s0 =	simm.s32 @p0 $0x1  }
0x13: {  	[smem:$0x3F9F] =	sst s0;
	s0 =	simm.s32 @!p1 $0x0  }
0x14: {  	s2 =	sld [smem:$0x3F83];
	s0 =	simm.s32 @p1 $0x1  }
0x15: {  	[smem:$0x3FA0] =	sst s0;
	s0 =	simm.s32 @!p2 $0x0  }
0x16: {  	s3 =	sld [smem:$0x3FDB];
	s0 =	simm.s32 @p2 $0x1  }
0x17: {  	s4 =	simm.s32 $0x1BF5;
	[smem:$0x3FA2] =	sst s0  }
0x18: {  	s0 =	sld [smem:$0x3F85];
	_ =	swait.ge [sflag:s4], $0x0  }
0x19: {  	s7 =	sld [smem:$0x3F86]  }
0x1a: {  	s8 =	sadd.s32 $0xFFFFE003, lr  }
0x1b: {  	s9 =	sadd.s32 $0xFFFFFEF7, lr;
	s5 =	simm.s32 $0xFFFFFFFF;
	p2 =	slt.u32 s8, $0xFFFFF086  }
0x1c: {  	p1 =	slt.u32 s9, $0xF7A;
	s5 =	simm.s32 @!p2 $0x0  }
0x1d: {  	s5 =	simm.s32 @p1 $0x1;
	p0 =	seq.s32 s7, s2  }
0x1e: {  	s7 =	smul.u32 @!p0 $0xF7A, s2;
	p2 =	seq.s32 @!p0 s5, $0x0  }
0x1f: {  	s9 =	smul.u32 $0xF7A, s1;
	s8 =	simm.s32 @!p0 $0x1BF5;
	p2 =	por !p2, p0  }
0x20: {  	[sflag:s8] =	ssyncset.s32 @!p0 $0xFFFFF086;
	s6 =	sadd.s32 @!p0 s3, s7;
	s7 =	simm.s32 @!p0 $0x108  }
0x21: {  	s3 =	sadd.s32 s3, s9;
	s6 =	sadd.s32 @!p0 $0x88, s6;
	s7 =	simm.s32 @p2 $0x1082  }
0x22: {  	[simem:s7], [sflag:s8] =	dma.local @!p0 [hbm:s6], $0xF7A  }
0x23: {  	s9 =	sor.u32 $0xD0000000, s2;
	s6 =	simm.s32 $0x108;
	_ =	swait.ge @!p0 [sflag:s8], $0x0  }
0x24: {  	s3 =	sadd.s32 $0x88, s3;
	s6 =	simm.s32 @!p1 $0x1082;
	[sflag:s4] =	ssyncset.s32 $0xFFFFF086  }
0x25: {  	[simem:s6], [sflag:s4] =	dma.local [hbm:s3], $0xF7A  }
0x26: {  	[smem:$0x3F86] =	sst s1;
	(tag) =	ssettag s2;
	_ =	strace s9  }
0x27: {  	s1 =	sld [smem:$0x3F96]  }
0x28: {  	s2 =	sld [smem:$0x3F97]  }
0x29: {  	s4 =	sld [smem:$0x3F99]  }
0x2a: {  	p0 =	seq.s32 s5, $0x0;
	s5 =	sld [smem:$0x3F9A]  }
0x2b: {  	s6 =	sld [smem:$0x3F9B]  }
0x2c: {  	s7 =	sld [smem:$0x3F9C]  }
0x2d: {  	s3 =	simm.s32 $0x108;
	s8 =	sld [smem:$0x3F9D]  }
0x2e: {  	s3 =	simm.s32 @!p0 $0x1082;
	s9 =	sld [smem:$0x3F9E]  }
0x2f: {  	lr =	sadd.s32 s0, s3;
	s0 =	sld [smem:$0x3F95]  }
0x30: {  	s3 =	sld [smem:$0x3F98]  }
0x31: {  	[smem:$0x3FA1] =	sst s10  }
0x32: {  	s10 =	sld [smem:$0x3F9F];
	_ =	sdelay $0x3  }
0x33: {  	p0 =	seq.s32 s10, $0x1;
	s10 =	sld [smem:$0x3FA1];
	_ =	sdelay $0x3  }
0x34: {  	[smem:$0x3FA1] =	sst s10  }
0x35: {  	s10 =	sld [smem:$0x3FA0];
	_ =	sdelay $0x3  }
0x36: {  	p1 =	seq.s32 s10, $0x1;
	s10 =	sld [smem:$0x3FA1];
	_ =	sdelay $0x3  }
0x37: {  	[smem:$0x3FA1] =	sst s10  }
0x38: {  	s10 =	sld [smem:$0x3FA2]  }
0x39: {  	_ = 	snop;
	(pc) =	sbr.ind lr, $3  }
0x3a: {  	_ = 	snop  }
0x3b: {  	_ = 	snop  }
0x3c: {  	p2 =	seq.s32 s10, $0x1;
	s10 =	sld [smem:$0x3FA1]  }
0x3d: {  	_ =	shalt  }
0x3e: {  	_ =	shalt  }
0x3f: {  	_ =	shalt  }
0x40: {  	_ =	shalt  }
0x41: {  	_ =	shalt  }
0x42: {  	_ =	shalt  }
0x43: {  	_ =	shalt  }
0x44: {  	_ =	shalt  }
0x45: {  	_ =	shalt  }
0x46: {  	_ =	shalt  }
0x47: {  	_ =	shalt  }
0x48: {  	_ =	shalt  }
0x49: {  	_ =	shalt  }
0x4a: {  	_ =	shalt  }
0x4b: {  	_ =	shalt  }
0x4c: {  	_ =	shalt  }
0x4d: {  	_ =	shalt  }
0x4e: {  	_ =	shalt  }
0x4f: {  	_ =	shalt  }
0x50: {  	_ =	shalt  }
0x51: {  	_ =	shalt  }
0x52: {  	_ =	shalt  }
0x53: {  	_ =	shalt  }
0x54: {  	_ =	shalt  }
0x55: {  	_ =	shalt  }
0x56: {  	_ =	shalt  }
0x57: {  	_ =	shalt  }
0x58: {  	_ =	shalt  }
0x59: {  	_ =	shalt  }
0x5a: {  	_ =	shalt  }
0x5b: {  	_ =	shalt  }
0x5c: {  	_ =	shalt  }
0x5d: {  	_ =	shalt  }
0x5e: {  	_ =	shalt  }
0x5f: {  	_ =	shalt  }
0x60: {  	_ =	shalt  }
0x61: {  	_ =	shalt  }
0x62: {  	_ =	shalt  }
0x63: {  	_ =	shalt  }
0x64: {  	_ =	shalt  }
0x65: {  	_ =	shalt  }
0x66: {  	_ =	shalt  }
0x67: {  	_ =	shalt  }
0x68: {  	_ =	shalt  }
0x69: {  	_ =	shalt  }
0x6a: {  	_ =	shalt  }
0x6b: {  	_ =	shalt  }
0x6c: {  	_ =	shalt  }
0x6d: {  	_ =	shalt  }
0x6e: {  	_ =	shalt  }
0x6f: {  	_ =	shalt  }
0x70: {  	_ =	shalt  }
0x71: {  	_ =	shalt  }
0x72: {  	_ =	shalt  }
0x73: {  	_ =	shalt  }
0x74: {  	_ =	shalt  }
0x75: {  	_ =	shalt  }
0x76: {  	_ =	shalt  }
0x77: {  	_ =	shalt  }
0x78: {  	_ =	shalt  }
0x79: {  	_ =	shalt  }
0x7a: {  	_ =	shalt  }
0x7b: {  	_ =	shalt  }
0x7c: {  	_ =	shalt  }
0x7d: {  	_ =	shalt  }
0x7e: {  	_ =	shalt  }
0x7f: {  	_ =	shalt  }
0x80: {  	_ =	shalt  }
0x81: {  	_ =	shalt  }
0x82: {  	_ =	shalt  }
0x83: {  	_ =	shalt  }
0x84: {  	_ =	shalt  }
0x85: {  	_ =	shalt  }
0x86: {  	_ =	shalt  }
0x87: {  	_ =	shalt  }
.Lfunc_end0:
.L_simem_size_0:
called_computation.1_lowered:
.L_overlay_start_0:
0x88: {  	s2 =	sld [smem:$0x3FD9]  }
0x89: {  	s3 =	sld [smem:$0x3FFE];
	_ =	sdelay $0x1  }
0x8a: {  	s1 =	srdreg.scid  }
0x8b: {  	s0 =	sand.u32 $0x1, s1  }
0x8c: {  	s16 =	sshll.u32 s0, $0xA;
	s2 =	sadd.s32 s3, s2  }
0x8d: {  	s2 =	sadd.s32 s2, s16  }
0x8e: {  	[smem:$0x3FAD] =	sst s2  }
0x8f: {  	_ = 	snop  }
0x90: {  	(tm) =	ssettm $0x1  }
0x91: {  	s17 =	sld [smem:$0x3FFB];
	_ =	sdelay $0x3  }
0x92: {  	_ =	strace s17  }
0x93: {  	s2 =	sld [smem:$0x3FFC];
	_ =	sdelay $0x3  }
0x94: {  	_ =	strace s2  }
0x95: {  	s2 =	sld [smem:$0x3FFD];
	_ =	sdelay $0x3  }
0x96: {  	_ =	strace s2  }
0x97: {  	_ =	strace $0x8FFFFFFF  }
0x98: {  	s18 =	sld [smem:$0x3FDB];
	_ =	sdelay $0x1  }
0x99: {  	s19 =	simm.s32 $_scs_section_size  }
0x9a: {  	s4 =	simm.s32 $_size__tile_overlayer_lowered;
	s5 =	simm.s32 $_tile_overlayer_lowered  }
0x9b: {  	s22 =	simm.s32 $0x1BFF;
	s21 =	sshll.u32 s5, $0x1;
	s2 =	sadd.s32 s19, s18  }
0x9c: {  	s6 =	simm.s32 $0x0;
	s20 =	sshll.u32 s4, $0x1;
	s4 =	sadd.s32 s21, s2  }
0x9d: {  	[timem:s6], [sflag:s22] =	dma.local [hbm:s4], s20  }
0x9e: {  	_ =	swait.ge [sflag:s22], s20  }
0x9f: {  	s3 =	ssub.s32 $0x0, s20;
	[sflag:s22] =	ssyncset.done $0x0  }
0xa0: {  	[sflag:s22] =	ssyncadd.s32 s3;
	_ =	sdelay $0x1  }
0xa1: {  	s23 =	simm.s32 $0x1B8B  }
0xa2: {  	_ =	swait.ge [sflag:s23], $0x1  }
0xa3: {  	[sflag:s23] =	ssyncset.done $0x0  }
0xa4: {  	s25 =	simm.s32 $0x1B8E;
	s24 =	sld [smem:$0x3FFE];
	[sflag:s23] =	ssyncadd.s32 $0xFFFFFFFF  }
0xa5: {  	s26 =	simm.s32 $execute0_lowered;
	[smem:$0x3FD2] =	sst s25  }
0xa6: {  	s4 =	sshll.u32 s26, $0x1;
	_ =	strace $0x80000046;
	[dreg:$0x1] =	wrdreg $0xFFFFFFFF  }
0xa7: {  	s28 =	simm.s32 $_size_execute0_lowered;
	s2 =	sadd.s32 s2, s4;
	[dreg:$0x0] =	wrdreg $0x0  }
0xa8: {  	s4 =	sshll.u32 s28, $0x1;
	[dreg:$0x2] =	wrdreg s2  }
0xa9: {  	[dreg:$0x3] =	wrdreg s4  }
0xaa: {  	[dreg:$0x4] =	wrdreg $0xC0  }
0xab: {  	_ =	task [dreg:s6], $0x5FFFF  }
0xac: {  	[dreg:$0x1] =	wrdreg $0xFFFFFFFF  }
0xad: {  	[dreg:$0x0] =	wrdreg $0x60  }
0xae: {  	[dreg:$0x2] =	wrdreg s24  }
0xaf: {  	[dreg:$0x3] =	wrdreg $0x41000  }
0xb0: {  	[dreg:$0x4] =	wrdreg $0xA  }
0xb1: {  	_ =	task.clear_ibuf [dreg:s6], $0x5FFFF;
	_ =	strace $0x90000046  }
0xb2: {  	s29 =	simm.s32 $0xA;
	_ =	strace $0x80000048  }
0xb3: {  	_ =	swait.ge [sflag:s29], $0x1  }
0xb4: {  	[sflag:s29] =	ssyncadd.s32 $0xFFFFFFFF  }
0xb5: {  	_ =	strace $0x90000048  }
0xb6: {  	_ =	sfence  }
0xb7: {  	s30 =	sld [smem:$0x0];
	_ =	sdelay $0x2  }
0xb8: {  	s31 =	sshll.u32 s1, $0xD;
	s1 =	sshrl.u32 s1, $0x2  }
0xb9: {  	s3 =	sand.u32 $0x4000, s31;
	s1 =	sadd.s32 s1, s30  }
0xba: {  	s0 =	sor.u32 s3, s0;
	s1 =	sshll.u32 s1, $0x11  }
0xbb: {  	s0 =	sor.u32 s1, s0  }
0xbc: {  	s0 =	sadd.s32 $0x8F2B, s0  }
0xbd: {  	[sflag:s0] =	ssyncadd.remote.s32 $0x1  }
0xbe: {  	_ =	sfence.sel $0xFFFF  }
0xbf: {  	[dreg:$0x0] =	wrdreg $0xFFFFFFFF;
	(pc) =	sbr.abs _section_cstart, $3  }
0xc0: {  	[dreg:$0x1] =	wrdreg $0xFFFFFFFF  }
0xc1: {  	_ =	task.clear_ibuf [dreg:s6], $0x2FFFF;
	_ =	strace $0x9FFFFFFF  }
0xc2: {  	(tm) =	ssettm $0x7FFFFFFF  }
0xc3: {  	_ =	shalt  }
tec
execute0_lowered:
.L_overlay_start_1:
0x0: {  	(tag) =	ssettag $0x1  }
0x1: {  	s5 =	rddreg [dreg:$0x0];
	s0 =	srdreg.scid  }
0x2: {  	s2 =	rddreg [dreg:$0x1];
	s1 =	stileid.u32;
	s3 =	simm.s32 $0x0  }
0x3: {  	s15 =	simm.s32 $0x2;
	s16 =	simm.s32 $0x80;
	s7 =	smul.u32 $0x14000, s1  }
0x4: {  	s17 =	simm.s32 $0x1;
	s20 =	simm.s32 $0x0;
	s9 =	smul.u32 $0x50000, s1  }
0x5: {  	s6 =	sand.u32 $0x1, s0;
	s0 =	rddreg [dreg:$0x2];
	s12 =	smul.u32 $0x500, s1  }
0x6: {  	[smem:$0x7FF] =	sst s3;
	s18 =	sshll.u32 s1, $0x6;
	s4 =	smul.u32 $0x140000, s6  }
0x7: {  	s8 =	smul.u32 $0x5000, s6;
	_ =	strace $0x80000047;
	s6 =	ssub.s32 $0x2, s6  }
0x8: {  	s18 =	sor.u32 $0x1C02, s18;
	s30 =	sshrl.u32 s9, $0x2;
	s31 =	sshrl.u32 s6, $0x1  }
0x9: {  	s7 =	sadd.s32 s7, s4;
	s4 =	sadd.s32 $0x19000, s5;
	s10 =	sadd.s32 s8, s5  }
0xa: {  	s13 =	ssub.s32 s6, s31;
	s7 =	sshrl.u32 s7, $0x3;
	s14 =	sadd.s32 s12, s10  }
0xb: {  	s11 =	sadd.s32 s7, s5;
	s5 =	sadd.s32 s30, s2;
	s12 =	sadd.s32 $0x5000, s14  }
0xc: {  	s6 =	sadd.s32 $0x4000, s5;
	s7 =	sadd.s32 $0x8000, s5;
	s8 =	sadd.s32 $0xC000, s5  }
0xd: {  	s9 =	sadd.s32 $0x10000, s5;
	s10 =	sadd.s32 $0x40200, s11;
	s11 =	smax.u32 s13, $0x1  }
0xe: {  	v0 =	vimm.f32 $0.0e+00;
	s13 =	sadd.s32 $0xF000, s14;
	s14 =	simm.s32 $0x100;
	s19 =	sshrl.u32 s5, $0x3  }
.LBB2_1:
0xf: {  	s21 =	simm.s32 $0x0;
	s22 =	simm.s32 $0x200  }
.LBB2_2:
0x10: {  	p0 =	sne.s32 s22, $0xFE00;
	[tilespmem:s21+$0x170] =	vst v0  }
0x11: {  	[tilespmem:s21+$0x100] =	vst v0  }
0x12: {  	[tilespmem:s21+$0x110] =	vst v0  }
.Ltmp0:
0x13: {  	[tilespmem:s21+$0x120] =	vst v0;
	(pc) =	sbr.rel @p0 .LBB2_2-.Ltmp0, $4  }
0x14: {  	[tilespmem:s21+$0x130] =	vst v0  }
0x15: {  	[tilespmem:s21+$0x140] =	vst v0  }
0x16: {  	[tilespmem:s21+$0x150] =	vst v0  }
0x17: {  	[tilespmem:s21+$0x160] =	vst v0;
	s21 =	sshra.s32 s22, $0x2;
	s22 =	sadd.s32 $0x200, s22  }
0x18: {  	[tilespmem:s21+$0x170] =	vst v0  }
0x19: {  	[tilespmem:s21+$0x100] =	vst v0  }
0x1a: {  	[tilespmem:s21+$0x110] =	vst v0  }
0x1b: {  	[tilespmem:s21+$0x120] =	vst v0  }
0x1c: {  	[tilespmem:s21+$0x130] =	vst v0  }
0x1d: {  	[tilespmem:s21+$0x140] =	vst v0  }
0x1e: {  	[tilespmem:s21+$0x150] =	vst v0  }
0x1f: {  	[tilespmem:s21+$0x160] =	vst v0  }
0x20: {  	[spmem:s5] =	stream.linear.scatter [tilespmem:s14], [sflag:$0x2], $0x4000, $0x38;
	[tilespmem:$0x18100] =	vst v63  }
0x21: {  	_ =	swait.ge [sflag:s15], $0x4000  }
0x22: {  	[sflag:s15] =	ssyncset.done $0x0  }
0x23: {  	[sflag:s15] =	ssyncadd.s32 $0xFFFFC000  }
0x24: {  	[spmem:s6] =	stream.linear.scatter [tilespmem:s14], [sflag:$0x2], $0x4000, $0x38;
	[tilespmem:$0x18100] =	vst v63  }
0x25: {  	_ =	swait.ge [sflag:s15], $0x4000  }
0x26: {  	[sflag:s15] =	ssyncset.done $0x0  }
0x27: {  	[sflag:s15] =	ssyncadd.s32 $0xFFFFC000  }
0x28: {  	[spmem:s7] =	stream.linear.scatter [tilespmem:s14], [sflag:$0x2], $0x4000, $0x38;
	[tilespmem:$0x18100] =	vst v63  }
0x29: {  	_ =	swait.ge [sflag:s15], $0x4000  }
0x2a: {  	[sflag:s15] =	ssyncset.done $0x0  }
0x2b: {  	[sflag:s15] =	ssyncadd.s32 $0xFFFFC000  }
0x2c: {  	[spmem:s8] =	stream.linear.scatter [tilespmem:s14], [sflag:$0x2], $0x4000, $0x38;
	[tilespmem:$0x18100] =	vst v63  }
0x2d: {  	_ =	swait.ge [sflag:s15], $0x4000  }
0x2e: {  	[sflag:s15] =	ssyncset.done $0x0  }
0x2f: {  	[sflag:s15] =	ssyncadd.s32 $0xFFFFC000  }
0x30: {  	[spmem:s9] =	stream.linear.scatter [tilespmem:s14], [sflag:$0x2], $0x4000, $0x38;
	[tilespmem:$0x18100] =	vst v63  }
0x31: {  	_ =	swait.ge [sflag:s15], $0x4000  }
0x32: {  	[sflag:s15] =	ssyncset.done $0x0  }
0x33: {  	[sflag:s15] =	ssyncadd.s32 $0xFFFFC000  }
0x34: {  	s30 =	sadd.s32 $0x0, s13;
	[bflag:$0x0] =	sbarrier.arrive $0xFFFF  }
0x35: {  	[tilespmem:s3], [sflag:$0x2] =	stream.linear.gather [hbm4b:s30+s3], $0x80, $0x38;
	[tilespmem:$0x18100] =	vst v63  }
0x36: {  	_ =	swait.ge [sflag:s15], $0x80  }
0x37: {  	[sflag:s15] =	ssyncset.done $0x0  }
0x38: {  	s31 =	sadd.s32 $0x0, s12;
	[sflag:s15] =	ssyncadd.s32 $0xFFFFFF80  }
0x39: {  	[tilespmem:s16], [sflag:$0x2] =	stream.linear.gather [hbm4b:s31+s3], $0x80, $0x38;
	[tilespmem:$0x18100] =	vst v63  }
0x3a: {  	_ =	swait.ge [sflag:s15], $0x80  }
0x3b: {  	[sflag:s15] =	ssyncset.done $0x0  }
0x3c: {  	[sflag:s15] =	ssyncadd.s32 $0xFFFFFF80  }
0x3d: {  	[tilespmem:s14], [sflag:$0x1] =	stream.indirect.gather [hbm4b:s4+s16], $0x80, s3, s16, $0xb8;
	[tilespmem:$0x18100] =	vst v63  }
0x3e: {  	_ =	swait.ge [sflag:s17], $0x4000  }
0x3f: {  	[sflag:s17] =	ssyncset.done $0x0  }
0x40: {  	[sflag:s17] =	ssyncadd.s32 $0xFFFFC000  }
0x41: {  	[spmem:s2] =	stream.indirect.scatter.add.f32 [tilespmem:s14], [sflag:$0x2], $0x80, s16, s16, $0xb8;
	[tilespmem:$0x18100] =	vst v63  }
0x42: {  	_ =	swait.ge [sflag:s15], $0x4000  }
0x43: {  	s21 =	simm.s32 $0x10;
	s22 =	simm.s32 $0x20;
	[sflag:s15] =	ssyncset.done $0x0  }
.LBB2_4:
0x44: {  	s23 =	sadd.s32 s21, s13  }
0x45: {  	[sflag:s15] =	ssyncadd.s32 $0xFFFFC000;
	s24 =	smov.u32 s22;
	s25 =	sadd.s32 $0x10, s22  }
0x46: {  	[tilespmem:s3], [sflag:$0x2] =	stream.linear.gather [hbm4b:s23+s3], $0x80, $0x38;
	[tilespmem:$0x18100] =	vst v63  }
0x47: {  	p0 =	sne.s32 s22, $0x4F0;
	_ =	swait.ge [sflag:s15], $0x80  }
0x48: {  	[sflag:s15] =	ssyncset.done $0x0  }
0x49: {  	s22 =	sadd.s32 s21, s12;
	s21 =	smov.u32 s24;
	[sflag:s15] =	ssyncadd.s32 $0xFFFFFF80  }
0x4a: {  	[tilespmem:s16], [sflag:$0x2] =	stream.linear.gather [hbm4b:s22+s3], $0x80, $0x38;
	[tilespmem:$0x18100] =	vst v63  }
0x4b: {  	_ =	swait.ge [sflag:s15], $0x80  }
0x4c: {  	[sflag:s15] =	ssyncset.done $0x0  }
0x4d: {  	[sflag:s15] =	ssyncadd.s32 $0xFFFFFF80  }
0x4e: {  	[tilespmem:s14], [sflag:$0x1] =	stream.indirect.gather [hbm4b:s4+s16], $0x80, s3, s16, $0xb8;
	[tilespmem:$0x18100] =	vst v63  }
0x4f: {  	_ =	swait.ge [sflag:s17], $0x4000  }
.Ltmp1:
0x50: {  	[sflag:s17] =	ssyncset.done $0x0;
	(pc) =	sbr.rel @p0 .LBB2_4-.Ltmp1, $4  }
0x51: {  	[sflag:s17] =	ssyncadd.s32 $0xFFFFC000  }
0x52: {  	[spmem:s2] =	stream.indirect.scatter.add.f32 [tilespmem:s14], [sflag:$0x2], $0x80, s16, s16, $0xb8;
	[tilespmem:$0x18100] =	vst v63  }
0x53: {  	_ =	swait.ge [sflag:s15], $0x4000  }
0x54: {  	s22 =	smov.u32 s25;
	[sflag:s15] =	ssyncset.done $0x0  }
0x55: {  	s22 =	sadd.s32 s21, s13;
	[sflag:s15] =	ssyncadd.s32 $0xFFFFC000  }
0x56: {  	[tilespmem:s3], [sflag:$0x2] =	stream.linear.gather [hbm4b:s22+s3], $0x80, $0x38;
	[tilespmem:$0x18100] =	vst v63  }
0x57: {  	_ =	swait.ge [sflag:s15], $0x80  }
0x58: {  	[sflag:s15] =	ssyncset.done $0x0  }
0x59: {  	s31 =	sadd.s32 s21, s12;
	[sflag:s15] =	ssyncadd.s32 $0xFFFFFF80  }
0x5a: {  	[tilespmem:s16], [sflag:$0x2] =	stream.linear.gather [hbm4b:s31+s3], $0x80, $0x38;
	[tilespmem:$0x18100] =	vst v63  }
0x5b: {  	_ =	swait.ge [sflag:s15], $0x80  }
0x5c: {  	[sflag:s15] =	ssyncset.done $0x0  }
0x5d: {  	[sflag:s15] =	ssyncadd.s32 $0xFFFFFF80  }
0x5e: {  	[tilespmem:s14], [sflag:$0x1] =	stream.indirect.gather [hbm4b:s4+s16], $0x80, s3, s16, $0xb8;
	[tilespmem:$0x18100] =	vst v63  }
0x5f: {  	_ =	swait.ge [sflag:s17], $0x4000  }
0x60: {  	[sflag:s17] =	ssyncset.done $0x0  }
0x61: {  	[sflag:s17] =	ssyncadd.s32 $0xFFFFC000  }
0x62: {  	[spmem:s2] =	stream.indirect.scatter.add.f32 [tilespmem:s14], [sflag:$0x2], $0x80, s16, s16, $0xb8;
	[tilespmem:$0x18100] =	vst v63  }
0x63: {  	_ =	swait.ge [sflag:s15], $0x4000  }
0x64: {  	s20 =	sadd.s32 $0x1, s20;
	[sflag:s15] =	ssyncset.done $0x0  }
0x65: {  	p0 =	sne.s32 s20, s11;
	[sflag:s15] =	ssyncadd.s32 $0xFFFFC000  }
.Ltmp2:
0x66: {  	[bflag:$0x0] =	sbarrier.arrive $0xFFFF;
	(pc) =	sbr.rel @p0 .LBB2_1-.Ltmp2, $4  }
0x67: {  	[hbm:s10], [sflag:s18] =	dma.local [spmem:s19], $0x2800  }
0x68: {  	_ =	swait.ge [sflag:s15], $0x2800  }
0x69: {  	[sflag:s15] =	ssyncset.done $0x0  }
0x6a: {  	[sflag:s15] =	ssyncadd.s32 $0xFFFFD800  }
0x6b: {  	_ =	sfence.sel $0x180000  }
0x6c: {  	[bflag:$0x0] =	sbarrier.arrive $0xFFFF  }
0x6d: {  	p0 =	sne.s32 s1, $0x0;
	_ =	strace $0x90000047  }
0x6e: {  	s0 =	sadd.s32 @!p0 $0x100000, s0;
	[bflag:$0x2] =	sbarrier.arrive $0xFFFF  }
0x6f: {  	[sflag:s0] =	ssyncadd.tile.s32 @!p0 $0x1;
	_ =	shalt  }
.Lfunc_end2:
_tile_overlayer_lowered:
.L_overlay_start_2:
0x70: {  	(tag) =	ssettag $0x2  }
0x71: {  	s0 =	rddreg [dreg:$0x0];
	s2 =	stileid.u32  }
0x72: {  	s1 =	rddreg [dreg:$0x1];
	p0 =	sne.s32 s2, $0x0  }
0x73: {  	s3 =	rddreg [dreg:$0x2];
	[bflag:$0x3] =	sbarrier.arrive $0xFFFF;
	s2 =	simm.s32 @!p0 $0x1C02  }
0x74: {  	[timem:s3], [sflag:s2] =	dma.local @!p0 [hbm:s0], s1  }
0x75: {  	s0 =	simm.s32 @!p0 $0x2  }
0x76: {  	_ =	swait.ge @!p0 [sflag:s0], s1  }
0x77: {  	s1 =	ssub.s32 @!p0 $0x0, s1;
	[sflag:s0] =	ssyncset.done @!p0 $0x0  }
0x78: {  	[sflag:s0] =	ssyncadd.s32 @!p0 s1  }
0x79: {  	[bflag:$0x3] =	sbarrier.arrive $0xFFFF  }
0x7a: {  	_ =	shalt  }

// kernel: kernel.19.cloned.1.call-start
scs
__scs_entry_jumppad:
0x0: {  	(pc) =	sbr.rel $0x88, $3  }
0x1: {  	(tag) =	ssettag $0x0;
	lr =	simm.s32 $0x1  }
0x2: {  	[smem:$0x3F86] =	sst lr;
	_ =	strace $0xD0000000  }
0x3: {  	_ = 	snop  }
0x4: {  	_ = 	snop  }
0x5: {  	_ = 	snop  }
0x6: {  	_ = 	snop  }
0x7: {  	_ = 	snop  }
__scs_overlays_trampoline_lowered:
0x8: {  	[smem:$0x3F95] =	sst s0  }
0x9: {  	[smem:$0x3F96] =	sst s1  }
0xa: {  	[smem:$0x3F97] =	sst s2  }
0xb: {  	[smem:$0x3F98] =	sst s3  }
0xc: {  	[smem:$0x3F99] =	sst s4  }
0xd: {  	[smem:$0x3F9A] =	sst s5  }
0xe: {  	[smem:$0x3F9B] =	sst s6  }
0xf: {  	[smem:$0x3F9C] =	sst s7  }
0x10: {  	[smem:$0x3F9D] =	sst s8  }
0x11: {  	[smem:$0x3F9E] =	sst s9;
	s0 =	simm.s32 @!p0 $0x0  }
0x12: {  	s1 =	sld [smem:$0x3F84];
	s0 =	simm.s32 @p0 $0x1  }
0x13: {  	[smem:$0x3F9F] =	sst s0;
	s0 =	simm.s32 @!p1 $0x0  }
0x14: {  	s2 =	sld [smem:$0x3F83];
	s0 =	simm.s32 @p1 $0x1  }
0x15: {  	[smem:$0x3FA0] =	sst s0;
	s0 =	simm.s32 @!p2 $0x0  }
0x16: {  	s3 =	sld [smem:$0x3FDB];
	s0 =	simm.s32 @p2 $0x1  }
0x17: {  	s4 =	simm.s32 $0x1BF5;
	[smem:$0x3FA2] =	sst s0  }
0x18: {  	s0 =	sld [smem:$0x3F85];
	_ =	swait.ge [sflag:s4], $0x0  }
0x19: {  	s7 =	sld [smem:$0x3F86]  }
0x1a: {  	s8 =	sadd.s32 $0xFFFFE003, lr  }
0x1b: {  	s9 =	sadd.s32 $0xFFFFFEF7, lr;
	s5 =	simm.s32 $0xFFFFFFFF;
	p2 =	slt.u32 s8, $0xFFFFF086  }
0x1c: {  	p1 =	slt.u32 s9, $0xF7A;
	s5 =	simm.s32 @!p2 $0x0  }
0x1d: {  	s5 =	simm.s32 @p1 $0x1;
	p0 =	seq.s32 s7, s2  }
0x1e: {  	s7 =	smul.u32 @!p0 $0xF7A, s2;
	p2 =	seq.s32 @!p0 s5, $0x0  }
0x1f: {  	s9 =	smul.u32 $0xF7A, s1;
	s8 =	simm.s32 @!p0 $0x1BF5;
	p2 =	por !p2, p0  }
0x20: {  	[sflag:s8] =	ssyncset.s32 @!p0 $0xFFFFF086;
	s6 =	sadd.s32 @!p0 s3, s7;
	s7 =	simm.s32 @!p0 $0x108  }
0x21: {  	s3 =	sadd.s32 s3, s9;
	s6 =	sadd.s32 @!p0 $0x88, s6;
	s7 =	simm.s32 @p2 $0x1082  }
0x22: {  	[simem:s7], [sflag:s8] =	dma.local @!p0 [hbm:s6], $0xF7A  }
0x23: {  	s9 =	sor.u32 $0xD0000000, s2;
	s6 =	simm.s32 $0x108;
	_ =	swait.ge @!p0 [sflag:s8], $0x0  }
0x24: {  	s3 =	sadd.s32 $0x88, s3;
	s6 =	simm.s32 @!p1 $0x1082;
	[sflag:s4] =	ssyncset.s32 $0xFFFFF086  }
0x25: {  	[simem:s6], [sflag:s4] =	dma.local [hbm:s3], $0xF7A  }
0x26: {  	[smem:$0x3F86] =	sst s1;
	(tag) =	ssettag s2;
	_ =	strace s9  }
0x27: {  	s1 =	sld [smem:$0x3F96]  }
0x28: {  	s2 =	sld [smem:$0x3F97]  }
0x29: {  	s4 =	sld [smem:$0x3F99]  }
0x2a: {  	p0 =	seq.s32 s5, $0x0;
	s5 =	sld [smem:$0x3F9A]  }
0x2b: {  	s6 =	sld [smem:$0x3F9B]  }
0x2c: {  	s7 =	sld [smem:$0x3F9C]  }
0x2d: {  	s3 =	simm.s32 $0x108;
	s8 =	sld [smem:$0x3F9D]  }
0x2e: {  	s3 =	simm.s32 @!p0 $0x1082;
	s9 =	sld [smem:$0x3F9E]  }
0x2f: {  	lr =	sadd.s32 s0, s3;
	s0 =	sld [smem:$0x3F95]  }
0x30: {  	s3 =	sld [smem:$0x3F98]  }
0x31: {  	[smem:$0x3FA1] =	sst s10  }
0x32: {  	s10 =	sld [smem:$0x3F9F];
	_ =	sdelay $0x3  }
0x33: {  	p0 =	seq.s32 s10, $0x1;
	s10 =	sld [smem:$0x3FA1];
	_ =	sdelay $0x3  }
0x34: {  	[smem:$0x3FA1] =	sst s10  }
0x35: {  	s10 =	sld [smem:$0x3FA0];
	_ =	sdelay $0x3  }
0x36: {  	p1 =	seq.s32 s10, $0x1;
	s10 =	sld [smem:$0x3FA1];
	_ =	sdelay $0x3  }
0x37: {  	[smem:$0x3FA1] =	sst s10  }
0x38: {  	s10 =	sld [smem:$0x3FA2]  }
0x39: {  	_ = 	snop;
	(pc) =	sbr.ind lr, $3  }
0x3a: {  	_ = 	snop  }
0x3b: {  	_ = 	snop  }
0x3c: {  	p2 =	seq.s32 s10, $0x1;
	s10 =	sld [smem:$0x3FA1]  }
0x3d: {  	_ =	shalt  }
0x3e: {  	_ =	shalt  }
0x3f: {  	_ =	shalt  }
0x40: {  	_ =	shalt  }
0x41: {  	_ =	shalt  }
0x42: {  	_ =	shalt  }
0x43: {  	_ =	shalt  }
0x44: {  	_ =	shalt  }
0x45: {  	_ =	shalt  }
0x46: {  	_ =	shalt  }
0x47: {  	_ =	shalt  }
0x48: {  	_ =	shalt  }
0x49: {  	_ =	shalt  }
0x4a: {  	_ =	shalt  }
0x4b: {  	_ =	shalt  }
0x4c: {  	_ =	shalt  }
0x4d: {  	_ =	shalt  }
0x4e: {  	_ =	shalt  }
0x4f: {  	_ =	shalt  }
0x50: {  	_ =	shalt  }
0x51: {  	_ =	shalt  }
0x52: {  	_ =	shalt  }
0x53: {  	_ =	shalt  }
0x54: {  	_ =	shalt  }
0x55: {  	_ =	shalt  }
0x56: {  	_ =	shalt  }
0x57: {  	_ =	shalt  }
0x58: {  	_ =	shalt  }
0x59: {  	_ =	shalt  }
0x5a: {  	_ =	shalt  }
0x5b: {  	_ =	shalt  }
0x5c: {  	_ =	shalt  }
0x5d: {  	_ =	shalt  }
0x5e: {  	_ =	shalt  }
0x5f: {  	_ =	shalt  }
0x60: {  	_ =	shalt  }
0x61: {  	_ =	shalt  }
0x62: {  	_ =	shalt  }
0x63: {  	_ =	shalt  }
0x64: {  	_ =	shalt  }
0x65: {  	_ =	shalt  }
0x66: {  	_ =	shalt  }
0x67: {  	_ =	shalt  }
0x68: {  	_ =	shalt  }
0x69: {  	_ =	shalt  }
0x6a: {  	_ =	shalt  }
0x6b: {  	_ =	shalt  }
0x6c: {  	_ =	shalt  }
0x6d: {  	_ =	shalt  }
0x6e: {  	_ =	shalt  }
0x6f: {  	_ =	shalt  }
0x70: {  	_ =	shalt  }
0x71: {  	_ =	shalt  }
0x72: {  	_ =	shalt  }
0x73: {  	_ =	shalt  }
0x74: {  	_ =	shalt  }
0x75: {  	_ =	shalt  }
0x76: {  	_ =	shalt  }
0x77: {  	_ =	shalt  }
0x78: {  	_ =	shalt  }
0x79: {  	_ =	shalt  }
0x7a: {  	_ =	shalt  }
0x7b: {  	_ =	shalt  }
0x7c: {  	_ =	shalt  }
0x7d: {  	_ =	shalt  }
0x7e: {  	_ =	shalt  }
0x7f: {  	_ =	shalt  }
0x80: {  	_ =	shalt  }
0x81: {  	_ =	shalt  }
0x82: {  	_ =	shalt  }
0x83: {  	_ =	shalt  }
0x84: {  	_ =	shalt  }
0x85: {  	_ =	shalt  }
0x86: {  	_ =	shalt  }
0x87: {  	_ =	shalt  }
.Lfunc_end0:
.L_simem_size_0:
called_computation.2_lowered:
.L_overlay_start_0:
0x88: {  	s2 =	sld [smem:$0x3FD9]  }
0x89: {  	s3 =	sld [smem:$0x3FFE];
	_ =	sdelay $0x1  }
0x8a: {  	s1 =	srdreg.scid  }
0x8b: {  	s0 =	sand.u32 $0x1, s1  }
0x8c: {  	s16 =	sshll.u32 s0, $0xA;
	s2 =	sadd.s32 s3, s2  }
0x8d: {  	s2 =	sadd.s32 s2, s16  }
0x8e: {  	[smem:$0x3FAD] =	sst s2  }
0x8f: {  	_ = 	snop  }
0x90: {  	(tm) =	ssettm $0x1  }
0x91: {  	s17 =	sld [smem:$0x3FFB];
	_ =	sdelay $0x3  }
0x92: {  	_ =	strace s17  }
0x93: {  	s2 =	sld [smem:$0x3FFC];
	_ =	sdelay $0x3  }
0x94: {  	_ =	strace s2  }
0x95: {  	s2 =	sld [smem:$0x3FFD];
	_ =	sdelay $0x3  }
0x96: {  	_ =	strace s2  }
0x97: {  	_ =	strace $0x8FFFFFFF  }
0x98: {  	s18 =	sld [smem:$0x3FDB];
	_ =	sdelay $0x1  }
0x99: {  	s19 =	simm.s32 $_scs_section_size  }
0x9a: {  	s4 =	simm.s32 $_size__tile_overlayer_lowered;
	s5 =	simm.s32 $_tile_overlayer_lowered  }
0x9b: {  	s22 =	simm.s32 $0x1BFF;
	s21 =	sshll.u32 s5, $0x1;
	s2 =	sadd.s32 s19, s18  }
0x9c: {  	s6 =	simm.s32 $0x0;
	s20 =	sshll.u32 s4, $0x1;
	s4 =	sadd.s32 s21, s2  }
0x9d: {  	[timem:s6], [sflag:s22] =	dma.local [hbm:s4], s20  }
0x9e: {  	_ =	swait.ge [sflag:s22], s20  }
0x9f: {  	s3 =	ssub.s32 $0x0, s20;
	[sflag:s22] =	ssyncset.done $0x0  }
0xa0: {  	[sflag:s22] =	ssyncadd.s32 s3;
	_ =	sdelay $0x1  }
0xa1: {  	s23 =	simm.s32 $0x1B8B  }
0xa2: {  	_ =	swait.ge [sflag:s23], $0x1  }
0xa3: {  	[sflag:s23] =	ssyncset.done $0x0  }
0xa4: {  	s25 =	simm.s32 $0x1B8E;
	s24 =	sld [smem:$0x3FFE];
	[sflag:s23] =	ssyncadd.s32 $0xFFFFFFFF  }
0xa5: {  	s26 =	simm.s32 $execute0_lowered;
	[smem:$0x3FD2] =	sst s25  }
0xa6: {  	s4 =	sshll.u32 s26, $0x1;
	_ =	strace $0x8000004C;
	[dreg:$0x1] =	wrdreg $0xFFFFFFFF  }
0xa7: {  	s28 =	simm.s32 $_size_execute0_lowered;
	s2 =	sadd.s32 s2, s4;
	[dreg:$0x0] =	wrdreg $0x0  }
0xa8: {  	s4 =	sshll.u32 s28, $0x1;
	[dreg:$0x2] =	wrdreg s2  }
0xa9: {  	[dreg:$0x3] =	wrdreg s4  }
0xaa: {  	[dreg:$0x4] =	wrdreg $0xC0  }
0xab: {  	_ =	task [dreg:s6], $0x5FFFF  }
0xac: {  	[dreg:$0x1] =	wrdreg $0xFFFFFFFF  }
0xad: {  	[dreg:$0x0] =	wrdreg $0x60  }
0xae: {  	[dreg:$0x2] =	wrdreg s24  }
0xaf: {  	[dreg:$0x3] =	wrdreg $0x41000  }
0xb0: {  	[dreg:$0x4] =	wrdreg $0x9  }
0xb1: {  	_ =	task.clear_ibuf [dreg:s6], $0x5FFFF;
	_ =	strace $0x9000004C  }
0xb2: {  	s29 =	simm.s32 $0x9;
	_ =	strace $0x8000004E  }
0xb3: {  	_ =	swait.ge [sflag:s29], $0x1  }
0xb4: {  	[sflag:s29] =	ssyncadd.s32 $0xFFFFFFFF  }
0xb5: {  	_ =	strace $0x9000004E  }
0xb6: {  	_ =	sfence  }
0xb7: {  	s30 =	sld [smem:$0x0];
	_ =	sdelay $0x2  }
0xb8: {  	s31 =	sshll.u32 s1, $0xD;
	s1 =	sshrl.u32 s1, $0x2  }
0xb9: {  	s3 =	sand.u32 $0x4000, s31;
	s1 =	sadd.s32 s1, s30  }
0xba: {  	s0 =	sor.u32 s3, s0;
	s1 =	sshll.u32 s1, $0x11  }
0xbb: {  	s0 =	sor.u32 s1, s0  }
0xbc: {  	s0 =	sadd.s32 $0x8F2B, s0  }
0xbd: {  	[sflag:s0] =	ssyncadd.remote.s32 $0x1  }
0xbe: {  	_ =	sfence.sel $0xFFFF  }
0xbf: {  	[dreg:$0x0] =	wrdreg $0xFFFFFFFF;
	(pc) =	sbr.abs _section_cstart, $3  }
0xc0: {  	[dreg:$0x1] =	wrdreg $0xFFFFFFFF  }
0xc1: {  	_ =	task.clear_ibuf [dreg:s6], $0x2FFFF;
	_ =	strace $0x9FFFFFFF  }
0xc2: {  	(tm) =	ssettm $0x7FFFFFFF  }
0xc3: {  	_ =	shalt  }
tec
execute0_lowered:
.L_overlay_start_1:
0x0: {  	(tag) =	ssettag $0x1  }
0x1: {  	s5 =	rddreg [dreg:$0x0];
	s0 =	srdreg.scid  }
0x2: {  	s2 =	rddreg [dreg:$0x1];
	s1 =	stileid.u32;
	s3 =	simm.s32 $0x0  }
0x3: {  	s15 =	simm.s32 $0x2;
	s16 =	simm.s32 $0x80;
	s7 =	smul.u32 $0x14000, s1  }
0x4: {  	s17 =	simm.s32 $0x1;
	s20 =	simm.s32 $0x0;
	s9 =	smul.u32 $0x50000, s1  }
0x5: {  	s6 =	sand.u32 $0x1, s0;
	s0 =	rddreg [dreg:$0x2];
	s12 =	smul.u32 $0x500, s1  }
0x6: {  	[smem:$0x7FF] =	sst s3;
	s18 =	sshll.u32 s1, $0x6;
	s4 =	smul.u32 $0x140000, s6  }
0x7: {  	s8 =	smul.u32 $0x5000, s6;
	_ =	strace $0x8000004D;
	s6 =	ssub.s32 $0x2, s6  }
0x8: {  	s18 =	sor.u32 $0x1C02, s18;
	s30 =	sshrl.u32 s9, $0x2;
	s31 =	sshrl.u32 s6, $0x1  }
0x9: {  	s7 =	sadd.s32 s7, s4;
	s4 =	sadd.s32 $0x19000, s5;
	s10 =	sadd.s32 s8, s5  }
0xa: {  	s13 =	ssub.s32 s6, s31;
	s7 =	sshrl.u32 s7, $0x3;
	s14 =	sadd.s32 s12, s10  }
0xb: {  	s11 =	sadd.s32 s7, s5;
	s5 =	sadd.s32 s30, s2;
	s12 =	sadd.s32 $0x5000, s14  }
0xc: {  	s6 =	sadd.s32 $0x4000, s5;
	s7 =	sadd.s32 $0x8000, s5;
	s8 =	sadd.s32 $0xC000, s5  }
0xd: {  	s9 =	sadd.s32 $0x10000, s5;
	s10 =	sadd.s32 $0x90200, s11;
	s11 =	smax.u32 s13, $0x1  }
0xe: {  	v0 =	vimm.f32 $0.0e+00;
	s13 =	sadd.s32 $0xF000, s14;
	s14 =	simm.s32 $0x100;
	s19 =	sshrl.u32 s5, $0x3  }
.LBB2_1:
0xf: {  	s21 =	simm.s32 $0x0;
	s22 =	simm.s32 $0x200  }
.LBB2_2:
0x10: {  	p0 =	sne.s32 s22, $0xFE00;
	[tilespmem:s21+$0x170] =	vst v0  }
0x11: {  	[tilespmem:s21+$0x100] =	vst v0  }
0x12: {  	[tilespmem:s21+$0x110] =	vst v0  }
.Ltmp0:
0x13: {  	[tilespmem:s21+$0x120] =	vst v0;
	(pc) =	sbr.rel @p0 .LBB2_2-.Ltmp0, $4  }
0x14: {  	[tilespmem:s21+$0x130] =	vst v0  }
0x15: {  	[tilespmem:s21+$0x140] =	vst v0  }
0x16: {  	[tilespmem:s21+$0x150] =	vst v0  }
0x17: {  	[tilespmem:s21+$0x160] =	vst v0;
	s21 =	sshra.s32 s22, $0x2;
	s22 =	sadd.s32 $0x200, s22  }
0x18: {  	[tilespmem:s21+$0x170] =	vst v0  }
0x19: {  	[tilespmem:s21+$0x100] =	vst v0  }
0x1a: {  	[tilespmem:s21+$0x110] =	vst v0  }
0x1b: {  	[tilespmem:s21+$0x120] =	vst v0  }
0x1c: {  	[tilespmem:s21+$0x130] =	vst v0  }
0x1d: {  	[tilespmem:s21+$0x140] =	vst v0  }
0x1e: {  	[tilespmem:s21+$0x150] =	vst v0  }
0x1f: {  	[tilespmem:s21+$0x160] =	vst v0  }
0x20: {  	[spmem:s5] =	stream.linear.scatter [tilespmem:s14], [sflag:$0x2], $0x4000, $0x38;
	[tilespmem:$0x18100] =	vst v63  }
0x21: {  	_ =	swait.ge [sflag:s15], $0x4000  }
0x22: {  	[sflag:s15] =	ssyncset.done $0x0  }
0x23: {  	[sflag:s15] =	ssyncadd.s32 $0xFFFFC000  }
0x24: {  	[spmem:s6] =	stream.linear.scatter [tilespmem:s14], [sflag:$0x2], $0x4000, $0x38;
	[tilespmem:$0x18100] =	vst v63  }
0x25: {  	_ =	swait.ge [sflag:s15], $0x4000  }
0x26: {  	[sflag:s15] =	ssyncset.done $0x0  }
0x27: {  	[sflag:s15] =	ssyncadd.s32 $0xFFFFC000  }
0x28: {  	[spmem:s7] =	stream.linear.scatter [tilespmem:s14], [sflag:$0x2], $0x4000, $0x38;
	[tilespmem:$0x18100] =	vst v63  }
0x29: {  	_ =	swait.ge [sflag:s15], $0x4000  }
0x2a: {  	[sflag:s15] =	ssyncset.done $0x0  }
0x2b: {  	[sflag:s15] =	ssyncadd.s32 $0xFFFFC000  }
0x2c: {  	[spmem:s8] =	stream.linear.scatter [tilespmem:s14], [sflag:$0x2], $0x4000, $0x38;
	[tilespmem:$0x18100] =	vst v63  }
0x2d: {  	_ =	swait.ge [sflag:s15], $0x4000  }
0x2e: {  	[sflag:s15] =	ssyncset.done $0x0  }
0x2f: {  	[sflag:s15] =	ssyncadd.s32 $0xFFFFC000  }
0x30: {  	[spmem:s9] =	stream.linear.scatter [tilespmem:s14], [sflag:$0x2], $0x4000, $0x38;
	[tilespmem:$0x18100] =	vst v63  }
0x31: {  	_ =	swait.ge [sflag:s15], $0x4000  }
0x32: {  	[sflag:s15] =	ssyncset.done $0x0  }
0x33: {  	[sflag:s15] =	ssyncadd.s32 $0xFFFFC000  }
0x34: {  	s30 =	sadd.s32 $0x0, s13;
	[bflag:$0x0] =	sbarrier.arrive $0xFFFF  }
0x35: {  	[tilespmem:s3], [sflag:$0x2] =	stream.linear.gather [hbm4b:s30+s3], $0x80, $0x38;
	[tilespmem:$0x18100] =	vst v63  }
0x36: {  	_ =	swait.ge [sflag:s15], $0x80  }
0x37: {  	[sflag:s15] =	ssyncset.done $0x0  }
0x38: {  	s31 =	sadd.s32 $0x0, s12;
	[sflag:s15] =	ssyncadd.s32 $0xFFFFFF80  }
0x39: {  	[tilespmem:s16], [sflag:$0x2] =	stream.linear.gather [hbm4b:s31+s3], $0x80, $0x38;
	[tilespmem:$0x18100] =	vst v63  }
0x3a: {  	_ =	swait.ge [sflag:s15], $0x80  }
0x3b: {  	[sflag:s15] =	ssyncset.done $0x0  }
0x3c: {  	[sflag:s15] =	ssyncadd.s32 $0xFFFFFF80  }
0x3d: {  	[tilespmem:s14], [sflag:$0x1] =	stream.indirect.gather [hbm4b:s4+s16], $0x80, s3, s16, $0xb8;
	[tilespmem:$0x18100] =	vst v63  }
0x3e: {  	_ =	swait.ge [sflag:s17], $0x4000  }
0x3f: {  	[sflag:s17] =	ssyncset.done $0x0  }
0x40: {  	[sflag:s17] =	ssyncadd.s32 $0xFFFFC000  }
0x41: {  	[spmem:s2] =	stream.indirect.scatter.add.f32 [tilespmem:s14], [sflag:$0x2], $0x80, s16, s16, $0xb8;
	[tilespmem:$0x18100] =	vst v63  }
0x42: {  	_ =	swait.ge [sflag:s15], $0x4000  }
0x43: {  	s21 =	simm.s32 $0x10;
	s22 =	simm.s32 $0x20;
	[sflag:s15] =	ssyncset.done $0x0  }
.LBB2_4:
0x44: {  	s23 =	sadd.s32 s21, s13  }
0x45: {  	[sflag:s15] =	ssyncadd.s32 $0xFFFFC000;
	s24 =	smov.u32 s22;
	s25 =	sadd.s32 $0x10, s22  }
0x46: {  	[tilespmem:s3], [sflag:$0x2] =	stream.linear.gather [hbm4b:s23+s3], $0x80, $0x38;
	[tilespmem:$0x18100] =	vst v63  }
0x47: {  	p0 =	sne.s32 s22, $0x4F0;
	_ =	swait.ge [sflag:s15], $0x80  }
0x48: {  	[sflag:s15] =	ssyncset.done $0x0  }
0x49: {  	s22 =	sadd.s32 s21, s12;
	s21 =	smov.u32 s24;
	[sflag:s15] =	ssyncadd.s32 $0xFFFFFF80  }
0x4a: {  	[tilespmem:s16], [sflag:$0x2] =	stream.linear.gather [hbm4b:s22+s3], $0x80, $0x38;
	[tilespmem:$0x18100] =	vst v63  }
0x4b: {  	_ =	swait.ge [sflag:s15], $0x80  }
0x4c: {  	[sflag:s15] =	ssyncset.done $0x0  }
0x4d: {  	[sflag:s15] =	ssyncadd.s32 $0xFFFFFF80  }
0x4e: {  	[tilespmem:s14], [sflag:$0x1] =	stream.indirect.gather [hbm4b:s4+s16], $0x80, s3, s16, $0xb8;
	[tilespmem:$0x18100] =	vst v63  }
0x4f: {  	_ =	swait.ge [sflag:s17], $0x4000  }
.Ltmp1:
0x50: {  	[sflag:s17] =	ssyncset.done $0x0;
	(pc) =	sbr.rel @p0 .LBB2_4-.Ltmp1, $4  }
0x51: {  	[sflag:s17] =	ssyncadd.s32 $0xFFFFC000  }
0x52: {  	[spmem:s2] =	stream.indirect.scatter.add.f32 [tilespmem:s14], [sflag:$0x2], $0x80, s16, s16, $0xb8;
	[tilespmem:$0x18100] =	vst v63  }
0x53: {  	_ =	swait.ge [sflag:s15], $0x4000  }
0x54: {  	s22 =	smov.u32 s25;
	[sflag:s15] =	ssyncset.done $0x0  }
0x55: {  	s22 =	sadd.s32 s21, s13;
	[sflag:s15] =	ssyncadd.s32 $0xFFFFC000  }
0x56: {  	[tilespmem:s3], [sflag:$0x2] =	stream.linear.gather [hbm4b:s22+s3], $0x80, $0x38;
	[tilespmem:$0x18100] =	vst v63  }
0x57: {  	_ =	swait.ge [sflag:s15], $0x80  }
0x58: {  	[sflag:s15] =	ssyncset.done $0x0  }
0x59: {  	s31 =	sadd.s32 s21, s12;
	[sflag:s15] =	ssyncadd.s32 $0xFFFFFF80  }
0x5a: {  	[tilespmem:s16], [sflag:$0x2] =	stream.linear.gather [hbm4b:s31+s3], $0x80, $0x38;
	[tilespmem:$0x18100] =	vst v63  }
0x5b: {  	_ =	swait.ge [sflag:s15], $0x80  }
0x5c: {  	[sflag:s15] =	ssyncset.done $0x0  }
0x5d: {  	[sflag:s15] =	ssyncadd.s32 $0xFFFFFF80  }
0x5e: {  	[tilespmem:s14], [sflag:$0x1] =	stream.indirect.gather [hbm4b:s4+s16], $0x80, s3, s16, $0xb8;
	[tilespmem:$0x18100] =	vst v63  }
0x5f: {  	_ =	swait.ge [sflag:s17], $0x4000  }
0x60: {  	[sflag:s17] =	ssyncset.done $0x0  }
0x61: {  	[sflag:s17] =	ssyncadd.s32 $0xFFFFC000  }
0x62: {  	[spmem:s2] =	stream.indirect.scatter.add.f32 [tilespmem:s14], [sflag:$0x2], $0x80, s16, s16, $0xb8;
	[tilespmem:$0x18100] =	vst v63  }
0x63: {  	_ =	swait.ge [sflag:s15], $0x4000  }
0x64: {  	s20 =	sadd.s32 $0x1, s20;
	[sflag:s15] =	ssyncset.done $0x0  }
0x65: {  	p0 =	sne.s32 s20, s11;
	[sflag:s15] =	ssyncadd.s32 $0xFFFFC000  }
.Ltmp2:
0x66: {  	[bflag:$0x0] =	sbarrier.arrive $0xFFFF;
	(pc) =	sbr.rel @p0 .LBB2_1-.Ltmp2, $4  }
0x67: {  	[hbm:s10], [sflag:s18] =	dma.local [spmem:s19], $0x2800  }
0x68: {  	_ =	swait.ge [sflag:s15], $0x2800  }
0x69: {  	[sflag:s15] =	ssyncset.done $0x0  }
0x6a: {  	[sflag:s15] =	ssyncadd.s32 $0xFFFFD800  }
0x6b: {  	_ =	sfence.sel $0x180000  }
0x6c: {  	[bflag:$0x0] =	sbarrier.arrive $0xFFFF  }
0x6d: {  	p0 =	sne.s32 s1, $0x0;
	_ =	strace $0x9000004D  }
0x6e: {  	s0 =	sadd.s32 @!p0 $0x100000, s0;
	[bflag:$0x2] =	sbarrier.arrive $0xFFFF  }
0x6f: {  	[sflag:s0] =	ssyncadd.tile.s32 @!p0 $0x1;
	_ =	shalt  }
.Lfunc_end2:
_tile_overlayer_lowered:
.L_overlay_start_2:
0x70: {  	(tag) =	ssettag $0x2  }
0x71: {  	s0 =	rddreg [dreg:$0x0];
	s2 =	stileid.u32  }
0x72: {  	s1 =	rddreg [dreg:$0x1];
	p0 =	sne.s32 s2, $0x0  }
0x73: {  	s3 =	rddreg [dreg:$0x2];
	[bflag:$0x3] =	sbarrier.arrive $0xFFFF;
	s2 =	simm.s32 @!p0 $0x1C02  }
0x74: {  	[timem:s3], [sflag:s2] =	dma.local @!p0 [hbm:s0], s1  }
0x75: {  	s0 =	simm.s32 @!p0 $0x2  }
0x76: {  	_ =	swait.ge @!p0 [sflag:s0], s1  }
0x77: {  	s1 =	ssub.s32 @!p0 $0x0, s1;
	[sflag:s0] =	ssyncset.done @!p0 $0x0  }
0x78: {  	[sflag:s0] =	ssyncadd.s32 @!p0 s1  }
0x79: {  	[bflag:$0x3] =	sbarrier.arrive $0xFFFF  }
0x7a: {  	_ =	shalt  }

// kernel: kernel.22.cloned.1.call-start
scs
__scs_entry_jumppad:
0x0: {  	(pc) =	sbr.rel $0x88, $3  }
0x1: {  	(tag) =	ssettag $0x0;
	lr =	simm.s32 $0x1  }
0x2: {  	[smem:$0x3F86] =	sst lr;
	_ =	strace $0xD0000000  }
0x3: {  	_ = 	snop  }
0x4: {  	_ = 	snop  }
0x5: {  	_ = 	snop  }
0x6: {  	_ = 	snop  }
0x7: {  	_ = 	snop  }
__scs_overlays_trampoline_lowered:
0x8: {  	[smem:$0x3F95] =	sst s0  }
0x9: {  	[smem:$0x3F96] =	sst s1  }
0xa: {  	[smem:$0x3F97] =	sst s2  }
0xb: {  	[smem:$0x3F98] =	sst s3  }
0xc: {  	[smem:$0x3F99] =	sst s4  }
0xd: {  	[smem:$0x3F9A] =	sst s5  }
0xe: {  	[smem:$0x3F9B] =	sst s6  }
0xf: {  	[smem:$0x3F9C] =	sst s7  }
0x10: {  	[smem:$0x3F9D] =	sst s8  }
0x11: {  	[smem:$0x3F9E] =	sst s9;
	s0 =	simm.s32 @!p0 $0x0  }
0x12: {  	s1 =	sld [smem:$0x3F84];
	s0 =	simm.s32 @p0 $0x1  }
0x13: {  	[smem:$0x3F9F] =	sst s0;
	s0 =	simm.s32 @!p1 $0x0  }
0x14: {  	s2 =	sld [smem:$0x3F83];
	s0 =	simm.s32 @p1 $0x1  }
0x15: {  	[smem:$0x3FA0] =	sst s0;
	s0 =	simm.s32 @!p2 $0x0  }
0x16: {  	s3 =	sld [smem:$0x3FDB];
	s0 =	simm.s32 @p2 $0x1  }
0x17: {  	s4 =	simm.s32 $0x1BF5;
	[smem:$0x3FA2] =	sst s0  }
0x18: {  	s0 =	sld [smem:$0x3F85];
	_ =	swait.ge [sflag:s4], $0x0  }
0x19: {  	s7 =	sld [smem:$0x3F86]  }
0x1a: {  	s8 =	sadd.s32 $0xFFFFE003, lr  }
0x1b: {  	s9 =	sadd.s32 $0xFFFFFEF7, lr;
	s5 =	simm.s32 $0xFFFFFFFF;
	p2 =	slt.u32 s8, $0xFFFFF086  }
0x1c: {  	p1 =	slt.u32 s9, $0xF7A;
	s5 =	simm.s32 @!p2 $0x0  }
0x1d: {  	s5 =	simm.s32 @p1 $0x1;
	p0 =	seq.s32 s7, s2  }
0x1e: {  	s7 =	smul.u32 @!p0 $0xF7A, s2;
	p2 =	seq.s32 @!p0 s5, $0x0  }
0x1f: {  	s9 =	smul.u32 $0xF7A, s1;
	s8 =	simm.s32 @!p0 $0x1BF5;
	p2 =	por !p2, p0  }
0x20: {  	[sflag:s8] =	ssyncset.s32 @!p0 $0xFFFFF086;
	s6 =	sadd.s32 @!p0 s3, s7;
	s7 =	simm.s32 @!p0 $0x108  }
0x21: {  	s3 =	sadd.s32 s3, s9;
	s6 =	sadd.s32 @!p0 $0x88, s6;
	s7 =	simm.s32 @p2 $0x1082  }
0x22: {  	[simem:s7], [sflag:s8] =	dma.local @!p0 [hbm:s6], $0xF7A  }
0x23: {  	s9 =	sor.u32 $0xD0000000, s2;
	s6 =	simm.s32 $0x108;
	_ =	swait.ge @!p0 [sflag:s8], $0x0  }
0x24: {  	s3 =	sadd.s32 $0x88, s3;
	s6 =	simm.s32 @!p1 $0x1082;
	[sflag:s4] =	ssyncset.s32 $0xFFFFF086  }
0x25: {  	[simem:s6], [sflag:s4] =	dma.local [hbm:s3], $0xF7A  }
0x26: {  	[smem:$0x3F86] =	sst s1;
	(tag) =	ssettag s2;
	_ =	strace s9  }
0x27: {  	s1 =	sld [smem:$0x3F96]  }
0x28: {  	s2 =	sld [smem:$0x3F97]  }
0x29: {  	s4 =	sld [smem:$0x3F99]  }
0x2a: {  	p0 =	seq.s32 s5, $0x0;
	s5 =	sld [smem:$0x3F9A]  }
0x2b: {  	s6 =	sld [smem:$0x3F9B]  }
0x2c: {  	s7 =	sld [smem:$0x3F9C]  }
0x2d: {  	s3 =	simm.s32 $0x108;
	s8 =	sld [smem:$0x3F9D]  }
0x2e: {  	s3 =	simm.s32 @!p0 $0x1082;
	s9 =	sld [smem:$0x3F9E]  }
0x2f: {  	lr =	sadd.s32 s0, s3;
	s0 =	sld [smem:$0x3F95]  }
0x30: {  	s3 =	sld [smem:$0x3F98]  }
0x31: {  	[smem:$0x3FA1] =	sst s10  }
0x32: {  	s10 =	sld [smem:$0x3F9F];
	_ =	sdelay $0x3  }
0x33: {  	p0 =	seq.s32 s10, $0x1;
	s10 =	sld [smem:$0x3FA1];
	_ =	sdelay $0x3  }
0x34: {  	[smem:$0x3FA1] =	sst s10  }
0x35: {  	s10 =	sld [smem:$0x3FA0];
	_ =	sdelay $0x3  }
0x36: {  	p1 =	seq.s32 s10, $0x1;
	s10 =	sld [smem:$0x3FA1];
	_ =	sdelay $0x3  }
0x37: {  	[smem:$0x3FA1] =	sst s10  }
0x38: {  	s10 =	sld [smem:$0x3FA2]  }
0x39: {  	_ = 	snop;
	(pc) =	sbr.ind lr, $3  }
0x3a: {  	_ = 	snop  }
0x3b: {  	_ = 	snop  }
0x3c: {  	p2 =	seq.s32 s10, $0x1;
	s10 =	sld [smem:$0x3FA1]  }
0x3d: {  	_ =	shalt  }
0x3e: {  	_ =	shalt  }
0x3f: {  	_ =	shalt  }
0x40: {  	_ =	shalt  }
0x41: {  	_ =	shalt  }
0x42: {  	_ =	shalt  }
0x43: {  	_ =	shalt  }
0x44: {  	_ =	shalt  }
0x45: {  	_ =	shalt  }
0x46: {  	_ =	shalt  }
0x47: {  	_ =	shalt  }
0x48: {  	_ =	shalt  }
0x49: {  	_ =	shalt  }
0x4a: {  	_ =	shalt  }
0x4b: {  	_ =	shalt  }
0x4c: {  	_ =	shalt  }
0x4d: {  	_ =	shalt  }
0x4e: {  	_ =	shalt  }
0x4f: {  	_ =	shalt  }
0x50: {  	_ =	shalt  }
0x51: {  	_ =	shalt  }
0x52: {  	_ =	shalt  }
0x53: {  	_ =	shalt  }
0x54: {  	_ =	shalt  }
0x55: {  	_ =	shalt  }
0x56: {  	_ =	shalt  }
0x57: {  	_ =	shalt  }
0x58: {  	_ =	shalt  }
0x59: {  	_ =	shalt  }
0x5a: {  	_ =	shalt  }
0x5b: {  	_ =	shalt  }
0x5c: {  	_ =	shalt  }
0x5d: {  	_ =	shalt  }
0x5e: {  	_ =	shalt  }
0x5f: {  	_ =	shalt  }
0x60: {  	_ =	shalt  }
0x61: {  	_ =	shalt  }
0x62: {  	_ =	shalt  }
0x63: {  	_ =	shalt  }
0x64: {  	_ =	shalt  }
0x65: {  	_ =	shalt  }
0x66: {  	_ =	shalt  }
0x67: {  	_ =	shalt  }
0x68: {  	_ =	shalt  }
0x69: {  	_ =	shalt  }
0x6a: {  	_ =	shalt  }
0x6b: {  	_ =	shalt  }
0x6c: {  	_ =	shalt  }
0x6d: {  	_ =	shalt  }
0x6e: {  	_ =	shalt  }
0x6f: {  	_ =	shalt  }
0x70: {  	_ =	shalt  }
0x71: {  	_ =	shalt  }
0x72: {  	_ =	shalt  }
0x73: {  	_ =	shalt  }
0x74: {  	_ =	shalt  }
0x75: {  	_ =	shalt  }
0x76: {  	_ =	shalt  }
0x77: {  	_ =	shalt  }
0x78: {  	_ =	shalt  }
0x79: {  	_ =	shalt  }
0x7a: {  	_ =	shalt  }
0x7b: {  	_ =	shalt  }
0x7c: {  	_ =	shalt  }
0x7d: {  	_ =	shalt  }
0x7e: {  	_ =	shalt  }
0x7f: {  	_ =	shalt  }
0x80: {  	_ =	shalt  }
0x81: {  	_ =	shalt  }
0x82: {  	_ =	shalt  }
0x83: {  	_ =	shalt  }
0x84: {  	_ =	shalt  }
0x85: {  	_ =	shalt  }
0x86: {  	_ =	shalt  }
0x87: {  	_ =	shalt  }
.Lfunc_end0:
.L_simem_size_0:
called_computation.3_lowered:
.L_overlay_start_0:
0x88: {  	s2 =	sld [smem:$0x3FD9]  }
0x89: {  	s3 =	sld [smem:$0x3FFE];
	_ =	sdelay $0x1  }
0x8a: {  	s1 =	srdreg.scid  }
0x8b: {  	s0 =	sand.u32 $0x1, s1  }
0x8c: {  	s16 =	sshll.u32 s0, $0xA;
	s2 =	sadd.s32 s3, s2  }
0x8d: {  	s2 =	sadd.s32 s2, s16  }
0x8e: {  	[smem:$0x3FAD] =	sst s2  }
0x8f: {  	_ = 	snop  }
0x90: {  	(tm) =	ssettm $0x1  }
0x91: {  	s17 =	sld [smem:$0x3FFB];
	_ =	sdelay $0x3  }
0x92: {  	_ =	strace s17  }
0x93: {  	s2 =	sld [smem:$0x3FFC];
	_ =	sdelay $0x3  }
0x94: {  	_ =	strace s2  }
0x95: {  	s2 =	sld [smem:$0x3FFD];
	_ =	sdelay $0x3  }
0x96: {  	_ =	strace s2  }
0x97: {  	_ =	strace $0x8FFFFFFF  }
0x98: {  	s18 =	sld [smem:$0x3FDB];
	_ =	sdelay $0x1  }
0x99: {  	s19 =	simm.s32 $_scs_section_size  }
0x9a: {  	s4 =	simm.s32 $_size__tile_overlayer_lowered;
	s5 =	simm.s32 $_tile_overlayer_lowered  }
0x9b: {  	s22 =	simm.s32 $0x1BFF;
	s21 =	sshll.u32 s5, $0x1;
	s2 =	sadd.s32 s19, s18  }
0x9c: {  	s6 =	simm.s32 $0x0;
	s20 =	sshll.u32 s4, $0x1;
	s4 =	sadd.s32 s21, s2  }
0x9d: {  	[timem:s6], [sflag:s22] =	dma.local [hbm:s4], s20  }
0x9e: {  	_ =	swait.ge [sflag:s22], s20  }
0x9f: {  	s3 =	ssub.s32 $0x0, s20;
	[sflag:s22] =	ssyncset.done $0x0  }
0xa0: {  	[sflag:s22] =	ssyncadd.s32 s3;
	_ =	sdelay $0x1  }
0xa1: {  	s23 =	simm.s32 $0x1B8B  }
0xa2: {  	_ =	swait.ge [sflag:s23], $0x1  }
0xa3: {  	[sflag:s23] =	ssyncset.done $0x0  }
0xa4: {  	s25 =	simm.s32 $0x1B8E;
	s24 =	sld [smem:$0x3FFE];
	[sflag:s23] =	ssyncadd.s32 $0xFFFFFFFF  }
0xa5: {  	s26 =	simm.s32 $execute0_lowered;
	[smem:$0x3FD2] =	sst s25  }
0xa6: {  	s4 =	sshll.u32 s26, $0x1;
	_ =	strace $0x8000004F;
	[dreg:$0x1] =	wrdreg $0xFFFFFFFF  }
0xa7: {  	s28 =	simm.s32 $_size_execute0_lowered;
	s2 =	sadd.s32 s2, s4;
	[dreg:$0x0] =	wrdreg $0x0  }
0xa8: {  	s4 =	sshll.u32 s28, $0x1;
	[dreg:$0x2] =	wrdreg s2  }
0xa9: {  	[dreg:$0x3] =	wrdreg s4  }
0xaa: {  	[dreg:$0x4] =	wrdreg $0xC0  }
0xab: {  	_ =	task [dreg:s6], $0x5FFFF  }
0xac: {  	[dreg:$0x1] =	wrdreg $0xFFFFFFFF  }
0xad: {  	[dreg:$0x0] =	wrdreg $0x60  }
0xae: {  	[dreg:$0x2] =	wrdreg s24  }
0xaf: {  	[dreg:$0x3] =	wrdreg $0x41000  }
0xb0: {  	[dreg:$0x4] =	wrdreg $0x9  }
0xb1: {  	_ =	task.clear_ibuf [dreg:s6], $0x5FFFF;
	_ =	strace $0x9000004F  }
0xb2: {  	s29 =	simm.s32 $0x9;
	_ =	strace $0x80000051  }
0xb3: {  	_ =	swait.ge [sflag:s29], $0x1  }
0xb4: {  	[sflag:s29] =	ssyncadd.s32 $0xFFFFFFFF  }
0xb5: {  	_ =	strace $0x90000051  }
0xb6: {  	_ =	sfence  }
0xb7: {  	s30 =	sld [smem:$0x0];
	_ =	sdelay $0x2  }
0xb8: {  	s31 =	sshll.u32 s1, $0xD;
	s1 =	sshrl.u32 s1, $0x2  }
0xb9: {  	s3 =	sand.u32 $0x4000, s31;
	s1 =	sadd.s32 s1, s30  }
0xba: {  	s0 =	sor.u32 s3, s0;
	s1 =	sshll.u32 s1, $0x11  }
0xbb: {  	s0 =	sor.u32 s1, s0  }
0xbc: {  	s0 =	sadd.s32 $0x8F2B, s0  }
0xbd: {  	[sflag:s0] =	ssyncadd.remote.s32 $0x1  }
0xbe: {  	_ =	sfence.sel $0xFFFF  }
0xbf: {  	[dreg:$0x0] =	wrdreg $0xFFFFFFFF;
	(pc) =	sbr.abs _section_cstart, $3  }
0xc0: {  	[dreg:$0x1] =	wrdreg $0xFFFFFFFF  }
0xc1: {  	_ =	task.clear_ibuf [dreg:s6], $0x2FFFF;
	_ =	strace $0x9FFFFFFF  }
0xc2: {  	(tm) =	ssettm $0x7FFFFFFF  }
0xc3: {  	_ =	shalt  }
tec
execute0_lowered:
.L_overlay_start_1:
0x0: {  	(tag) =	ssettag $0x1  }
0x1: {  	s5 =	rddreg [dreg:$0x0];
	s0 =	srdreg.scid  }
0x2: {  	s2 =	rddreg [dreg:$0x1];
	s1 =	stileid.u32;
	s3 =	simm.s32 $0x0  }
0x3: {  	s15 =	simm.s32 $0x2;
	s16 =	simm.s32 $0x80;
	s7 =	smul.u32 $0x14000, s1  }
0x4: {  	s17 =	simm.s32 $0x1;
	s20 =	simm.s32 $0x0;
	s9 =	smul.u32 $0x50000, s1  }
0x5: {  	s6 =	sand.u32 $0x1, s0;
	s0 =	rddreg [dreg:$0x2];
	s12 =	smul.u32 $0x500, s1  }
0x6: {  	[smem:$0x7FF] =	sst s3;
	s18 =	sshll.u32 s1, $0x6;
	s4 =	smul.u32 $0x140000, s6  }
0x7: {  	s8 =	smul.u32 $0x5000, s6;
	_ =	strace $0x80000050;
	s6 =	ssub.s32 $0x2, s6  }
0x8: {  	s18 =	sor.u32 $0x1C02, s18;
	s30 =	sshrl.u32 s9, $0x2;
	s31 =	sshrl.u32 s6, $0x1  }
0x9: {  	s7 =	sadd.s32 s7, s4;
	s4 =	sadd.s32 $0x19000, s5;
	s10 =	sadd.s32 s8, s5  }
0xa: {  	s13 =	ssub.s32 s6, s31;
	s7 =	sshrl.u32 s7, $0x3;
	s14 =	sadd.s32 s12, s10  }
0xb: {  	s11 =	sadd.s32 s7, s5;
	s5 =	sadd.s32 s30, s2;
	s12 =	sadd.s32 $0x5000, s14  }
0xc: {  	s6 =	sadd.s32 $0x4000, s5;
	s7 =	sadd.s32 $0x8000, s5;
	s8 =	sadd.s32 $0xC000, s5  }
0xd: {  	s9 =	sadd.s32 $0x10000, s5;
	s10 =	sadd.s32 $0x90200, s11;
	s11 =	smax.u32 s13, $0x1  }
0xe: {  	v0 =	vimm.f32 $0.0e+00;
	s13 =	sadd.s32 $0xF000, s14;
	s14 =	simm.s32 $0x100;
	s19 =	sshrl.u32 s5, $0x3  }
.LBB2_1:
0xf: {  	s21 =	simm.s32 $0x0;
	s22 =	simm.s32 $0x200  }
.LBB2_2:
0x10: {  	p0 =	sne.s32 s22, $0xFE00;
	[tilespmem:s21+$0x170] =	vst v0  }
0x11: {  	[tilespmem:s21+$0x100] =	vst v0  }
0x12: {  	[tilespmem:s21+$0x110] =	vst v0  }
.Ltmp0:
0x13: {  	[tilespmem:s21+$0x120] =	vst v0;
	(pc) =	sbr.rel @p0 .LBB2_2-.Ltmp0, $4  }
0x14: {  	[tilespmem:s21+$0x130] =	vst v0  }
0x15: {  	[tilespmem:s21+$0x140] =	vst v0  }
0x16: {  	[tilespmem:s21+$0x150] =	vst v0  }
0x17: {  	[tilespmem:s21+$0x160] =	vst v0;
	s21 =	sshra.s32 s22, $0x2;
	s22 =	sadd.s32 $0x200, s22  }
0x18: {  	[tilespmem:s21+$0x170] =	vst v0  }
0x19: {  	[tilespmem:s21+$0x100] =	vst v0  }
0x1a: {  	[tilespmem:s21+$0x110] =	vst v0  }
0x1b: {  	[tilespmem:s21+$0x120] =	vst v0  }
0x1c: {  	[tilespmem:s21+$0x130] =	vst v0  }
0x1d: {  	[tilespmem:s21+$0x140] =	vst v0  }
0x1e: {  	[tilespmem:s21+$0x150] =	vst v0  }
0x1f: {  	[tilespmem:s21+$0x160] =	vst v0  }
0x20: {  	[spmem:s5] =	stream.linear.scatter [tilespmem:s14], [sflag:$0x2], $0x4000, $0x38;
	[tilespmem:$0x18100] =	vst v63  }
0x21: {  	_ =	swait.ge [sflag:s15], $0x4000  }
0x22: {  	[sflag:s15] =	ssyncset.done $0x0  }
0x23: {  	[sflag:s15] =	ssyncadd.s32 $0xFFFFC000  }
0x24: {  	[spmem:s6] =	stream.linear.scatter [tilespmem:s14], [sflag:$0x2], $0x4000, $0x38;
	[tilespmem:$0x18100] =	vst v63  }
0x25: {  	_ =	swait.ge [sflag:s15], $0x4000  }
0x26: {  	[sflag:s15] =	ssyncset.done $0x0  }
0x27: {  	[sflag:s15] =	ssyncadd.s32 $0xFFFFC000  }
0x28: {  	[spmem:s7] =	stream.linear.scatter [tilespmem:s14], [sflag:$0x2], $0x4000, $0x38;
	[tilespmem:$0x18100] =	vst v63  }
0x29: {  	_ =	swait.ge [sflag:s15], $0x4000  }
0x2a: {  	[sflag:s15] =	ssyncset.done $0x0  }
0x2b: {  	[sflag:s15] =	ssyncadd.s32 $0xFFFFC000  }
0x2c: {  	[spmem:s8] =	stream.linear.scatter [tilespmem:s14], [sflag:$0x2], $0x4000, $0x38;
	[tilespmem:$0x18100] =	vst v63  }
0x2d: {  	_ =	swait.ge [sflag:s15], $0x4000  }
0x2e: {  	[sflag:s15] =	ssyncset.done $0x0  }
0x2f: {  	[sflag:s15] =	ssyncadd.s32 $0xFFFFC000  }
0x30: {  	[spmem:s9] =	stream.linear.scatter [tilespmem:s14], [sflag:$0x2], $0x4000, $0x38;
	[tilespmem:$0x18100] =	vst v63  }
0x31: {  	_ =	swait.ge [sflag:s15], $0x4000  }
0x32: {  	[sflag:s15] =	ssyncset.done $0x0  }
0x33: {  	[sflag:s15] =	ssyncadd.s32 $0xFFFFC000  }
0x34: {  	s30 =	sadd.s32 $0x0, s13;
	[bflag:$0x0] =	sbarrier.arrive $0xFFFF  }
0x35: {  	[tilespmem:s3], [sflag:$0x2] =	stream.linear.gather [hbm4b:s30+s3], $0x80, $0x38;
	[tilespmem:$0x18100] =	vst v63  }
0x36: {  	_ =	swait.ge [sflag:s15], $0x80  }
0x37: {  	[sflag:s15] =	ssyncset.done $0x0  }
0x38: {  	s31 =	sadd.s32 $0x0, s12;
	[sflag:s15] =	ssyncadd.s32 $0xFFFFFF80  }
0x39: {  	[tilespmem:s16], [sflag:$0x2] =	stream.linear.gather [hbm4b:s31+s3], $0x80, $0x38;
	[tilespmem:$0x18100] =	vst v63  }
0x3a: {  	_ =	swait.ge [sflag:s15], $0x80  }
0x3b: {  	[sflag:s15] =	ssyncset.done $0x0  }
0x3c: {  	[sflag:s15] =	ssyncadd.s32 $0xFFFFFF80  }
0x3d: {  	[tilespmem:s14], [sflag:$0x1] =	stream.indirect.gather [hbm4b:s4+s16], $0x80, s3, s16, $0xb8;
	[tilespmem:$0x18100] =	vst v63  }
0x3e: {  	_ =	swait.ge [sflag:s17], $0x4000  }
0x3f: {  	[sflag:s17] =	ssyncset.done $0x0  }
0x40: {  	[sflag:s17] =	ssyncadd.s32 $0xFFFFC000  }
0x41: {  	[spmem:s2] =	stream.indirect.scatter.add.f32 [tilespmem:s14], [sflag:$0x2], $0x80, s16, s16, $0xb8;
	[tilespmem:$0x18100] =	vst v63  }
0x42: {  	_ =	swait.ge [sflag:s15], $0x4000  }
0x43: {  	s21 =	simm.s32 $0x10;
	s22 =	simm.s32 $0x20;
	[sflag:s15] =	ssyncset.done $0x0  }
.LBB2_4:
0x44: {  	s23 =	sadd.s32 s21, s13  }
0x45: {  	[sflag:s15] =	ssyncadd.s32 $0xFFFFC000;
	s24 =	smov.u32 s22;
	s25 =	sadd.s32 $0x10, s22  }
0x46: {  	[tilespmem:s3], [sflag:$0x2] =	stream.linear.gather [hbm4b:s23+s3], $0x80, $0x38;
	[tilespmem:$0x18100] =	vst v63  }
0x47: {  	p0 =	sne.s32 s22, $0x4F0;
	_ =	swait.ge [sflag:s15], $0x80  }
0x48: {  	[sflag:s15] =	ssyncset.done $0x0  }
0x49: {  	s22 =	sadd.s32 s21, s12;
	s21 =	smov.u32 s24;
	[sflag:s15] =	ssyncadd.s32 $0xFFFFFF80  }
0x4a: {  	[tilespmem:s16], [sflag:$0x2] =	stream.linear.gather [hbm4b:s22+s3], $0x80, $0x38;
	[tilespmem:$0x18100] =	vst v63  }
0x4b: {  	_ =	swait.ge [sflag:s15], $0x80  }
0x4c: {  	[sflag:s15] =	ssyncset.done $0x0  }
0x4d: {  	[sflag:s15] =	ssyncadd.s32 $0xFFFFFF80  }
0x4e: {  	[tilespmem:s14], [sflag:$0x1] =	stream.indirect.gather [hbm4b:s4+s16], $0x80, s3, s16, $0xb8;
	[tilespmem:$0x18100] =	vst v63  }
0x4f: {  	_ =	swait.ge [sflag:s17], $0x4000  }
.Ltmp1:
0x50: {  	[sflag:s17] =	ssyncset.done $0x0;
	(pc) =	sbr.rel @p0 .LBB2_4-.Ltmp1, $4  }
0x51: {  	[sflag:s17] =	ssyncadd.s32 $0xFFFFC000  }
0x52: {  	[spmem:s2] =	stream.indirect.scatter.add.f32 [tilespmem:s14], [sflag:$0x2], $0x80, s16, s16, $0xb8;
	[tilespmem:$0x18100] =	vst v63  }
0x53: {  	_ =	swait.ge [sflag:s15], $0x4000  }
0x54: {  	s22 =	smov.u32 s25;
	[sflag:s15] =	ssyncset.done $0x0  }
0x55: {  	s22 =	sadd.s32 s21, s13;
	[sflag:s15] =	ssyncadd.s32 $0xFFFFC000  }
0x56: {  	[tilespmem:s3], [sflag:$0x2] =	stream.linear.gather [hbm4b:s22+s3], $0x80, $0x38;
	[tilespmem:$0x18100] =	vst v63  }
0x57: {  	_ =	swait.ge [sflag:s15], $0x80  }
0x58: {  	[sflag:s15] =	ssyncset.done $0x0  }
0x59: {  	s31 =	sadd.s32 s21, s12;
	[sflag:s15] =	ssyncadd.s32 $0xFFFFFF80  }
0x5a: {  	[tilespmem:s16], [sflag:$0x2] =	stream.linear.gather [hbm4b:s31+s3], $0x80, $0x38;
	[tilespmem:$0x18100] =	vst v63  }
0x5b: {  	_ =	swait.ge [sflag:s15], $0x80  }
0x5c: {  	[sflag:s15] =	ssyncset.done $0x0  }
0x5d: {  	[sflag:s15] =	ssyncadd.s32 $0xFFFFFF80  }
0x5e: {  	[tilespmem:s14], [sflag:$0x1] =	stream.indirect.gather [hbm4b:s4+s16], $0x80, s3, s16, $0xb8;
	[tilespmem:$0x18100] =	vst v63  }
0x5f: {  	_ =	swait.ge [sflag:s17], $0x4000  }
0x60: {  	[sflag:s17] =	ssyncset.done $0x0  }
0x61: {  	[sflag:s17] =	ssyncadd.s32 $0xFFFFC000  }
0x62: {  	[spmem:s2] =	stream.indirect.scatter.add.f32 [tilespmem:s14], [sflag:$0x2], $0x80, s16, s16, $0xb8;
	[tilespmem:$0x18100] =	vst v63  }
0x63: {  	_ =	swait.ge [sflag:s15], $0x4000  }
0x64: {  	s20 =	sadd.s32 $0x1, s20;
	[sflag:s15] =	ssyncset.done $0x0  }
0x65: {  	p0 =	sne.s32 s20, s11;
	[sflag:s15] =	ssyncadd.s32 $0xFFFFC000  }
.Ltmp2:
0x66: {  	[bflag:$0x0] =	sbarrier.arrive $0xFFFF;
	(pc) =	sbr.rel @p0 .LBB2_1-.Ltmp2, $4  }
0x67: {  	[hbm:s10], [sflag:s18] =	dma.local [spmem:s19], $0x2800  }
0x68: {  	_ =	swait.ge [sflag:s15], $0x2800  }
0x69: {  	[sflag:s15] =	ssyncset.done $0x0  }
0x6a: {  	[sflag:s15] =	ssyncadd.s32 $0xFFFFD800  }
0x6b: {  	_ =	sfence.sel $0x180000  }
0x6c: {  	[bflag:$0x0] =	sbarrier.arrive $0xFFFF  }
0x6d: {  	p0 =	sne.s32 s1, $0x0;
	_ =	strace $0x90000050  }
0x6e: {  	s0 =	sadd.s32 @!p0 $0x100000, s0;
	[bflag:$0x2] =	sbarrier.arrive $0xFFFF  }
0x6f: {  	[sflag:s0] =	ssyncadd.tile.s32 @!p0 $0x1;
	_ =	shalt  }
.Lfunc_end2:
_tile_overlayer_lowered:
.L_overlay_start_2:
0x70: {  	(tag) =	ssettag $0x2  }
0x71: {  	s0 =	rddreg [dreg:$0x0];
	s2 =	stileid.u32  }
0x72: {  	s1 =	rddreg [dreg:$0x1];
	p0 =	sne.s32 s2, $0x0  }
0x73: {  	s3 =	rddreg [dreg:$0x2];
	[bflag:$0x3] =	sbarrier.arrive $0xFFFF;
	s2 =	simm.s32 @!p0 $0x1C02  }
0x74: {  	[timem:s3], [sflag:s2] =	dma.local @!p0 [hbm:s0], s1  }
0x75: {  	s0 =	simm.s32 @!p0 $0x2  }
0x76: {  	_ =	swait.ge @!p0 [sflag:s0], s1  }
0x77: {  	s1 =	ssub.s32 @!p0 $0x0, s1;
	[sflag:s0] =	ssyncset.done @!p0 $0x0  }
0x78: {  	[sflag:s0] =	ssyncadd.s32 @!p0 s1  }
0x79: {  	[bflag:$0x3] =	sbarrier.arrive $0xFFFF  }
0x7a: {  	_ =	shalt  }

// kernel: kernel.25.cloned.1.call-start
scs
__scs_entry_jumppad:
0x0: {  	(pc) =	sbr.rel $0x88, $3  }
0x1: {  	(tag) =	ssettag $0x0;
	lr =	simm.s32 $0x1  }
0x2: {  	[smem:$0x3F86] =	sst lr;
	_ =	strace $0xD0000000  }
0x3: {  	_ = 	snop  }
0x4: {  	_ = 	snop  }
0x5: {  	_ = 	snop  }
0x6: {  	_ = 	snop  }
0x7: {  	_ = 	snop  }
__scs_overlays_trampoline_lowered:
0x8: {  	[smem:$0x3F95] =	sst s0  }
0x9: {  	[smem:$0x3F96] =	sst s1  }
0xa: {  	[smem:$0x3F97] =	sst s2  }
0xb: {  	[smem:$0x3F98] =	sst s3  }
0xc: {  	[smem:$0x3F99] =	sst s4  }
0xd: {  	[smem:$0x3F9A] =	sst s5  }
0xe: {  	[smem:$0x3F9B] =	sst s6  }
0xf: {  	[smem:$0x3F9C] =	sst s7  }
0x10: {  	[smem:$0x3F9D] =	sst s8  }
0x11: {  	[smem:$0x3F9E] =	sst s9;
	s0 =	simm.s32 @!p0 $0x0  }
0x12: {  	s1 =	sld [smem:$0x3F84];
	s0 =	simm.s32 @p0 $0x1  }
0x13: {  	[smem:$0x3F9F] =	sst s0;
	s0 =	simm.s32 @!p1 $0x0  }
0x14: {  	s2 =	sld [smem:$0x3F83];
	s0 =	simm.s32 @p1 $0x1  }
0x15: {  	[smem:$0x3FA0] =	sst s0;
	s0 =	simm.s32 @!p2 $0x0  }
0x16: {  	s3 =	sld [smem:$0x3FDB];
	s0 =	simm.s32 @p2 $0x1  }
0x17: {  	s4 =	simm.s32 $0x1BF5;
	[smem:$0x3FA2] =	sst s0  }
0x18: {  	s0 =	sld [smem:$0x3F85];
	_ =	swait.ge [sflag:s4], $0x0  }
0x19: {  	s7 =	sld [smem:$0x3F86]  }
0x1a: {  	s8 =	sadd.s32 $0xFFFFE003, lr  }
0x1b: {  	s9 =	sadd.s32 $0xFFFFFEF7, lr;
	s5 =	simm.s32 $0xFFFFFFFF;
	p2 =	slt.u32 s8, $0xFFFFF086  }
0x1c: {  	p1 =	slt.u32 s9, $0xF7A;
	s5 =	simm.s32 @!p2 $0x0  }
0x1d: {  	s5 =	simm.s32 @p1 $0x1;
	p0 =	seq.s32 s7, s2  }
0x1e: {  	s7 =	smul.u32 @!p0 $0xF7A, s2;
	p2 =	seq.s32 @!p0 s5, $0x0  }
0x1f: {  	s9 =	smul.u32 $0xF7A, s1;
	s8 =	simm.s32 @!p0 $0x1BF5;
	p2 =	por !p2, p0  }
0x20: {  	[sflag:s8] =	ssyncset.s32 @!p0 $0xFFFFF086;
	s6 =	sadd.s32 @!p0 s3, s7;
	s7 =	simm.s32 @!p0 $0x108  }
0x21: {  	s3 =	sadd.s32 s3, s9;
	s6 =	sadd.s32 @!p0 $0x88, s6;
	s7 =	simm.s32 @p2 $0x1082  }
0x22: {  	[simem:s7], [sflag:s8] =	dma.local @!p0 [hbm:s6], $0xF7A  }
0x23: {  	s9 =	sor.u32 $0xD0000000, s2;
	s6 =	simm.s32 $0x108;
	_ =	swait.ge @!p0 [sflag:s8], $0x0  }
0x24: {  	s3 =	sadd.s32 $0x88, s3;
	s6 =	simm.s32 @!p1 $0x1082;
	[sflag:s4] =	ssyncset.s32 $0xFFFFF086  }
0x25: {  	[simem:s6], [sflag:s4] =	dma.local [hbm:s3], $0xF7A  }
0x26: {  	[smem:$0x3F86] =	sst s1;
	(tag) =	ssettag s2;
	_ =	strace s9  }
0x27: {  	s1 =	sld [smem:$0x3F96]  }
0x28: {  	s2 =	sld [smem:$0x3F97]  }
0x29: {  	s4 =	sld [smem:$0x3F99]  }
0x2a: {  	p0 =	seq.s32 s5, $0x0;
	s5 =	sld [smem:$0x3F9A]  }
0x2b: {  	s6 =	sld [smem:$0x3F9B]  }
0x2c: {  	s7 =	sld [smem:$0x3F9C]  }
0x2d: {  	s3 =	simm.s32 $0x108;
	s8 =	sld [smem:$0x3F9D]  }
0x2e: {  	s3 =	simm.s32 @!p0 $0x1082;
	s9 =	sld [smem:$0x3F9E]  }
0x2f: {  	lr =	sadd.s32 s0, s3;
	s0 =	sld [smem:$0x3F95]  }
0x30: {  	s3 =	sld [smem:$0x3F98]  }
0x31: {  	[smem:$0x3FA1] =	sst s10  }
0x32: {  	s10 =	sld [smem:$0x3F9F];
	_ =	sdelay $0x3  }
0x33: {  	p0 =	seq.s32 s10, $0x1;
	s10 =	sld [smem:$0x3FA1];
	_ =	sdelay $0x3  }
0x34: {  	[smem:$0x3FA1] =	sst s10  }
0x35: {  	s10 =	sld [smem:$0x3FA0];
	_ =	sdelay $0x3  }
0x36: {  	p1 =	seq.s32 s10, $0x1;
	s10 =	sld [smem:$0x3FA1];
	_ =	sdelay $0x3  }
0x37: {  	[smem:$0x3FA1] =	sst s10  }
0x38: {  	s10 =	sld [smem:$0x3FA2]  }
0x39: {  	_ = 	snop;
	(pc) =	sbr.ind lr, $3  }
0x3a: {  	_ = 	snop  }
0x3b: {  	_ = 	snop  }
0x3c: {  	p2 =	seq.s32 s10, $0x1;
	s10 =	sld [smem:$0x3FA1]  }
0x3d: {  	_ =	shalt  }
0x3e: {  	_ =	shalt  }
0x3f: {  	_ =	shalt  }
0x40: {  	_ =	shalt  }
0x41: {  	_ =	shalt  }
0x42: {  	_ =	shalt  }
0x43: {  	_ =	shalt  }
0x44: {  	_ =	shalt  }
0x45: {  	_ =	shalt  }
0x46: {  	_ =	shalt  }
0x47: {  	_ =	shalt  }
0x48: {  	_ =	shalt  }
0x49: {  	_ =	shalt  }
0x4a: {  	_ =	shalt  }
0x4b: {  	_ =	shalt  }
0x4c: {  	_ =	shalt  }
0x4d: {  	_ =	shalt  }
0x4e: {  	_ =	shalt  }
0x4f: {  	_ =	shalt  }
0x50: {  	_ =	shalt  }
0x51: {  	_ =	shalt  }
0x52: {  	_ =	shalt  }
0x53: {  	_ =	shalt  }
0x54: {  	_ =	shalt  }
0x55: {  	_ =	shalt  }
0x56: {  	_ =	shalt  }
0x57: {  	_ =	shalt  }
0x58: {  	_ =	shalt  }
0x59: {  	_ =	shalt  }
0x5a: {  	_ =	shalt  }
0x5b: {  	_ =	shalt  }
0x5c: {  	_ =	shalt  }
0x5d: {  	_ =	shalt  }
0x5e: {  	_ =	shalt  }
0x5f: {  	_ =	shalt  }
0x60: {  	_ =	shalt  }
0x61: {  	_ =	shalt  }
0x62: {  	_ =	shalt  }
0x63: {  	_ =	shalt  }
0x64: {  	_ =	shalt  }
0x65: {  	_ =	shalt  }
0x66: {  	_ =	shalt  }
0x67: {  	_ =	shalt  }
0x68: {  	_ =	shalt  }
0x69: {  	_ =	shalt  }
0x6a: {  	_ =	shalt  }
0x6b: {  	_ =	shalt  }
0x6c: {  	_ =	shalt  }
0x6d: {  	_ =	shalt  }
0x6e: {  	_ =	shalt  }
0x6f: {  	_ =	shalt  }
0x70: {  	_ =	shalt  }
0x71: {  	_ =	shalt  }
0x72: {  	_ =	shalt  }
0x73: {  	_ =	shalt  }
0x74: {  	_ =	shalt  }
0x75: {  	_ =	shalt  }
0x76: {  	_ =	shalt  }
0x77: {  	_ =	shalt  }
0x78: {  	_ =	shalt  }
0x79: {  	_ =	shalt  }
0x7a: {  	_ =	shalt  }
0x7b: {  	_ =	shalt  }
0x7c: {  	_ =	shalt  }
0x7d: {  	_ =	shalt  }
0x7e: {  	_ =	shalt  }
0x7f: {  	_ =	shalt  }
0x80: {  	_ =	shalt  }
0x81: {  	_ =	shalt  }
0x82: {  	_ =	shalt  }
0x83: {  	_ =	shalt  }
0x84: {  	_ =	shalt  }
0x85: {  	_ =	shalt  }
0x86: {  	_ =	shalt  }
0x87: {  	_ =	shalt  }
.Lfunc_end0:
.L_simem_size_0:
called_computation.4_lowered:
.L_overlay_start_0:
0x88: {  	s2 =	sld [smem:$0x3FD9]  }
0x89: {  	s3 =	sld [smem:$0x3FFE];
	_ =	sdelay $0x1  }
0x8a: {  	s1 =	srdreg.scid  }
0x8b: {  	s0 =	sand.u32 $0x1, s1  }
0x8c: {  	s16 =	sshll.u32 s0, $0xA;
	s2 =	sadd.s32 s3, s2  }
0x8d: {  	s2 =	sadd.s32 s2, s16  }
0x8e: {  	[smem:$0x3FAD] =	sst s2  }
0x8f: {  	_ = 	snop  }
0x90: {  	(tm) =	ssettm $0x1  }
0x91: {  	s17 =	sld [smem:$0x3FFB];
	_ =	sdelay $0x3  }
0x92: {  	_ =	strace s17  }
0x93: {  	s2 =	sld [smem:$0x3FFC];
	_ =	sdelay $0x3  }
0x94: {  	_ =	strace s2  }
0x95: {  	s2 =	sld [smem:$0x3FFD];
	_ =	sdelay $0x3  }
0x96: {  	_ =	strace s2  }
0x97: {  	_ =	strace $0x8FFFFFFF  }
0x98: {  	s18 =	sld [smem:$0x3FDB];
	_ =	sdelay $0x1  }
0x99: {  	s19 =	simm.s32 $_scs_section_size  }
0x9a: {  	s4 =	simm.s32 $_size__tile_overlayer_lowered;
	s5 =	simm.s32 $_tile_overlayer_lowered  }
0x9b: {  	s22 =	simm.s32 $0x1BFF;
	s21 =	sshll.u32 s5, $0x1;
	s2 =	sadd.s32 s19, s18  }
0x9c: {  	s6 =	simm.s32 $0x0;
	s20 =	sshll.u32 s4, $0x1;
	s4 =	sadd.s32 s21, s2  }
0x9d: {  	[timem:s6], [sflag:s22] =	dma.local [hbm:s4], s20  }
0x9e: {  	_ =	swait.ge [sflag:s22], s20  }
0x9f: {  	s3 =	ssub.s32 $0x0, s20;
	[sflag:s22] =	ssyncset.done $0x0  }
0xa0: {  	[sflag:s22] =	ssyncadd.s32 s3;
	_ =	sdelay $0x1  }
0xa1: {  	s23 =	simm.s32 $0x1B8B  }
0xa2: {  	_ =	swait.ge [sflag:s23], $0x1  }
0xa3: {  	[sflag:s23] =	ssyncset.done $0x0  }
0xa4: {  	s25 =	simm.s32 $0x1B8E;
	s24 =	sld [smem:$0x3FFE];
	[sflag:s23] =	ssyncadd.s32 $0xFFFFFFFF  }
0xa5: {  	s26 =	simm.s32 $execute0_lowered;
	[smem:$0x3FD2] =	sst s25  }
0xa6: {  	s4 =	sshll.u32 s26, $0x1;
	_ =	strace $0x80000052;
	[dreg:$0x1] =	wrdreg $0xFFFFFFFF  }
0xa7: {  	s28 =	simm.s32 $_size_execute0_lowered;
	s2 =	sadd.s32 s2, s4;
	[dreg:$0x0] =	wrdreg $0x0  }
0xa8: {  	s4 =	sshll.u32 s28, $0x1;
	[dreg:$0x2] =	wrdreg s2  }
0xa9: {  	[dreg:$0x3] =	wrdreg s4  }
0xaa: {  	[dreg:$0x4] =	wrdreg $0xC0  }
0xab: {  	_ =	task [dreg:s6], $0x5FFFF  }
0xac: {  	[dreg:$0x1] =	wrdreg $0xFFFFFFFF  }
0xad: {  	[dreg:$0x0] =	wrdreg $0x60  }
0xae: {  	[dreg:$0x2] =	wrdreg s24  }
0xaf: {  	[dreg:$0x3] =	wrdreg $0x41000  }
0xb0: {  	[dreg:$0x4] =	wrdreg $0x9  }
0xb1: {  	_ =	task.clear_ibuf [dreg:s6], $0x5FFFF;
	_ =	strace $0x90000052  }
0xb2: {  	s29 =	simm.s32 $0x9;
	_ =	strace $0x80000054  }
0xb3: {  	_ =	swait.ge [sflag:s29], $0x1  }
0xb4: {  	[sflag:s29] =	ssyncadd.s32 $0xFFFFFFFF  }
0xb5: {  	_ =	strace $0x90000054  }
0xb6: {  	_ =	sfence  }
0xb7: {  	s30 =	sld [smem:$0x0];
	_ =	sdelay $0x2  }
0xb8: {  	s31 =	sshll.u32 s1, $0xD;
	s1 =	sshrl.u32 s1, $0x2  }
0xb9: {  	s3 =	sand.u32 $0x4000, s31;
	s1 =	sadd.s32 s1, s30  }
0xba: {  	s0 =	sor.u32 s3, s0;
	s1 =	sshll.u32 s1, $0x11  }
0xbb: {  	s0 =	sor.u32 s1, s0  }
0xbc: {  	s0 =	sadd.s32 $0x8F2B, s0  }
0xbd: {  	[sflag:s0] =	ssyncadd.remote.s32 $0x1  }
0xbe: {  	_ =	sfence.sel $0xFFFF  }
0xbf: {  	[dreg:$0x0] =	wrdreg $0xFFFFFFFF;
	(pc) =	sbr.abs _section_cstart, $3  }
0xc0: {  	[dreg:$0x1] =	wrdreg $0xFFFFFFFF  }
0xc1: {  	_ =	task.clear_ibuf [dreg:s6], $0x2FFFF;
	_ =	strace $0x9FFFFFFF  }
0xc2: {  	(tm) =	ssettm $0x7FFFFFFF  }
0xc3: {  	_ =	shalt  }
tec
execute0_lowered:
.L_overlay_start_1:
0x0: {  	(tag) =	ssettag $0x1  }
0x1: {  	s5 =	rddreg [dreg:$0x0];
	s0 =	srdreg.scid  }
0x2: {  	s2 =	rddreg [dreg:$0x1];
	s1 =	stileid.u32;
	s3 =	simm.s32 $0x0  }
0x3: {  	s15 =	simm.s32 $0x2;
	s16 =	simm.s32 $0x80;
	s7 =	smul.u32 $0x14000, s1  }
0x4: {  	s17 =	simm.s32 $0x1;
	s20 =	simm.s32 $0x0;
	s9 =	smul.u32 $0x50000, s1  }
0x5: {  	s6 =	sand.u32 $0x1, s0;
	s0 =	rddreg [dreg:$0x2];
	s12 =	smul.u32 $0x500, s1  }
0x6: {  	[smem:$0x7FF] =	sst s3;
	s18 =	sshll.u32 s1, $0x6;
	s4 =	smul.u32 $0x140000, s6  }
0x7: {  	s8 =	smul.u32 $0x5000, s6;
	_ =	strace $0x80000053;
	s6 =	ssub.s32 $0x2, s6  }
0x8: {  	s18 =	sor.u32 $0x1C02, s18;
	s30 =	sshrl.u32 s9, $0x2;
	s31 =	sshrl.u32 s6, $0x1  }
0x9: {  	s7 =	sadd.s32 s7, s4;
	s4 =	sadd.s32 $0x19000, s5;
	s10 =	sadd.s32 s8, s5  }
0xa: {  	s13 =	ssub.s32 s6, s31;
	s7 =	sshrl.u32 s7, $0x3;
	s14 =	sadd.s32 s12, s10  }
0xb: {  	s11 =	sadd.s32 s7, s5;
	s5 =	sadd.s32 s30, s2;
	s12 =	sadd.s32 $0x5000, s14  }
0xc: {  	s6 =	sadd.s32 $0x4000, s5;
	s7 =	sadd.s32 $0x8000, s5;
	s8 =	sadd.s32 $0xC000, s5  }
0xd: {  	s9 =	sadd.s32 $0x10000, s5;
	s10 =	sadd.s32 $0x90200, s11;
	s11 =	smax.u32 s13, $0x1  }
0xe: {  	v0 =	vimm.f32 $0.0e+00;
	s13 =	sadd.s32 $0xF000, s14;
	s14 =	simm.s32 $0x100;
	s19 =	sshrl.u32 s5, $0x3  }
.LBB2_1:
0xf: {  	s21 =	simm.s32 $0x0;
	s22 =	simm.s32 $0x200  }
.LBB2_2:
0x10: {  	p0 =	sne.s32 s22, $0xFE00;
	[tilespmem:s21+$0x170] =	vst v0  }
0x11: {  	[tilespmem:s21+$0x100] =	vst v0  }
0x12: {  	[tilespmem:s21+$0x110] =	vst v0  }
.Ltmp0:
0x13: {  	[tilespmem:s21+$0x120] =	vst v0;
	(pc) =	sbr.rel @p0 .LBB2_2-.Ltmp0, $4  }
0x14: {  	[tilespmem:s21+$0x130] =	vst v0  }
0x15: {  	[tilespmem:s21+$0x140] =	vst v0  }
0x16: {  	[tilespmem:s21+$0x150] =	vst v0  }
0x17: {  	[tilespmem:s21+$0x160] =	vst v0;
	s21 =	sshra.s32 s22, $0x2;
	s22 =	sadd.s32 $0x200, s22  }
0x18: {  	[tilespmem:s21+$0x170] =	vst v0  }
0x19: {  	[tilespmem:s21+$0x100] =	vst v0  }
0x1a: {  	[tilespmem:s21+$0x110] =	vst v0  }
0x1b: {  	[tilespmem:s21+$0x120] =	vst v0  }
0x1c: {  	[tilespmem:s21+$0x130] =	vst v0  }
0x1d: {  	[tilespmem:s21+$0x140] =	vst v0  }
0x1e: {  	[tilespmem:s21+$0x150] =	vst v0  }
0x1f: {  	[tilespmem:s21+$0x160] =	vst v0  }
0x20: {  	[spmem:s5] =	stream.linear.scatter [tilespmem:s14], [sflag:$0x2], $0x4000, $0x38;
	[tilespmem:$0x18100] =	vst v63  }
0x21: {  	_ =	swait.ge [sflag:s15], $0x4000  }
0x22: {  	[sflag:s15] =	ssyncset.done $0x0  }
0x23: {  	[sflag:s15] =	ssyncadd.s32 $0xFFFFC000  }
0x24: {  	[spmem:s6] =	stream.linear.scatter [tilespmem:s14], [sflag:$0x2], $0x4000, $0x38;
	[tilespmem:$0x18100] =	vst v63  }
0x25: {  	_ =	swait.ge [sflag:s15], $0x4000  }
0x26: {  	[sflag:s15] =	ssyncset.done $0x0  }
0x27: {  	[sflag:s15] =	ssyncadd.s32 $0xFFFFC000  }
0x28: {  	[spmem:s7] =	stream.linear.scatter [tilespmem:s14], [sflag:$0x2], $0x4000, $0x38;
	[tilespmem:$0x18100] =	vst v63  }
0x29: {  	_ =	swait.ge [sflag:s15], $0x4000  }
0x2a: {  	[sflag:s15] =	ssyncset.done $0x0  }
0x2b: {  	[sflag:s15] =	ssyncadd.s32 $0xFFFFC000  }
0x2c: {  	[spmem:s8] =	stream.linear.scatter [tilespmem:s14], [sflag:$0x2], $0x4000, $0x38;
	[tilespmem:$0x18100] =	vst v63  }
0x2d: {  	_ =	swait.ge [sflag:s15], $0x4000  }
0x2e: {  	[sflag:s15] =	ssyncset.done $0x0  }
0x2f: {  	[sflag:s15] =	ssyncadd.s32 $0xFFFFC000  }
0x30: {  	[spmem:s9] =	stream.linear.scatter [tilespmem:s14], [sflag:$0x2], $0x4000, $0x38;
	[tilespmem:$0x18100] =	vst v63  }
0x31: {  	_ =	swait.ge [sflag:s15], $0x4000  }
0x32: {  	[sflag:s15] =	ssyncset.done $0x0  }
0x33: {  	[sflag:s15] =	ssyncadd.s32 $0xFFFFC000  }
0x34: {  	s30 =	sadd.s32 $0x0, s13;
	[bflag:$0x0] =	sbarrier.arrive $0xFFFF  }
0x35: {  	[tilespmem:s3], [sflag:$0x2] =	stream.linear.gather [hbm4b:s30+s3], $0x80, $0x38;
	[tilespmem:$0x18100] =	vst v63  }
0x36: {  	_ =	swait.ge [sflag:s15], $0x80  }
0x37: {  	[sflag:s15] =	ssyncset.done $0x0  }
0x38: {  	s31 =	sadd.s32 $0x0, s12;
	[sflag:s15] =	ssyncadd.s32 $0xFFFFFF80  }
0x39: {  	[tilespmem:s16], [sflag:$0x2] =	stream.linear.gather [hbm4b:s31+s3], $0x80, $0x38;
	[tilespmem:$0x18100] =	vst v63  }
0x3a: {  	_ =	swait.ge [sflag:s15], $0x80  }
0x3b: {  	[sflag:s15] =	ssyncset.done $0x0  }
0x3c: {  	[sflag:s15] =	ssyncadd.s32 $0xFFFFFF80  }
0x3d: {  	[tilespmem:s14], [sflag:$0x1] =	stream.indirect.gather [hbm4b:s4+s16], $0x80, s3, s16, $0xb8;
	[tilespmem:$0x18100] =	vst v63  }
0x3e: {  	_ =	swait.ge [sflag:s17], $0x4000  }
0x3f: {  	[sflag:s17] =	ssyncset.done $0x0  }
0x40: {  	[sflag:s17] =	ssyncadd.s32 $0xFFFFC000  }
0x41: {  	[spmem:s2] =	stream.indirect.scatter.add.f32 [tilespmem:s14], [sflag:$0x2], $0x80, s16, s16, $0xb8;
	[tilespmem:$0x18100] =	vst v63  }
0x42: {  	_ =	swait.ge [sflag:s15], $0x4000  }
0x43: {  	s21 =	simm.s32 $0x10;
	s22 =	simm.s32 $0x20;
	[sflag:s15] =	ssyncset.done $0x0  }
.LBB2_4:
0x44: {  	s23 =	sadd.s32 s21, s13  }
0x45: {  	[sflag:s15] =	ssyncadd.s32 $0xFFFFC000;
	s24 =	smov.u32 s22;
	s25 =	sadd.s32 $0x10, s22  }
0x46: {  	[tilespmem:s3], [sflag:$0x2] =	stream.linear.gather [hbm4b:s23+s3], $0x80, $0x38;
	[tilespmem:$0x18100] =	vst v63  }
0x47: {  	p0 =	sne.s32 s22, $0x4F0;
	_ =	swait.ge [sflag:s15], $0x80  }
0x48: {  	[sflag:s15] =	ssyncset.done $0x0  }
0x49: {  	s22 =	sadd.s32 s21, s12;
	s21 =	smov.u32 s24;
	[sflag:s15] =	ssyncadd.s32 $0xFFFFFF80  }
0x4a: {  	[tilespmem:s16], [sflag:$0x2] =	stream.linear.gather [hbm4b:s22+s3], $0x80, $0x38;
	[tilespmem:$0x18100] =	vst v63  }
0x4b: {  	_ =	swait.ge [sflag:s15], $0x80  }
0x4c: {  	[sflag:s15] =	ssyncset.done $0x0  }
0x4d: {  	[sflag:s15] =	ssyncadd.s32 $0xFFFFFF80  }
0x4e: {  	[tilespmem:s14], [sflag:$0x1] =	stream.indirect.gather [hbm4b:s4+s16], $0x80, s3, s16, $0xb8;
	[tilespmem:$0x18100] =	vst v63  }
0x4f: {  	_ =	swait.ge [sflag:s17], $0x4000  }
.Ltmp1:
0x50: {  	[sflag:s17] =	ssyncset.done $0x0;
	(pc) =	sbr.rel @p0 .LBB2_4-.Ltmp1, $4  }
0x51: {  	[sflag:s17] =	ssyncadd.s32 $0xFFFFC000  }
0x52: {  	[spmem:s2] =	stream.indirect.scatter.add.f32 [tilespmem:s14], [sflag:$0x2], $0x80, s16, s16, $0xb8;
	[tilespmem:$0x18100] =	vst v63  }
0x53: {  	_ =	swait.ge [sflag:s15], $0x4000  }
0x54: {  	s22 =	smov.u32 s25;
	[sflag:s15] =	ssyncset.done $0x0  }
0x55: {  	s22 =	sadd.s32 s21, s13;
	[sflag:s15] =	ssyncadd.s32 $0xFFFFC000  }
0x56: {  	[tilespmem:s3], [sflag:$0x2] =	stream.linear.gather [hbm4b:s22+s3], $0x80, $0x38;
	[tilespmem:$0x18100] =	vst v63  }
0x57: {  	_ =	swait.ge [sflag:s15], $0x80  }
0x58: {  	[sflag:s15] =	ssyncset.done $0x0  }
0x59: {  	s31 =	sadd.s32 s21, s12;
	[sflag:s15] =	ssyncadd.s32 $0xFFFFFF80  }
0x5a: {  	[tilespmem:s16], [sflag:$0x2] =	stream.linear.gather [hbm4b:s31+s3], $0x80, $0x38;
	[tilespmem:$0x18100] =	vst v63  }
0x5b: {  	_ =	swait.ge [sflag:s15], $0x80  }
0x5c: {  	[sflag:s15] =	ssyncset.done $0x0  }
0x5d: {  	[sflag:s15] =	ssyncadd.s32 $0xFFFFFF80  }
0x5e: {  	[tilespmem:s14], [sflag:$0x1] =	stream.indirect.gather [hbm4b:s4+s16], $0x80, s3, s16, $0xb8;
	[tilespmem:$0x18100] =	vst v63  }
0x5f: {  	_ =	swait.ge [sflag:s17], $0x4000  }
0x60: {  	[sflag:s17] =	ssyncset.done $0x0  }
0x61: {  	[sflag:s17] =	ssyncadd.s32 $0xFFFFC000  }
0x62: {  	[spmem:s2] =	stream.indirect.scatter.add.f32 [tilespmem:s14], [sflag:$0x2], $0x80, s16, s16, $0xb8;
	[tilespmem:$0x18100] =	vst v63  }
0x63: {  	_ =	swait.ge [sflag:s15], $0x4000  }
0x64: {  	s20 =	sadd.s32 $0x1, s20;
	[sflag:s15] =	ssyncset.done $0x0  }
0x65: {  	p0 =	sne.s32 s20, s11;
	[sflag:s15] =	ssyncadd.s32 $0xFFFFC000  }
.Ltmp2:
0x66: {  	[bflag:$0x0] =	sbarrier.arrive $0xFFFF;
	(pc) =	sbr.rel @p0 .LBB2_1-.Ltmp2, $4  }
0x67: {  	[hbm:s10], [sflag:s18] =	dma.local [spmem:s19], $0x2800  }
0x68: {  	_ =	swait.ge [sflag:s15], $0x2800  }
0x69: {  	[sflag:s15] =	ssyncset.done $0x0  }
0x6a: {  	[sflag:s15] =	ssyncadd.s32 $0xFFFFD800  }
0x6b: {  	_ =	sfence.sel $0x180000  }
0x6c: {  	[bflag:$0x0] =	sbarrier.arrive $0xFFFF  }
0x6d: {  	p0 =	sne.s32 s1, $0x0;
	_ =	strace $0x90000053  }
0x6e: {  	s0 =	sadd.s32 @!p0 $0x100000, s0;
	[bflag:$0x2] =	sbarrier.arrive $0xFFFF  }
0x6f: {  	[sflag:s0] =	ssyncadd.tile.s32 @!p0 $0x1;
	_ =	shalt  }
.Lfunc_end2:
_tile_overlayer_lowered:
.L_overlay_start_2:
0x70: {  	(tag) =	ssettag $0x2  }
0x71: {  	s0 =	rddreg [dreg:$0x0];
	s2 =	stileid.u32  }
0x72: {  	s1 =	rddreg [dreg:$0x1];
	p0 =	sne.s32 s2, $0x0  }
0x73: {  	s3 =	rddreg [dreg:$0x2];
	[bflag:$0x3] =	sbarrier.arrive $0xFFFF;
	s2 =	simm.s32 @!p0 $0x1C02  }
0x74: {  	[timem:s3], [sflag:s2] =	dma.local @!p0 [hbm:s0], s1  }
0x75: {  	s0 =	simm.s32 @!p0 $0x2  }
0x76: {  	_ =	swait.ge @!p0 [sflag:s0], s1  }
0x77: {  	s1 =	ssub.s32 @!p0 $0x0, s1;
	[sflag:s0] =	ssyncset.done @!p0 $0x0  }
0x78: {  	[sflag:s0] =	ssyncadd.s32 @!p0 s1  }
0x79: {  	[bflag:$0x3] =	sbarrier.arrive $0xFFFF  }
0x7a: {  	_ =	shalt  }

</sc_bundles>
